<compile_context>
chip_gen: v7x
topology: tpu7x:2x2x1
jax: 0.10.2.dev20260603
libtpu: 0.0.44.dev20260713+nightly
codegen_flags: <defaults>
</compile_context>

<pallas_src>
import functools

import jax
import jax.numpy as jnp
from jax import lax
from jax.experimental import pallas as pl
from jax.experimental.pallas import tpu as pltpu
from jax.experimental.pallas import tpu_sc as plsc

B = 16384
L = 20
EMB = 32
TYPE_V = 101
AUD_V = 21
NC = 2
NS = 16
NW = NC * NS
BPW = B // NW

_mesh = plsc.VectorSubcoreMesh(
    core_axis_name="c", subcore_axis_name="s", num_cores=NC, num_subcores=NS
)

_f32 = jnp.float32


@functools.partial(
    pl.kernel,
    out_type=jax.ShapeDtypeStruct((B, 3 * EMB), _f32),
    mesh=_mesh,
    compiler_params=pltpu.CompilerParams(use_tc_tiling_on_sc=False),
    scratch_types=[
        pltpu.VMEM((L, 1, BPW), jnp.int32),
        pltpu.VMEM((BPW,), jnp.int32),
        pltpu.VMEM((BPW,), jnp.int32),
        pltpu.VMEM((BPW, EMB), _f32),
        pltpu.VMEM((TYPE_V, EMB), _f32),
        pltpu.VMEM((AUD_V, EMB), _f32),
        pltpu.VMEM((BPW,), _f32),
        pltpu.VMEM((BPW,), _f32),
        pltpu.VMEM((EMB,), _f32),
        pltpu.VMEM((BPW, 3 * EMB), _f32),
        pltpu.SemaphoreType.DMA,
    ],
)
def _sc_embed(
    gidx_hbm, tid_hbm, aid_hbm, gtab, ttab, atab, out_hbm,
    gid_v, tid_v, aid_v, acc_v, ttab_v, atab_v, n0_v, rec_v, row0_v,
    out_v, gsem,
):
    wid = lax.axis_index("c") * NS + lax.axis_index("s")
    base = wid * BPW

    pltpu.sync_copy(gidx_hbm.at[:, pl.ds(wid, 1), :], gid_v)

    pltpu.async_copy(gtab.at[gid_v.at[0, 0]], acc_v, gsem)

    pltpu.sync_copy(tid_hbm.at[pl.ds(base, BPW)], tid_v)
    pltpu.sync_copy(aid_hbm.at[pl.ds(base, BPW)], aid_v)
    pltpu.sync_copy(ttab, ttab_v)
    pltpu.sync_copy(atab, atab_v)
    pltpu.sync_copy(gtab.at[0], row0_v)

    pltpu.make_async_copy(gtab.at[gid_v.at[0, 0]], acc_v, gsem).wait()

    def fire(l, _):
        pltpu.async_copy(gtab.at[gid_v.at[l, 0]], acc_v, gsem, add=True)
        return 0

    lax.fori_loop(1, L, fire, 0)

    def count_body(g, _):
        off = g * 16
        acc = jnp.zeros((16,), _f32)
        for l in range(L):
            ids = gid_v[l, 0, pl.ds(off, 16)]
            acc = acc + jnp.where(ids == 0, 1.0, 0.0).astype(_f32)
        n0_v[pl.ds(off, 16)] = acc
        cnt = jnp.float32(L) - acc
        rec_v[pl.ds(off, 16)] = jnp.where(
            cnt > 0.5, jnp.float32(1.0) / cnt, jnp.float32(0.0)
        )
        tidg = tid_v[pl.ds(off, 16)]
        aidg = aid_v[pl.ds(off, 16)]
        for j in range(16):
            r = off + j
            t = tidg[j]
            a = aidg[j]
            out_v[r, pl.ds(EMB, 16)] = ttab_v[t, pl.ds(0, 16)]
            out_v[r, pl.ds(EMB + 16, 16)] = ttab_v[t, pl.ds(16, 16)]
            out_v[r, pl.ds(2 * EMB, 16)] = atab_v[a, pl.ds(0, 16)]
            out_v[r, pl.ds(2 * EMB + 16, 16)] = atab_v[a, pl.ds(16, 16)]
        return 0

    lax.fori_loop(0, BPW // 16, count_body, 0)

    def drain(l, _):
        pltpu.make_async_copy(gtab.at[gid_v.at[0, 0]], acc_v, gsem).wait()
        return 0

    lax.fori_loop(1, L, drain, 0)

    r0a = row0_v[pl.ds(0, 16)]
    r0b = row0_v[pl.ds(16, 16)]

    def norm(g, _):
        off = g * 16
        n0g = n0_v[pl.ds(off, 16)]
        recg = rec_v[pl.ds(off, 16)]
        for j in range(16):
            r = off + j
            n0 = n0g[j]
            rec = recg[j]
            v0 = acc_v[r, pl.ds(0, 16)]
            v1 = acc_v[r, pl.ds(16, 16)]
            out_v[r, pl.ds(0, 16)] = (v0 - n0 * r0a) * rec
            out_v[r, pl.ds(16, 16)] = (v1 - n0 * r0b) * rec
        return 0

    lax.fori_loop(0, BPW // 16, norm, 0)

    pltpu.sync_copy(out_v, out_hbm.at[pl.ds(base, BPW), :])


def kernel(genre_ids, type_ids, audience_ids, genre_table, type_table,
           audience_table):
    gids = genre_ids.astype(jnp.int32)
    tids = type_ids.astype(jnp.int32)
    aids = audience_ids.astype(jnp.int32)
    gidx = gids.T.reshape(L, NW, BPW)
    return _sc_embed(gidx, tids, aids, genre_table, type_table,
                     audience_table)

# --- scband reference (transcript-rebuilt; emitter-appended) ---
"""Pipeline reference for scband-user-model-60644938219653 (READ-ONLY COPY).

The authoritative reference and input builder live on the scoring server;
editing this copy changes nothing except your own understanding.
"""

import jax, jax.numpy as jnp
import numpy as np

B = 16384
L = 20
GENRE_VOCAB = 10000
TYPE_VOCAB = 101
AUD_VOCAB = 21
EMB = 32


def setup_inputs(seed: int = 0) -> dict:
    key = jax.random.key(seed)
    k1, k2, k3, k4, k5, k6 = jax.random.split(key, 6)
    # Pre-tokenized inputs (TextVectorization / StringLookup replaced by int ids).
    # genre_ids uses 0 as the padding/mask id (mask_zero=True in Embedding).
    genre_ids = jax.random.randint(k1, (B, L), 0, GENRE_VOCAB, dtype=jnp.int32).astype(jnp.int64)
    type_ids = jax.random.randint(k2, (B,), 0, TYPE_VOCAB, dtype=jnp.int32).astype(jnp.int64)
    audience_ids = jax.random.randint(k3, (B,), 0, AUD_VOCAB, dtype=jnp.int32).astype(jnp.int64)
    genre_table = jax.random.normal(k4, (GENRE_VOCAB, EMB), dtype=jnp.float32) * 0.05
    type_table = jax.random.normal(k5, (TYPE_VOCAB, EMB), dtype=jnp.float32) * 0.05
    audience_table = jax.random.normal(k6, (AUD_VOCAB, EMB), dtype=jnp.float32) * 0.05
    return {
        "genre_ids": genre_ids,
        "type_ids": type_ids,
        "audience_ids": audience_ids,
        "genre_table": genre_table,
        "type_table": type_table,
        "audience_table": audience_table,
    }


def reference(genre_ids, type_ids, audience_ids, genre_table, type_table, audience_table):
    # genre branch: Embedding(mask_zero=True) + GlobalAveragePooling1D (masked mean)
    g_emb = jnp.take(genre_table, genre_ids, axis=0)          # [B, L, EMB]
    mask = (genre_ids != 0).astype(jnp.float32)[..., None]     # [B, L, 1]
    g_sum = jnp.sum(g_emb * mask, axis=1)                      # [B, EMB]
    g_cnt = jnp.maximum(jnp.sum(mask, axis=1), 1e-9)           # [B, 1]
    g_pooled = g_sum / g_cnt                                   # [B, EMB]
    # type branch: StringLookup -> Embedding
    t_emb = jnp.take(type_table, type_ids, axis=0)             # [B, EMB]
    # audience branch: StringLookup -> Embedding
    a_emb = jnp.take(audience_table, audience_ids, axis=0)     # [B, EMB]
    return jnp.concatenate([g_pooled, t_emb, a_emb], axis=1)   # [B, 96]

if __name__ == "__main__":
    import jax
    _d = setup_inputs()
    print(jax.jit(kernel)(*tuple(_d.values())))

</pallas_src>

<mosaic_0001>
#map = affine_map<(d0, d1) -> (0, 0, 0)>
#map1 = affine_map<(d0, d1) -> (0)>
#map2 = affine_map<(d0, d1) -> (0, 0)>
module attributes {stable_mosaic.version = 14 : i64} {
  func.func @_sc_embed(%arg0: i32, %arg1: i32, %arg2: memref<20x32x512xi32, #tpu.memory_space<hbm>>, %arg3: memref<16384xi32, #tpu.memory_space<hbm>>, %arg4: memref<16384xi32, #tpu.memory_space<hbm>>, %arg5: memref<10000x32xf32, #tpu.memory_space<hbm>>, %arg6: memref<101x32xf32, #tpu.memory_space<hbm>>, %arg7: memref<21x32xf32, #tpu.memory_space<hbm>>, %arg8: memref<16384x96xf32, #tpu.memory_space<hbm>>, %arg9: memref<20x1x512xi32, #tpu.memory_space<vmem>>, %arg10: memref<512xi32, #tpu.memory_space<vmem>>, %arg11: memref<512xi32, #tpu.memory_space<vmem>>, %arg12: memref<512x32xf32, #tpu.memory_space<vmem>>, %arg13: memref<101x32xf32, #tpu.memory_space<vmem>>, %arg14: memref<21x32xf32, #tpu.memory_space<vmem>>, %arg15: memref<512xf32, #tpu.memory_space<vmem>>, %arg16: memref<512xf32, #tpu.memory_space<vmem>>, %arg17: memref<32xf32, #tpu.memory_space<vmem>>, %arg18: memref<512x96xf32, #tpu.memory_space<vmem>>, %arg19: memref<!tpu.dma_semaphore, #tpu.memory_space<semaphore_mem>>) attributes {dimension_semantics = [#tpu.dimension_semantics<core_parallel>, #tpu.dimension_semantics<subcore_parallel>], iteration_bounds = array<i64: 2, 16>, scalar_prefetch = 0 : i64, scratch_operands = 11 : i64, tpu.core_type = #tpu.core_type<sc_vector_subcore>, window_params = [{transform_indices = #map}, {transform_indices = #map1}, {transform_indices = #map1}, {transform_indices = #map2}, {transform_indices = #map2}, {transform_indices = #map2}, {transform_indices = #map2}]} {
    %mul3A = arith.constant 16 : i32
    %mul3A_0 = arith.muli %arg0, %mul3A : i32
    %add3A = arith.addi %mul3A_0, %arg1 : i32
    %mul3A_1 = arith.constant 512 : i32
    %mul3A_2 = arith.muli %add3A, %mul3A_1 : i32
    "tpu.region"() ({
      %run_scoped3A_49 = tpu.sem_alloc : memref<!tpu.dma_semaphore, #tpu.memory_space<semaphore_mem>>
      %dma_start3A_50 = arith.constant 0 : i32
      %dma_start3A_51 = arith.constant 0 : i32
      %dma_start3A_52 = tpu.memref_slice %arg2[%dma_start3A_50, %add3A, %dma_start3A_51] : memref<20x32x512xi32, #tpu.memory_space<hbm>> -> memref<20x1x512xi32, #tpu.memory_space<hbm>>
      %dma_start3A_53 = arith.constant 0 : i32
      %dma_start3A_54 = arith.constant 0 : i32
      %dma_start3A_55 = tpu.memref_slice %arg2[%dma_start3A_53, %add3A, %dma_start3A_54] : memref<20x32x512xi32, #tpu.memory_space<hbm>> -> memref<20x1x512xi32, #tpu.memory_space<hbm>>
      tpu.enqueue_dma source(%dma_start3A_55 : memref<20x1x512xi32, #tpu.memory_space<hbm>>) target(%arg9 : memref<20x1x512xi32, #tpu.memory_space<vmem>>) target_semaphore(%run_scoped3A_49 : memref<!tpu.dma_semaphore, #tpu.memory_space<semaphore_mem>>)
      %dma_wait3A_56 = arith.constant 0 : i32
      %dma_wait3A_57 = arith.constant 0 : i32
      %dma_wait3A_58 = tpu.memref_slice %arg2[%dma_wait3A_56, %add3A, %dma_wait3A_57] : memref<20x32x512xi32, #tpu.memory_space<hbm>> -> memref<20x1x512xi32, #tpu.memory_space<hbm>>
      %dma_wait3A_59 = arith.constant 0 : i32
      %dma_wait3A_60 = arith.constant 0 : i32
      %dma_wait3A_61 = tpu.memref_slice %arg2[%dma_wait3A_59, %add3A, %dma_wait3A_60] : memref<20x32x512xi32, #tpu.memory_space<hbm>> -> memref<20x1x512xi32, #tpu.memory_space<hbm>>
      tpu.wait_dma2 semaphore(%run_scoped3A_49 : memref<!tpu.dma_semaphore, #tpu.memory_space<semaphore_mem>>) src(%dma_wait3A_61 : memref<20x1x512xi32, #tpu.memory_space<hbm>>) dst(%arg9 : memref<20x1x512xi32, #tpu.memory_space<vmem>>)
      tpu.yield
    }) : () -> ()
    %dma_start3A = arith.constant 0 : i32
    %dma_start3A_3 = arith.constant 0 : i32
    %dma_start3A_4 = arith.constant 0 : i32
    %dma_start3A_5 = tpu.memref_slice %arg9[%dma_start3A, %dma_start3A_3, %dma_start3A_4] : memref<20x1x512xi32, #tpu.memory_space<vmem>> -> memref<1x1x512xi32, #tpu.memory_space<vmem>>
    %dma_start3A_6 = tpu.memref_squeeze %dma_start3A_5 : memref<1x1x512xi32, #tpu.memory_space<vmem>> -> memref<512xi32, #tpu.memory_space<vmem>>
    %dma_start3A_7 = arith.constant 0 : i32
    %dma_start3A_8 = arith.constant 0 : i32
    %dma_start3A_9 = tpu.memref_slice %arg5[%dma_start3A_7, %dma_start3A_8] : memref<10000x32xf32, #tpu.memory_space<hbm>> -> memref<10000x32xf32, #tpu.memory_space<hbm>>
    tpu.enqueue_indirect_dma source(%dma_start3A_9 : memref<10000x32xf32, #tpu.memory_space<hbm>>) target(%arg12 : memref<512x32xf32, #tpu.memory_space<vmem>>) offsets(%dma_start3A_6 : memref<512xi32, #tpu.memory_space<vmem>>) semaphore(%arg19 : memref<!tpu.dma_semaphore, #tpu.memory_space<semaphore_mem>>)
    "tpu.region"() ({
      %run_scoped3A_49 = tpu.sem_alloc : memref<!tpu.dma_semaphore, #tpu.memory_space<semaphore_mem>>
      %dma_start3A_50 = tpu.memref_slice %arg3[%mul3A_2] : memref<16384xi32, #tpu.memory_space<hbm>> -> memref<512xi32, #tpu.memory_space<hbm>>
      %dma_start3A_51 = tpu.memref_slice %arg3[%mul3A_2] : memref<16384xi32, #tpu.memory_space<hbm>> -> memref<512xi32, #tpu.memory_space<hbm>>
      tpu.enqueue_dma source(%dma_start3A_51 : memref<512xi32, #tpu.memory_space<hbm>>) target(%arg10 : memref<512xi32, #tpu.memory_space<vmem>>) target_semaphore(%run_scoped3A_49 : memref<!tpu.dma_semaphore, #tpu.memory_space<semaphore_mem>>)
      %dma_wait3A_52 = tpu.memref_slice %arg3[%mul3A_2] : memref<16384xi32, #tpu.memory_space<hbm>> -> memref<512xi32, #tpu.memory_space<hbm>>
      %dma_wait3A_53 = tpu.memref_slice %arg3[%mul3A_2] : memref<16384xi32, #tpu.memory_space<hbm>> -> memref<512xi32, #tpu.memory_space<hbm>>
      tpu.wait_dma2 semaphore(%run_scoped3A_49 : memref<!tpu.dma_semaphore, #tpu.memory_space<semaphore_mem>>) src(%dma_wait3A_53 : memref<512xi32, #tpu.memory_space<hbm>>) dst(%arg10 : memref<512xi32, #tpu.memory_space<vmem>>)
      tpu.yield
    }) : () -> ()
    "tpu.region"() ({
      %run_scoped3A_49 = tpu.sem_alloc : memref<!tpu.dma_semaphore, #tpu.memory_space<semaphore_mem>>
      %dma_start3A_50 = tpu.memref_slice %arg4[%mul3A_2] : memref<16384xi32, #tpu.memory_space<hbm>> -> memref<512xi32, #tpu.memory_space<hbm>>
      %dma_start3A_51 = tpu.memref_slice %arg4[%mul3A_2] : memref<16384xi32, #tpu.memory_space<hbm>> -> memref<512xi32, #tpu.memory_space<hbm>>
      tpu.enqueue_dma source(%dma_start3A_51 : memref<512xi32, #tpu.memory_space<hbm>>) target(%arg11 : memref<512xi32, #tpu.memory_space<vmem>>) target_semaphore(%run_scoped3A_49 : memref<!tpu.dma_semaphore, #tpu.memory_space<semaphore_mem>>)
      %dma_wait3A_52 = tpu.memref_slice %arg4[%mul3A_2] : memref<16384xi32, #tpu.memory_space<hbm>> -> memref<512xi32, #tpu.memory_space<hbm>>
      %dma_wait3A_53 = tpu.memref_slice %arg4[%mul3A_2] : memref<16384xi32, #tpu.memory_space<hbm>> -> memref<512xi32, #tpu.memory_space<hbm>>
      tpu.wait_dma2 semaphore(%run_scoped3A_49 : memref<!tpu.dma_semaphore, #tpu.memory_space<semaphore_mem>>) src(%dma_wait3A_53 : memref<512xi32, #tpu.memory_space<hbm>>) dst(%arg11 : memref<512xi32, #tpu.memory_space<vmem>>)
      tpu.yield
    }) : () -> ()
    "tpu.region"() ({
      %run_scoped3A_49 = tpu.sem_alloc : memref<!tpu.dma_semaphore, #tpu.memory_space<semaphore_mem>>
      tpu.enqueue_dma source(%arg6 : memref<101x32xf32, #tpu.memory_space<hbm>>) target(%arg13 : memref<101x32xf32, #tpu.memory_space<vmem>>) target_semaphore(%run_scoped3A_49 : memref<!tpu.dma_semaphore, #tpu.memory_space<semaphore_mem>>)
      tpu.wait_dma2 semaphore(%run_scoped3A_49 : memref<!tpu.dma_semaphore, #tpu.memory_space<semaphore_mem>>) src(%arg6 : memref<101x32xf32, #tpu.memory_space<hbm>>) dst(%arg13 : memref<101x32xf32, #tpu.memory_space<vmem>>)
      tpu.yield
    }) : () -> ()
    "tpu.region"() ({
      %run_scoped3A_49 = tpu.sem_alloc : memref<!tpu.dma_semaphore, #tpu.memory_space<semaphore_mem>>
      tpu.enqueue_dma source(%arg7 : memref<21x32xf32, #tpu.memory_space<hbm>>) target(%arg14 : memref<21x32xf32, #tpu.memory_space<vmem>>) target_semaphore(%run_scoped3A_49 : memref<!tpu.dma_semaphore, #tpu.memory_space<semaphore_mem>>)
      tpu.wait_dma2 semaphore(%run_scoped3A_49 : memref<!tpu.dma_semaphore, #tpu.memory_space<semaphore_mem>>) src(%arg7 : memref<21x32xf32, #tpu.memory_space<hbm>>) dst(%arg14 : memref<21x32xf32, #tpu.memory_space<vmem>>)
      tpu.yield
    }) : () -> ()
    %run_scoped3A = arith.constant 0 : i32
    "tpu.region"() ({
      %run_scoped3A_49 = tpu.sem_alloc : memref<!tpu.dma_semaphore, #tpu.memory_space<semaphore_mem>>
      %dma_start3A_50 = arith.constant 0 : i32
      %dma_start3A_51 = tpu.memref_slice %arg5[%run_scoped3A, %dma_start3A_50] : memref<10000x32xf32, #tpu.memory_space<hbm>> -> memref<1x32xf32, #tpu.memory_space<hbm>>
      %dma_start3A_52 = tpu.memref_squeeze %dma_start3A_51 : memref<1x32xf32, #tpu.memory_space<hbm>> -> memref<32xf32, #tpu.memory_space<hbm>>
      %dma_start3A_53 = arith.constant 0 : i32
      %dma_start3A_54 = tpu.memref_slice %arg5[%run_scoped3A, %dma_start3A_53] : memref<10000x32xf32, #tpu.memory_space<hbm>> -> memref<1x32xf32, #tpu.memory_space<hbm>>
      %dma_start3A_55 = tpu.memref_squeeze %dma_start3A_54 : memref<1x32xf32, #tpu.memory_space<hbm>> -> memref<32xf32, #tpu.memory_space<hbm>>
      tpu.enqueue_dma source(%dma_start3A_55 : memref<32xf32, #tpu.memory_space<hbm>>) target(%arg17 : memref<32xf32, #tpu.memory_space<vmem>>) target_semaphore(%run_scoped3A_49 : memref<!tpu.dma_semaphore, #tpu.memory_space<semaphore_mem>>)
      %dma_wait3A_56 = arith.constant 0 : i32
      %dma_wait3A_57 = tpu.memref_slice %arg5[%run_scoped3A, %dma_wait3A_56] : memref<10000x32xf32, #tpu.memory_space<hbm>> -> memref<1x32xf32, #tpu.memory_space<hbm>>
      %dma_wait3A_58 = tpu.memref_squeeze %dma_wait3A_57 : memref<1x32xf32, #tpu.memory_space<hbm>> -> memref<32xf32, #tpu.memory_space<hbm>>
      %dma_wait3A_59 = arith.constant 0 : i32
      %dma_wait3A_60 = tpu.memref_slice %arg5[%run_scoped3A, %dma_wait3A_59] : memref<10000x32xf32, #tpu.memory_space<hbm>> -> memref<1x32xf32, #tpu.memory_space<hbm>>
      %dma_wait3A_61 = tpu.memref_squeeze %dma_wait3A_60 : memref<1x32xf32, #tpu.memory_space<hbm>> -> memref<32xf32, #tpu.memory_space<hbm>>
      tpu.wait_dma2 semaphore(%run_scoped3A_49 : memref<!tpu.dma_semaphore, #tpu.memory_space<semaphore_mem>>) src(%dma_wait3A_61 : memref<32xf32, #tpu.memory_space<hbm>>) dst(%arg17 : memref<32xf32, #tpu.memory_space<vmem>>)
      tpu.yield
    }) : () -> ()
    %dma_wait3A = arith.constant 0 : i32
    %dma_wait3A_10 = arith.constant 0 : i32
    %dma_wait3A_11 = arith.constant 0 : i32
    %dma_wait3A_12 = tpu.memref_slice %arg9[%dma_wait3A, %dma_wait3A_10, %dma_wait3A_11] : memref<20x1x512xi32, #tpu.memory_space<vmem>> -> memref<1x1x512xi32, #tpu.memory_space<vmem>>
    %dma_wait3A_13 = tpu.memref_squeeze %dma_wait3A_12 : memref<1x1x512xi32, #tpu.memory_space<vmem>> -> memref<512xi32, #tpu.memory_space<vmem>>
    %dma_wait3A_14 = arith.constant 0 : i32
    %dma_wait3A_15 = arith.constant 0 : i32
    %dma_wait3A_16 = tpu.memref_slice %arg5[%dma_wait3A_14, %dma_wait3A_15] : memref<10000x32xf32, #tpu.memory_space<hbm>> -> memref<10000x32xf32, #tpu.memory_space<hbm>>
    tpu.wait_indirect_dma semaphore(%arg19 : memref<!tpu.dma_semaphore, #tpu.memory_space<semaphore_mem>>) src(%dma_wait3A_16 : memref<10000x32xf32, #tpu.memory_space<hbm>>) dst(%arg12 : memref<512x32xf32, #tpu.memory_space<vmem>>)
    %scan3A = arith.constant 0 : i32
    %scan3A_17 = arith.constant 1 : i32
    %scan3A_18 = arith.constant 19 : i32
    %scan3A_19 = arith.addi %scan3A_17, %scan3A_18 : i32
    %scan3A_20 = arith.constant 1 : i32
    %scan3A_21 = scf.for %scan3A_49 = %scan3A_17 to %scan3A_19 step %scan3A_20 iter_args(%scan3A_50 = %scan3A) -> (i32)  : i32 {
      %dma_start3A_51 = arith.constant 0 : i32
      %dma_start3A_52 = arith.constant 0 : i32
      %dma_start3A_53 = tpu.memref_slice %arg9[%scan3A_49, %dma_start3A_51, %dma_start3A_52] : memref<20x1x512xi32, #tpu.memory_space<vmem>> -> memref<1x1x512xi32, #tpu.memory_space<vmem>>
      %dma_start3A_54 = tpu.memref_squeeze %dma_start3A_53 : memref<1x1x512xi32, #tpu.memory_space<vmem>> -> memref<512xi32, #tpu.memory_space<vmem>>
      %dma_start3A_55 = arith.constant 0 : i32
      %dma_start3A_56 = arith.constant 0 : i32
      %dma_start3A_57 = tpu.memref_slice %arg5[%dma_start3A_55, %dma_start3A_56] : memref<10000x32xf32, #tpu.memory_space<hbm>> -> memref<10000x32xf32, #tpu.memory_space<hbm>>
      tpu.enqueue_indirect_dma source(%dma_start3A_57 : memref<10000x32xf32, #tpu.memory_space<hbm>>) target(%arg12 : memref<512x32xf32, #tpu.memory_space<vmem>>) offsets(%dma_start3A_54 : memref<512xi32, #tpu.memory_space<vmem>>) semaphore(%arg19 : memref<!tpu.dma_semaphore, #tpu.memory_space<semaphore_mem>>) {add = true}
      %scan3A_58 = arith.constant 0 : i32
      scf.yield %scan3A_58 : i32
    }
    %scan3A_22 = arith.constant 19 : i32
    %scan3A_23 = arith.constant 0 : i32
    %scan3A_24 = arith.constant 0 : i32
    %scan3A_25 = arith.constant 32 : i32
    %scan3A_26 = arith.addi %scan3A_24, %scan3A_25 : i32
    %scan3A_27 = arith.constant 1 : i32
    %scan3A_28 = scf.for %scan3A_49 = %scan3A_24 to %scan3A_26 step %scan3A_27 iter_args(%scan3A_50 = %scan3A_23) -> (i32)  : i32 {
      %mul3A_51 = arith.constant 16 : i32
      %mul3A_52 = arith.muli %scan3A_49, %mul3A_51 : i32
      %broadcast_in_dim3A = arith.constant 0.000000e+00 : f32
      %broadcast_in_dim3A_53 = vector.broadcast %broadcast_in_dim3A : f32 to vector<16xf32>
      %get3A_54 = arith.constant 0 : i32
      %get3A_55 = arith.constant 0 : i32
      %get3A_56 = arith.index_cast %get3A_54 : i32 to index
      %get3A_57 = arith.index_cast %get3A_55 : i32 to index
      %get3A_58 = arith.index_cast %mul3A_52 : i32 to index
      %get3A_59 = tpu.vector_load %arg9[%get3A_56, %get3A_57, %get3A_58] {strides = array<i32>} : memref<20x1x512xi32, #tpu.memory_space<vmem>>, vector<1x1x16xi32>,
      %get3A_60 = vector.shape_cast %get3A_59 : vector<1x1x16xi32> to vector<16xi32>
      %eq3A = arith.constant 0 : i32
      %eq3A_61 = vector.broadcast %eq3A : i32 to vector<16xi32>
      %eq3A_62 = arith.cmpi eq, %get3A_60, %eq3A_61 : vector<16xi32>
      %jit3A = arith.constant 1.000000e+00 : f32
      %jit3A_63 = arith.constant 0.000000e+00 : f32
      %broadcast_in_dim3A_64 = vector.broadcast %jit3A : f32 to vector<16xf32>
      %broadcast_in_dim3A_65 = vector.broadcast %jit3A_63 : f32 to vector<16xf32>
      %select_n3A = arith.select %eq3A_62, %broadcast_in_dim3A_64, %broadcast_in_dim3A_65 : vector<16xi1>, vector<16xf32>
      %add3A_66 = arith.addf %broadcast_in_dim3A_53, %select_n3A : vector<16xf32>
      %get3A_67 = arith.constant 1 : i32
      %get3A_68 = arith.constant 0 : i32
      %get3A_69 = arith.index_cast %get3A_67 : i32 to index
      %get3A_70 = arith.index_cast %get3A_68 : i32 to index
      %get3A_71 = arith.index_cast %mul3A_52 : i32 to index
      %get3A_72 = tpu.vector_load %arg9[%get3A_69, %get3A_70, %get3A_71] {strides = array<i32>} : memref<20x1x512xi32, #tpu.memory_space<vmem>>, vector<1x1x16xi32>,
      %get3A_73 = vector.shape_cast %get3A_72 : vector<1x1x16xi32> to vector<16xi32>
      %eq3A_74 = arith.constant 0 : i32
      %eq3A_75 = vector.broadcast %eq3A_74 : i32 to vector<16xi32>
      %eq3A_76 = arith.cmpi eq, %get3A_73, %eq3A_75 : vector<16xi32>
      %jit3A_77 = arith.constant 1.000000e+00 : f32
      %jit3A_78 = arith.constant 0.000000e+00 : f32
      %broadcast_in_dim3A_79 = vector.broadcast %jit3A_77 : f32 to vector<16xf32>
      %broadcast_in_dim3A_80 = vector.broadcast %jit3A_78 : f32 to vector<16xf32>
      %select_n3A_81 = arith.select %eq3A_76, %broadcast_in_dim3A_79, %broadcast_in_dim3A_80 : vector<16xi1>, vector<16xf32>
      %add3A_82 = arith.addf %add3A_66, %select_n3A_81 : vector<16xf32>
      %get3A_83 = arith.constant 2 : i32
      %get3A_84 = arith.constant 0 : i32
      %get3A_85 = arith.index_cast %get3A_83 : i32 to index
      %get3A_86 = arith.index_cast %get3A_84 : i32 to index
      %get3A_87 = arith.index_cast %mul3A_52 : i32 to index
      %get3A_88 = tpu.vector_load %arg9[%get3A_85, %get3A_86, %get3A_87] {strides = array<i32>} : memref<20x1x512xi32, #tpu.memory_space<vmem>>, vector<1x1x16xi32>,
      %get3A_89 = vector.shape_cast %get3A_88 : vector<1x1x16xi32> to vector<16xi32>
      %eq3A_90 = arith.constant 0 : i32
      %eq3A_91 = vector.broadcast %eq3A_90 : i32 to vector<16xi32>
      %eq3A_92 = arith.cmpi eq, %get3A_89, %eq3A_91 : vector<16xi32>
      %jit3A_93 = arith.constant 1.000000e+00 : f32
      %jit3A_94 = arith.constant 0.000000e+00 : f32
      %broadcast_in_dim3A_95 = vector.broadcast %jit3A_93 : f32 to vector<16xf32>
      %broadcast_in_dim3A_96 = vector.broadcast %jit3A_94 : f32 to vector<16xf32>
      %select_n3A_97 = arith.select %eq3A_92, %broadcast_in_dim3A_95, %broadcast_in_dim3A_96 : vector<16xi1>, vector<16xf32>
      %add3A_98 = arith.addf %add3A_82, %select_n3A_97 : vector<16xf32>
      %get3A_99 = arith.constant 3 : i32
      %get3A_100 = arith.constant 0 : i32
      %get3A_101 = arith.index_cast %get3A_99 : i32 to index
      %get3A_102 = arith.index_cast %get3A_100 : i32 to index
      %get3A_103 = arith.index_cast %mul3A_52 : i32 to index
      %get3A_104 = tpu.vector_load %arg9[%get3A_101, %get3A_102, %get3A_103] {strides = array<i32>} : memref<20x1x512xi32, #tpu.memory_space<vmem>>, vector<1x1x16xi32>,
      %get3A_105 = vector.shape_cast %get3A_104 : vector<1x1x16xi32> to vector<16xi32>
      %eq3A_106 = arith.constant 0 : i32
      %eq3A_107 = vector.broadcast %eq3A_106 : i32 to vector<16xi32>
      %eq3A_108 = arith.cmpi eq, %get3A_105, %eq3A_107 : vector<16xi32>
      %jit3A_109 = arith.constant 1.000000e+00 : f32
      %jit3A_110 = arith.constant 0.000000e+00 : f32
      %broadcast_in_dim3A_111 = vector.broadcast %jit3A_109 : f32 to vector<16xf32>
      %broadcast_in_dim3A_112 = vector.broadcast %jit3A_110 : f32 to vector<16xf32>
      %select_n3A_113 = arith.select %eq3A_108, %broadcast_in_dim3A_111, %broadcast_in_dim3A_112 : vector<16xi1>, vector<16xf32>
      %add3A_114 = arith.addf %add3A_98, %select_n3A_113 : vector<16xf32>
      %get3A_115 = arith.constant 4 : i32
      %get3A_116 = arith.constant 0 : i32
      %get3A_117 = arith.index_cast %get3A_115 : i32 to index
      %get3A_118 = arith.index_cast %get3A_116 : i32 to index
      %get3A_119 = arith.index_cast %mul3A_52 : i32 to index
      %get3A_120 = tpu.vector_load %arg9[%get3A_117, %get3A_118, %get3A_119] {strides = array<i32>} : memref<20x1x512xi32, #tpu.memory_space<vmem>>, vector<1x1x16xi32>,
      %get3A_121 = vector.shape_cast %get3A_120 : vector<1x1x16xi32> to vector<16xi32>
      %eq3A_122 = arith.constant 0 : i32
      %eq3A_123 = vector.broadcast %eq3A_122 : i32 to vector<16xi32>
      %eq3A_124 = arith.cmpi eq, %get3A_121, %eq3A_123 : vector<16xi32>
      %jit3A_125 = arith.constant 1.000000e+00 : f32
      %jit3A_126 = arith.constant 0.000000e+00 : f32
      %broadcast_in_dim3A_127 = vector.broadcast %jit3A_125 : f32 to vector<16xf32>
      %broadcast_in_dim3A_128 = vector.broadcast %jit3A_126 : f32 to vector<16xf32>
      %select_n3A_129 = arith.select %eq3A_124, %broadcast_in_dim3A_127, %broadcast_in_dim3A_128 : vector<16xi1>, vector<16xf32>
      %add3A_130 = arith.addf %add3A_114, %select_n3A_129 : vector<16xf32>
      %get3A_131 = arith.constant 5 : i32
      %get3A_132 = arith.constant 0 : i32
      %get3A_133 = arith.index_cast %get3A_131 : i32 to index
      %get3A_134 = arith.index_cast %get3A_132 : i32 to index
      %get3A_135 = arith.index_cast %mul3A_52 : i32 to index
      %get3A_136 = tpu.vector_load %arg9[%get3A_133, %get3A_134, %get3A_135] {strides = array<i32>} : memref<20x1x512xi32, #tpu.memory_space<vmem>>, vector<1x1x16xi32>,
      %get3A_137 = vector.shape_cast %get3A_136 : vector<1x1x16xi32> to vector<16xi32>
      %eq3A_138 = arith.constant 0 : i32
      %eq3A_139 = vector.broadcast %eq3A_138 : i32 to vector<16xi32>
      %eq3A_140 = arith.cmpi eq, %get3A_137, %eq3A_139 : vector<16xi32>
      %jit3A_141 = arith.constant 1.000000e+00 : f32
      %jit3A_142 = arith.constant 0.000000e+00 : f32
      %broadcast_in_dim3A_143 = vector.broadcast %jit3A_141 : f32 to vector<16xf32>
      %broadcast_in_dim3A_144 = vector.broadcast %jit3A_142 : f32 to vector<16xf32>
      %select_n3A_145 = arith.select %eq3A_140, %broadcast_in_dim3A_143, %broadcast_in_dim3A_144 : vector<16xi1>, vector<16xf32>
      %add3A_146 = arith.addf %add3A_130, %select_n3A_145 : vector<16xf32>
      %get3A_147 = arith.constant 6 : i32
      %get3A_148 = arith.constant 0 : i32
      %get3A_149 = arith.index_cast %get3A_147 : i32 to index
      %get3A_150 = arith.index_cast %get3A_148 : i32 to index
      %get3A_151 = arith.index_cast %mul3A_52 : i32 to index
      %get3A_152 = tpu.vector_load %arg9[%get3A_149, %get3A_150, %get3A_151] {strides = array<i32>} : memref<20x1x512xi32, #tpu.memory_space<vmem>>, vector<1x1x16xi32>,
      %get3A_153 = vector.shape_cast %get3A_152 : vector<1x1x16xi32> to vector<16xi32>
      %eq3A_154 = arith.constant 0 : i32
      %eq3A_155 = vector.broadcast %eq3A_154 : i32 to vector<16xi32>
      %eq3A_156 = arith.cmpi eq, %get3A_153, %eq3A_155 : vector<16xi32>
      %jit3A_157 = arith.constant 1.000000e+00 : f32
      %jit3A_158 = arith.constant 0.000000e+00 : f32
      %broadcast_in_dim3A_159 = vector.broadcast %jit3A_157 : f32 to vector<16xf32>
      %broadcast_in_dim3A_160 = vector.broadcast %jit3A_158 : f32 to vector<16xf32>
      %select_n3A_161 = arith.select %eq3A_156, %broadcast_in_dim3A_159, %broadcast_in_dim3A_160 : vector<16xi1>, vector<16xf32>
      %add3A_162 = arith.addf %add3A_146, %select_n3A_161 : vector<16xf32>
      %get3A_163 = arith.constant 7 : i32
      %get3A_164 = arith.constant 0 : i32
      %get3A_165 = arith.index_cast %get3A_163 : i32 to index
      %get3A_166 = arith.index_cast %get3A_164 : i32 to index
      %get3A_167 = arith.index_cast %mul3A_52 : i32 to index
      %get3A_168 = tpu.vector_load %arg9[%get3A_165, %get3A_166, %get3A_167] {strides = array<i32>} : memref<20x1x512xi32, #tpu.memory_space<vmem>>, vector<1x1x16xi32>,
      %get3A_169 = vector.shape_cast %get3A_168 : vector<1x1x16xi32> to vector<16xi32>
      %eq3A_170 = arith.constant 0 : i32
      %eq3A_171 = vector.broadcast %eq3A_170 : i32 to vector<16xi32>
      %eq3A_172 = arith.cmpi eq, %get3A_169, %eq3A_171 : vector<16xi32>
      %jit3A_173 = arith.constant 1.000000e+00 : f32
      %jit3A_174 = arith.constant 0.000000e+00 : f32
      %broadcast_in_dim3A_175 = vector.broadcast %jit3A_173 : f32 to vector<16xf32>
      %broadcast_in_dim3A_176 = vector.broadcast %jit3A_174 : f32 to vector<16xf32>
      %select_n3A_177 = arith.select %eq3A_172, %broadcast_in_dim3A_175, %broadcast_in_dim3A_176 : vector<16xi1>, vector<16xf32>
      %add3A_178 = arith.addf %add3A_162, %select_n3A_177 : vector<16xf32>
      %get3A_179 = arith.constant 8 : i32
      %get3A_180 = arith.constant 0 : i32
      %get3A_181 = arith.index_cast %get3A_179 : i32 to index
      %get3A_182 = arith.index_cast %get3A_180 : i32 to index
      %get3A_183 = arith.index_cast %mul3A_52 : i32 to index
      %get3A_184 = tpu.vector_load %arg9[%get3A_181, %get3A_182, %get3A_183] {strides = array<i32>} : memref<20x1x512xi32, #tpu.memory_space<vmem>>, vector<1x1x16xi32>,
      %get3A_185 = vector.shape_cast %get3A_184 : vector<1x1x16xi32> to vector<16xi32>
      %eq3A_186 = arith.constant 0 : i32
      %eq3A_187 = vector.broadcast %eq3A_186 : i32 to vector<16xi32>
      %eq3A_188 = arith.cmpi eq, %get3A_185, %eq3A_187 : vector<16xi32>
      %jit3A_189 = arith.constant 1.000000e+00 : f32
      %jit3A_190 = arith.constant 0.000000e+00 : f32
      %broadcast_in_dim3A_191 = vector.broadcast %jit3A_189 : f32 to vector<16xf32>
      %broadcast_in_dim3A_192 = vector.broadcast %jit3A_190 : f32 to vector<16xf32>
      %select_n3A_193 = arith.select %eq3A_188, %broadcast_in_dim3A_191, %broadcast_in_dim3A_192 : vector<16xi1>, vector<16xf32>
      %add3A_194 = arith.addf %add3A_178, %select_n3A_193 : vector<16xf32>
      %get3A_195 = arith.constant 9 : i32
      %get3A_196 = arith.constant 0 : i32
      %get3A_197 = arith.index_cast %get3A_195 : i32 to index
      %get3A_198 = arith.index_cast %get3A_196 : i32 to index
      %get3A_199 = arith.index_cast %mul3A_52 : i32 to index
      %get3A_200 = tpu.vector_load %arg9[%get3A_197, %get3A_198, %get3A_199] {strides = array<i32>} : memref<20x1x512xi32, #tpu.memory_space<vmem>>, vector<1x1x16xi32>,
      %get3A_201 = vector.shape_cast %get3A_200 : vector<1x1x16xi32> to vector<16xi32>
      %eq3A_202 = arith.constant 0 : i32
      %eq3A_203 = vector.broadcast %eq3A_202 : i32 to vector<16xi32>
      %eq3A_204 = arith.cmpi eq, %get3A_201, %eq3A_203 : vector<16xi32>
      %jit3A_205 = arith.constant 1.000000e+00 : f32
      %jit3A_206 = arith.constant 0.000000e+00 : f32
      %broadcast_in_dim3A_207 = vector.broadcast %jit3A_205 : f32 to vector<16xf32>
      %broadcast_in_dim3A_208 = vector.broadcast %jit3A_206 : f32 to vector<16xf32>
      %select_n3A_209 = arith.select %eq3A_204, %broadcast_in_dim3A_207, %broadcast_in_dim3A_208 : vector<16xi1>, vector<16xf32>
      %add3A_210 = arith.addf %add3A_194, %select_n3A_209 : vector<16xf32>
      %get3A_211 = arith.constant 10 : i32
      %get3A_212 = arith.constant 0 : i32
      %get3A_213 = arith.index_cast %get3A_211 : i32 to index
      %get3A_214 = arith.index_cast %get3A_212 : i32 to index
      %get3A_215 = arith.index_cast %mul3A_52 : i32 to index
      %get3A_216 = tpu.vector_load %arg9[%get3A_213, %get3A_214, %get3A_215] {strides = array<i32>} : memref<20x1x512xi32, #tpu.memory_space<vmem>>, vector<1x1x16xi32>,
      %get3A_217 = vector.shape_cast %get3A_216 : vector<1x1x16xi32> to vector<16xi32>
      %eq3A_218 = arith.constant 0 : i32
      %eq3A_219 = vector.broadcast %eq3A_218 : i32 to vector<16xi32>
      %eq3A_220 = arith.cmpi eq, %get3A_217, %eq3A_219 : vector<16xi32>
      %jit3A_221 = arith.constant 1.000000e+00 : f32
      %jit3A_222 = arith.constant 0.000000e+00 : f32
      %broadcast_in_dim3A_223 = vector.broadcast %jit3A_221 : f32 to vector<16xf32>
      %broadcast_in_dim3A_224 = vector.broadcast %jit3A_222 : f32 to vector<16xf32>
      %select_n3A_225 = arith.select %eq3A_220, %broadcast_in_dim3A_223, %broadcast_in_dim3A_224 : vector<16xi1>, vector<16xf32>
      %add3A_226 = arith.addf %add3A_210, %select_n3A_225 : vector<16xf32>
      %get3A_227 = arith.constant 11 : i32
      %get3A_228 = arith.constant 0 : i32
      %get3A_229 = arith.index_cast %get3A_227 : i32 to index
      %get3A_230 = arith.index_cast %get3A_228 : i32 to index
      %get3A_231 = arith.index_cast %mul3A_52 : i32 to index
      %get3A_232 = tpu.vector_load %arg9[%get3A_229, %get3A_230, %get3A_231] {strides = array<i32>} : memref<20x1x512xi32, #tpu.memory_space<vmem>>, vector<1x1x16xi32>,
      %get3A_233 = vector.shape_cast %get3A_232 : vector<1x1x16xi32> to vector<16xi32>
      %eq3A_234 = arith.constant 0 : i32
      %eq3A_235 = vector.broadcast %eq3A_234 : i32 to vector<16xi32>
      %eq3A_236 = arith.cmpi eq, %get3A_233, %eq3A_235 : vector<16xi32>
      %jit3A_237 = arith.constant 1.000000e+00 : f32
      %jit3A_238 = arith.constant 0.000000e+00 : f32
      %broadcast_in_dim3A_239 = vector.broadcast %jit3A_237 : f32 to vector<16xf32>
      %broadcast_in_dim3A_240 = vector.broadcast %jit3A_238 : f32 to vector<16xf32>
      %select_n3A_241 = arith.select %eq3A_236, %broadcast_in_dim3A_239, %broadcast_in_dim3A_240 : vector<16xi1>, vector<16xf32>
      %add3A_242 = arith.addf %add3A_226, %select_n3A_241 : vector<16xf32>
      %get3A_243 = arith.constant 12 : i32
      %get3A_244 = arith.constant 0 : i32
      %get3A_245 = arith.index_cast %get3A_243 : i32 to index
      %get3A_246 = arith.index_cast %get3A_244 : i32 to index
      %get3A_247 = arith.index_cast %mul3A_52 : i32 to index
      %get3A_248 = tpu.vector_load %arg9[%get3A_245, %get3A_246, %get3A_247] {strides = array<i32>} : memref<20x1x512xi32, #tpu.memory_space<vmem>>, vector<1x1x16xi32>,
      %get3A_249 = vector.shape_cast %get3A_248 : vector<1x1x16xi32> to vector<16xi32>
      %eq3A_250 = arith.constant 0 : i32
      %eq3A_251 = vector.broadcast %eq3A_250 : i32 to vector<16xi32>
      %eq3A_252 = arith.cmpi eq, %get3A_249, %eq3A_251 : vector<16xi32>
      %jit3A_253 = arith.constant 1.000000e+00 : f32
      %jit3A_254 = arith.constant 0.000000e+00 : f32
      %broadcast_in_dim3A_255 = vector.broadcast %jit3A_253 : f32 to vector<16xf32>
      %broadcast_in_dim3A_256 = vector.broadcast %jit3A_254 : f32 to vector<16xf32>
      %select_n3A_257 = arith.select %eq3A_252, %broadcast_in_dim3A_255, %broadcast_in_dim3A_256 : vector<16xi1>, vector<16xf32>
      %add3A_258 = arith.addf %add3A_242, %select_n3A_257 : vector<16xf32>
      %get3A_259 = arith.constant 13 : i32
      %get3A_260 = arith.constant 0 : i32
      %get3A_261 = arith.index_cast %get3A_259 : i32 to index
      %get3A_262 = arith.index_cast %get3A_260 : i32 to index
      %get3A_263 = arith.index_cast %mul3A_52 : i32 to index
      %get3A_264 = tpu.vector_load %arg9[%get3A_261, %get3A_262, %get3A_263] {strides = array<i32>} : memref<20x1x512xi32, #tpu.memory_space<vmem>>, vector<1x1x16xi32>,
      %get3A_265 = vector.shape_cast %get3A_264 : vector<1x1x16xi32> to vector<16xi32>
      %eq3A_266 = arith.constant 0 : i32
      %eq3A_267 = vector.broadcast %eq3A_266 : i32 to vector<16xi32>
      %eq3A_268 = arith.cmpi eq, %get3A_265, %eq3A_267 : vector<16xi32>
      %jit3A_269 = arith.constant 1.000000e+00 : f32
      %jit3A_270 = arith.constant 0.000000e+00 : f32
      %broadcast_in_dim3A_271 = vector.broadcast %jit3A_269 : f32 to vector<16xf32>
      %broadcast_in_dim3A_272 = vector.broadcast %jit3A_270 : f32 to vector<16xf32>
      %select_n3A_273 = arith.select %eq3A_268, %broadcast_in_dim3A_271, %broadcast_in_dim3A_272 : vector<16xi1>, vector<16xf32>
      %add3A_274 = arith.addf %add3A_258, %select_n3A_273 : vector<16xf32>
      %get3A_275 = arith.constant 14 : i32
      %get3A_276 = arith.constant 0 : i32
      %get3A_277 = arith.index_cast %get3A_275 : i32 to index
      %get3A_278 = arith.index_cast %get3A_276 : i32 to index
      %get3A_279 = arith.index_cast %mul3A_52 : i32 to index
      %get3A_280 = tpu.vector_load %arg9[%get3A_277, %get3A_278, %get3A_279] {strides = array<i32>} : memref<20x1x512xi32, #tpu.memory_space<vmem>>, vector<1x1x16xi32>,
      %get3A_281 = vector.shape_cast %get3A_280 : vector<1x1x16xi32> to vector<16xi32>
      %eq3A_282 = arith.constant 0 : i32
      %eq3A_283 = vector.broadcast %eq3A_282 : i32 to vector<16xi32>
      %eq3A_284 = arith.cmpi eq, %get3A_281, %eq3A_283 : vector<16xi32>
      %jit3A_285 = arith.constant 1.000000e+00 : f32
      %jit3A_286 = arith.constant 0.000000e+00 : f32
      %broadcast_in_dim3A_287 = vector.broadcast %jit3A_285 : f32 to vector<16xf32>
      %broadcast_in_dim3A_288 = vector.broadcast %jit3A_286 : f32 to vector<16xf32>
      %select_n3A_289 = arith.select %eq3A_284, %broadcast_in_dim3A_287, %broadcast_in_dim3A_288 : vector<16xi1>, vector<16xf32>
      %add3A_290 = arith.addf %add3A_274, %select_n3A_289 : vector<16xf32>
      %get3A_291 = arith.constant 15 : i32
      %get3A_292 = arith.constant 0 : i32
      %get3A_293 = arith.index_cast %get3A_291 : i32 to index
      %get3A_294 = arith.index_cast %get3A_292 : i32 to index
      %get3A_295 = arith.index_cast %mul3A_52 : i32 to index
      %get3A_296 = tpu.vector_load %arg9[%get3A_293, %get3A_294, %get3A_295] {strides = array<i32>} : memref<20x1x512xi32, #tpu.memory_space<vmem>>, vector<1x1x16xi32>,
      %get3A_297 = vector.shape_cast %get3A_296 : vector<1x1x16xi32> to vector<16xi32>
      %eq3A_298 = arith.constant 0 : i32
      %eq3A_299 = vector.broadcast %eq3A_298 : i32 to vector<16xi32>
      %eq3A_300 = arith.cmpi eq, %get3A_297, %eq3A_299 : vector<16xi32>
      %jit3A_301 = arith.constant 1.000000e+00 : f32
      %jit3A_302 = arith.constant 0.000000e+00 : f32
      %broadcast_in_dim3A_303 = vector.broadcast %jit3A_301 : f32 to vector<16xf32>
      %broadcast_in_dim3A_304 = vector.broadcast %jit3A_302 : f32 to vector<16xf32>
      %select_n3A_305 = arith.select %eq3A_300, %broadcast_in_dim3A_303, %broadcast_in_dim3A_304 : vector<16xi1>, vector<16xf32>
      %add3A_306 = arith.addf %add3A_290, %select_n3A_305 : vector<16xf32>
      %get3A_307 = arith.constant 16 : i32
      %get3A_308 = arith.constant 0 : i32
      %get3A_309 = arith.index_cast %get3A_307 : i32 to index
      %get3A_310 = arith.index_cast %get3A_308 : i32 to index
      %get3A_311 = arith.index_cast %mul3A_52 : i32 to index
      %get3A_312 = tpu.vector_load %arg9[%get3A_309, %get3A_310, %get3A_311] {strides = array<i32>} : memref<20x1x512xi32, #tpu.memory_space<vmem>>, vector<1x1x16xi32>,
      %get3A_313 = vector.shape_cast %get3A_312 : vector<1x1x16xi32> to vector<16xi32>
      %eq3A_314 = arith.constant 0 : i32
      %eq3A_315 = vector.broadcast %eq3A_314 : i32 to vector<16xi32>
      %eq3A_316 = arith.cmpi eq, %get3A_313, %eq3A_315 : vector<16xi32>
      %jit3A_317 = arith.constant 1.000000e+00 : f32
      %jit3A_318 = arith.constant 0.000000e+00 : f32
      %broadcast_in_dim3A_319 = vector.broadcast %jit3A_317 : f32 to vector<16xf32>
      %broadcast_in_dim3A_320 = vector.broadcast %jit3A_318 : f32 to vector<16xf32>
      %select_n3A_321 = arith.select %eq3A_316, %broadcast_in_dim3A_319, %broadcast_in_dim3A_320 : vector<16xi1>, vector<16xf32>
      %add3A_322 = arith.addf %add3A_306, %select_n3A_321 : vector<16xf32>
      %get3A_323 = arith.constant 17 : i32
      %get3A_324 = arith.constant 0 : i32
      %get3A_325 = arith.index_cast %get3A_323 : i32 to index
      %get3A_326 = arith.index_cast %get3A_324 : i32 to index
      %get3A_327 = arith.index_cast %mul3A_52 : i32 to index
      %get3A_328 = tpu.vector_load %arg9[%get3A_325, %get3A_326, %get3A_327] {strides = array<i32>} : memref<20x1x512xi32, #tpu.memory_space<vmem>>, vector<1x1x16xi32>,
      %get3A_329 = vector.shape_cast %get3A_328 : vector<1x1x16xi32> to vector<16xi32>
      %eq3A_330 = arith.constant 0 : i32
      %eq3A_331 = vector.broadcast %eq3A_330 : i32 to vector<16xi32>
      %eq3A_332 = arith.cmpi eq, %get3A_329, %eq3A_331 : vector<16xi32>
      %jit3A_333 = arith.constant 1.000000e+00 : f32
      %jit3A_334 = arith.constant 0.000000e+00 : f32
      %broadcast_in_dim3A_335 = vector.broadcast %jit3A_333 : f32 to vector<16xf32>
      %broadcast_in_dim3A_336 = vector.broadcast %jit3A_334 : f32 to vector<16xf32>
      %select_n3A_337 = arith.select %eq3A_332, %broadcast_in_dim3A_335, %broadcast_in_dim3A_336 : vector<16xi1>, vector<16xf32>
      %add3A_338 = arith.addf %add3A_322, %select_n3A_337 : vector<16xf32>
      %get3A_339 = arith.constant 18 : i32
      %get3A_340 = arith.constant 0 : i32
      %get3A_341 = arith.index_cast %get3A_339 : i32 to index
      %get3A_342 = arith.index_cast %get3A_340 : i32 to index
      %get3A_343 = arith.index_cast %mul3A_52 : i32 to index
      %get3A_344 = tpu.vector_load %arg9[%get3A_341, %get3A_342, %get3A_343] {strides = array<i32>} : memref<20x1x512xi32, #tpu.memory_space<vmem>>, vector<1x1x16xi32>,
      %get3A_345 = vector.shape_cast %get3A_344 : vector<1x1x16xi32> to vector<16xi32>
      %eq3A_346 = arith.constant 0 : i32
      %eq3A_347 = vector.broadcast %eq3A_346 : i32 to vector<16xi32>
      %eq3A_348 = arith.cmpi eq, %get3A_345, %eq3A_347 : vector<16xi32>
      %jit3A_349 = arith.constant 1.000000e+00 : f32
      %jit3A_350 = arith.constant 0.000000e+00 : f32
      %broadcast_in_dim3A_351 = vector.broadcast %jit3A_349 : f32 to vector<16xf32>
      %broadcast_in_dim3A_352 = vector.broadcast %jit3A_350 : f32 to vector<16xf32>
      %select_n3A_353 = arith.select %eq3A_348, %broadcast_in_dim3A_351, %broadcast_in_dim3A_352 : vector<16xi1>, vector<16xf32>
      %add3A_354 = arith.addf %add3A_338, %select_n3A_353 : vector<16xf32>
      %get3A_355 = arith.constant 19 : i32
      %get3A_356 = arith.constant 0 : i32
      %get3A_357 = arith.index_cast %get3A_355 : i32 to index
      %get3A_358 = arith.index_cast %get3A_356 : i32 to index
      %get3A_359 = arith.index_cast %mul3A_52 : i32 to index
      %get3A_360 = tpu.vector_load %arg9[%get3A_357, %get3A_358, %get3A_359] {strides = array<i32>} : memref<20x1x512xi32, #tpu.memory_space<vmem>>, vector<1x1x16xi32>,
      %get3A_361 = vector.shape_cast %get3A_360 : vector<1x1x16xi32> to vector<16xi32>
      %eq3A_362 = arith.constant 0 : i32
      %eq3A_363 = vector.broadcast %eq3A_362 : i32 to vector<16xi32>
      %eq3A_364 = arith.cmpi eq, %get3A_361, %eq3A_363 : vector<16xi32>
      %jit3A_365 = arith.constant 1.000000e+00 : f32
      %jit3A_366 = arith.constant 0.000000e+00 : f32
      %broadcast_in_dim3A_367 = vector.broadcast %jit3A_365 : f32 to vector<16xf32>
      %broadcast_in_dim3A_368 = vector.broadcast %jit3A_366 : f32 to vector<16xf32>
      %select_n3A_369 = arith.select %eq3A_364, %broadcast_in_dim3A_367, %broadcast_in_dim3A_368 : vector<16xi1>, vector<16xf32>
      %add3A_370 = arith.addf %add3A_354, %select_n3A_369 : vector<16xf32>
      %swap3A = arith.index_cast %mul3A_52 : i32 to index
      %swap3A_371 = tpu.vector_load %arg15[%swap3A] {strides = array<i32>} : memref<512xf32, #tpu.memory_space<vmem>>, vector<16xf32>,
      %swap3A_372 = vector.shape_cast %swap3A_371 : vector<16xf32> to vector<16xf32>
      %swap3A_373 = vector.shape_cast %add3A_370 : vector<16xf32> to vector<16xf32>
      tpu.vector_store %arg15[%swap3A], %swap3A_373 {strides = array<i32>} : memref<512xf32, #tpu.memory_space<vmem>>, vector<16xf32>,
      %sub3A = arith.constant 2.000000e+01 : f32
      %sub3A_374 = vector.broadcast %sub3A : f32 to vector<16xf32>
      %sub3A_375 = arith.subf %sub3A_374, %add3A_370 : vector<16xf32>
      %gt3A = arith.constant 5.000000e-01 : f32
      %gt3A_376 = vector.broadcast %gt3A : f32 to vector<16xf32>
      %gt3A_377 = arith.cmpf ogt, %sub3A_375, %gt3A_376 : vector<16xf32>
      %div3A = arith.constant 1.000000e+00 : f32
      %div3A_378 = vector.broadcast %div3A : f32 to vector<16xf32>
      %div3A_379 = arith.divf %div3A_378, %sub3A_375 : vector<16xf32>
      %jit3A_380 = arith.constant 0.000000e+00 : f32
      %broadcast_in_dim3A_381 = vector.broadcast %jit3A_380 : f32 to vector<16xf32>
      %select_n3A_382 = arith.select %gt3A_377, %div3A_379, %broadcast_in_dim3A_381 : vector<16xi1>, vector<16xf32>
      %swap3A_383 = arith.index_cast %mul3A_52 : i32 to index
      %swap3A_384 = tpu.vector_load %arg16[%swap3A_383] {strides = array<i32>} : memref<512xf32, #tpu.memory_space<vmem>>, vector<16xf32>,
      %swap3A_385 = vector.shape_cast %swap3A_384 : vector<16xf32> to vector<16xf32>
      %swap3A_386 = vector.shape_cast %select_n3A_382 : vector<16xf32> to vector<16xf32>
      tpu.vector_store %arg16[%swap3A_383], %swap3A_386 {strides = array<i32>} : memref<512xf32, #tpu.memory_space<vmem>>, vector<16xf32>,
      %get3A_387 = arith.index_cast %mul3A_52 : i32 to index
      %get3A_388 = tpu.vector_load %arg10[%get3A_387] {strides = array<i32>} : memref<512xi32, #tpu.memory_space<vmem>>, vector<16xi32>,
      %get3A_389 = vector.shape_cast %get3A_388 : vector<16xi32> to vector<16xi32>
      %get3A_390 = arith.index_cast %mul3A_52 : i32 to index
      %get3A_391 = tpu.vector_load %arg11[%get3A_390] {strides = array<i32>} : memref<512xi32, #tpu.memory_space<vmem>>, vector<16xi32>,
      %get3A_392 = vector.shape_cast %get3A_391 : vector<16xi32> to vector<16xi32>
      %add3A_393 = arith.constant 0 : i32
      %add3A_394 = arith.addi %mul3A_52, %add3A_393 : i32
      %slice3A = vector.extract_strided_slice %get3A_389 {offsets = [0], sizes = [1], strides = [1]} : vector<16xi32> to vector<1xi32>
      %squeeze3A = vector.extract %slice3A[0] : i32 from vector<1xi32>
      %slice3A_395 = vector.extract_strided_slice %get3A_392 {offsets = [0], sizes = [1], strides = [1]} : vector<16xi32> to vector<1xi32>
      %squeeze3A_396 = vector.extract %slice3A_395[0] : i32 from vector<1xi32>
      %get3A_397 = arith.index_cast %squeeze3A : i32 to index
      %get3A_398 = arith.constant 0 : index
      %get3A_399 = tpu.vector_load %arg13[%get3A_397, %get3A_398] {strides = array<i32>} : memref<101x32xf32, #tpu.memory_space<vmem>>, vector<1x16xf32>,
      %get3A_400 = vector.shape_cast %get3A_399 : vector<1x16xf32> to vector<16xf32>
      %swap3A_401 = arith.index_cast %add3A_394 : i32 to index
      %swap3A_402 = arith.constant 32 : index
      %swap3A_403 = tpu.vector_load %arg18[%swap3A_401, %swap3A_402] {strides = array<i32>} : memref<512x96xf32, #tpu.memory_space<vmem>>, vector<1x16xf32>,
      %swap3A_404 = vector.shape_cast %swap3A_403 : vector<1x16xf32> to vector<16xf32>
      %swap3A_405 = vector.shape_cast %get3A_400 : vector<16xf32> to vector<1x16xf32>
      tpu.vector_store %arg18[%swap3A_401, %swap3A_402], %swap3A_405 {strides = array<i32>} : memref<512x96xf32, #tpu.memory_space<vmem>>, vector<1x16xf32>,
      %get3A_406 = arith.index_cast %squeeze3A : i32 to index
      %get3A_407 = arith.constant 16 : index
      %get3A_408 = tpu.vector_load %arg13[%get3A_406, %get3A_407] {strides = array<i32>} : memref<101x32xf32, #tpu.memory_space<vmem>>, vector<1x16xf32>,
      %get3A_409 = vector.shape_cast %get3A_408 : vector<1x16xf32> to vector<16xf32>
      %swap3A_410 = arith.index_cast %add3A_394 : i32 to index
      %swap3A_411 = arith.constant 48 : index
      %swap3A_412 = tpu.vector_load %arg18[%swap3A_410, %swap3A_411] {strides = array<i32>} : memref<512x96xf32, #tpu.memory_space<vmem>>, vector<1x16xf32>,
      %swap3A_413 = vector.shape_cast %swap3A_412 : vector<1x16xf32> to vector<16xf32>
      %swap3A_414 = vector.shape_cast %get3A_409 : vector<16xf32> to vector<1x16xf32>
      tpu.vector_store %arg18[%swap3A_410, %swap3A_411], %swap3A_414 {strides = array<i32>} : memref<512x96xf32, #tpu.memory_space<vmem>>, vector<1x16xf32>,
      %get3A_415 = arith.index_cast %squeeze3A_396 : i32 to index
      %get3A_416 = arith.constant 0 : index
      %get3A_417 = tpu.vector_load %arg14[%get3A_415, %get3A_416] {strides = array<i32>} : memref<21x32xf32, #tpu.memory_space<vmem>>, vector<1x16xf32>,
      %get3A_418 = vector.shape_cast %get3A_417 : vector<1x16xf32> to vector<16xf32>
      %swap3A_419 = arith.index_cast %add3A_394 : i32 to index
      %swap3A_420 = arith.constant 64 : index
      %swap3A_421 = tpu.vector_load %arg18[%swap3A_419, %swap3A_420] {strides = array<i32>} : memref<512x96xf32, #tpu.memory_space<vmem>>, vector<1x16xf32>,
      %swap3A_422 = vector.shape_cast %swap3A_421 : vector<1x16xf32> to vector<16xf32>
      %swap3A_423 = vector.shape_cast %get3A_418 : vector<16xf32> to vector<1x16xf32>
      tpu.vector_store %arg18[%swap3A_419, %swap3A_420], %swap3A_423 {strides = array<i32>} : memref<512x96xf32, #tpu.memory_space<vmem>>, vector<1x16xf32>,
      %get3A_424 = arith.index_cast %squeeze3A_396 : i32 to index
      %get3A_425 = arith.constant 16 : index
      %get3A_426 = tpu.vector_load %arg14[%get3A_424, %get3A_425] {strides = array<i32>} : memref<21x32xf32, #tpu.memory_space<vmem>>, vector<1x16xf32>,
      %get3A_427 = vector.shape_cast %get3A_426 : vector<1x16xf32> to vector<16xf32>
      %swap3A_428 = arith.index_cast %add3A_394 : i32 to index
      %swap3A_429 = arith.constant 80 : index
      %swap3A_430 = tpu.vector_load %arg18[%swap3A_428, %swap3A_429] {strides = array<i32>} : memref<512x96xf32, #tpu.memory_space<vmem>>, vector<1x16xf32>,
      %swap3A_431 = vector.shape_cast %swap3A_430 : vector<1x16xf32> to vector<16xf32>
      %swap3A_432 = vector.shape_cast %get3A_427 : vector<16xf32> to vector<1x16xf32>
      tpu.vector_store %arg18[%swap3A_428, %swap3A_429], %swap3A_432 {strides = array<i32>} : memref<512x96xf32, #tpu.memory_space<vmem>>, vector<1x16xf32>,
      %add3A_433 = arith.constant 1 : i32
      %add3A_434 = arith.addi %mul3A_52, %add3A_433 : i32
      %slice3A_435 = vector.extract_strided_slice %get3A_389 {offsets = [1], sizes = [1], strides = [1]} : vector<16xi32> to vector<1xi32>
      %squeeze3A_436 = vector.extract %slice3A_435[0] : i32 from vector<1xi32>
      %slice3A_437 = vector.extract_strided_slice %get3A_392 {offsets = [1], sizes = [1], strides = [1]} : vector<16xi32> to vector<1xi32>
      %squeeze3A_438 = vector.extract %slice3A_437[0] : i32 from vector<1xi32>
      %get3A_439 = arith.index_cast %squeeze3A_436 : i32 to index
      %get3A_440 = arith.constant 0 : index
      %get3A_441 = tpu.vector_load %arg13[%get3A_439, %get3A_440] {strides = array<i32>} : memref<101x32xf32, #tpu.memory_space<vmem>>, vector<1x16xf32>,
      %get3A_442 = vector.shape_cast %get3A_441 : vector<1x16xf32> to vector<16xf32>
      %swap3A_443 = arith.index_cast %add3A_434 : i32 to index
      %swap3A_444 = arith.constant 32 : index
      %swap3A_445 = tpu.vector_load %arg18[%swap3A_443, %swap3A_444] {strides = array<i32>} : memref<512x96xf32, #tpu.memory_space<vmem>>, vector<1x16xf32>,
      %swap3A_446 = vector.shape_cast %swap3A_445 : vector<1x16xf32> to vector<16xf32>
      %swap3A_447 = vector.shape_cast %get3A_442 : vector<16xf32> to vector<1x16xf32>
      tpu.vector_store %arg18[%swap3A_443, %swap3A_444], %swap3A_447 {strides = array<i32>} : memref<512x96xf32, #tpu.memory_space<vmem>>, vector<1x16xf32>,
      %get3A_448 = arith.index_cast %squeeze3A_436 : i32 to index
      %get3A_449 = arith.constant 16 : index
      %get3A_450 = tpu.vector_load %arg13[%get3A_448, %get3A_449] {strides = array<i32>} : memref<101x32xf32, #tpu.memory_space<vmem>>, vector<1x16xf32>,
      %get3A_451 = vector.shape_cast %get3A_450 : vector<1x16xf32> to vector<16xf32>
      %swap3A_452 = arith.index_cast %add3A_434 : i32 to index
      %swap3A_453 = arith.constant 48 : index
      %swap3A_454 = tpu.vector_load %arg18[%swap3A_452, %swap3A_453] {strides = array<i32>} : memref<512x96xf32, #tpu.memory_space<vmem>>, vector<1x16xf32>,
      %swap3A_455 = vector.shape_cast %swap3A_454 : vector<1x16xf32> to vector<16xf32>
      %swap3A_456 = vector.shape_cast %get3A_451 : vector<16xf32> to vector<1x16xf32>
      tpu.vector_store %arg18[%swap3A_452, %swap3A_453], %swap3A_456 {strides = array<i32>} : memref<512x96xf32, #tpu.memory_space<vmem>>, vector<1x16xf32>,
      %get3A_457 = arith.index_cast %squeeze3A_438 : i32 to index
      %get3A_458 = arith.constant 0 : index
      %get3A_459 = tpu.vector_load %arg14[%get3A_457, %get3A_458] {strides = array<i32>} : memref<21x32xf32, #tpu.memory_space<vmem>>, vector<1x16xf32>,
      %get3A_460 = vector.shape_cast %get3A_459 : vector<1x16xf32> to vector<16xf32>
      %swap3A_461 = arith.index_cast %add3A_434 : i32 to index
      %swap3A_462 = arith.constant 64 : index
      %swap3A_463 = tpu.vector_load %arg18[%swap3A_461, %swap3A_462] {strides = array<i32>} : memref<512x96xf32, #tpu.memory_space<vmem>>, vector<1x16xf32>,
      %swap3A_464 = vector.shape_cast %swap3A_463 : vector<1x16xf32> to vector<16xf32>
      %swap3A_465 = vector.shape_cast %get3A_460 : vector<16xf32> to vector<1x16xf32>
      tpu.vector_store %arg18[%swap3A_461, %swap3A_462], %swap3A_465 {strides = array<i32>} : memref<512x96xf32, #tpu.memory_space<vmem>>, vector<1x16xf32>,
      %get3A_466 = arith.index_cast %squeeze3A_438 : i32 to index
      %get3A_467 = arith.constant 16 : index
      %get3A_468 = tpu.vector_load %arg14[%get3A_466, %get3A_467] {strides = array<i32>} : memref<21x32xf32, #tpu.memory_space<vmem>>, vector<1x16xf32>,
      %get3A_469 = vector.shape_cast %get3A_468 : vector<1x16xf32> to vector<16xf32>
      %swap3A_470 = arith.index_cast %add3A_434 : i32 to index
      %swap3A_471 = arith.constant 80 : index
      %swap3A_472 = tpu.vector_load %arg18[%swap3A_470, %swap3A_471] {strides = array<i32>} : memref<512x96xf32, #tpu.memory_space<vmem>>, vector<1x16xf32>,
      %swap3A_473 = vector.shape_cast %swap3A_472 : vector<1x16xf32> to vector<16xf32>
      %swap3A_474 = vector.shape_cast %get3A_469 : vector<16xf32> to vector<1x16xf32>
      tpu.vector_store %arg18[%swap3A_470, %swap3A_471], %swap3A_474 {strides = array<i32>} : memref<512x96xf32, #tpu.memory_space<vmem>>, vector<1x16xf32>,
      %add3A_475 = arith.constant 2 : i32
      %add3A_476 = arith.addi %mul3A_52, %add3A_475 : i32
      %slice3A_477 = vector.extract_strided_slice %get3A_389 {offsets = [2], sizes = [1], strides = [1]} : vector<16xi32> to vector<1xi32>
      %squeeze3A_478 = vector.extract %slice3A_477[0] : i32 from vector<1xi32>
      %slice3A_479 = vector.extract_strided_slice %get3A_392 {offsets = [2], sizes = [1], strides = [1]} : vector<16xi32> to vector<1xi32>
      %squeeze3A_480 = vector.extract %slice3A_479[0] : i32 from vector<1xi32>
      %get3A_481 = arith.index_cast %squeeze3A_478 : i32 to index
      %get3A_482 = arith.constant 0 : index
      %get3A_483 = tpu.vector_load %arg13[%get3A_481, %get3A_482] {strides = array<i32>} : memref<101x32xf32, #tpu.memory_space<vmem>>, vector<1x16xf32>,
      %get3A_484 = vector.shape_cast %get3A_483 : vector<1x16xf32> to vector<16xf32>
      %swap3A_485 = arith.index_cast %add3A_476 : i32 to index
      %swap3A_486 = arith.constant 32 : index
      %swap3A_487 = tpu.vector_load %arg18[%swap3A_485, %swap3A_486] {strides = array<i32>} : memref<512x96xf32, #tpu.memory_space<vmem>>, vector<1x16xf32>,
      %swap3A_488 = vector.shape_cast %swap3A_487 : vector<1x16xf32> to vector<16xf32>
      %swap3A_489 = vector.shape_cast %get3A_484 : vector<16xf32> to vector<1x16xf32>
      tpu.vector_store %arg18[%swap3A_485, %swap3A_486], %swap3A_489 {strides = array<i32>} : memref<512x96xf32, #tpu.memory_space<vmem>>, vector<1x16xf32>,
      %get3A_490 = arith.index_cast %squeeze3A_478 : i32 to index
      %get3A_491 = arith.constant 16 : index
      %get3A_492 = tpu.vector_load %arg13[%get3A_490, %get3A_491] {strides = array<i32>} : memref<101x32xf32, #tpu.memory_space<vmem>>, vector<1x16xf32>,
      %get3A_493 = vector.shape_cast %get3A_492 : vector<1x16xf32> to vector<16xf32>
      %swap3A_494 = arith.index_cast %add3A_476 : i32 to index
      %swap3A_495 = arith.constant 48 : index
      %swap3A_496 = tpu.vector_load %arg18[%swap3A_494, %swap3A_495] {strides = array<i32>} : memref<512x96xf32, #tpu.memory_space<vmem>>, vector<1x16xf32>,
      %swap3A_497 = vector.shape_cast %swap3A_496 : vector<1x16xf32> to vector<16xf32>
      %swap3A_498 = vector.shape_cast %get3A_493 : vector<16xf32> to vector<1x16xf32>
      tpu.vector_store %arg18[%swap3A_494, %swap3A_495], %swap3A_498 {strides = array<i32>} : memref<512x96xf32, #tpu.memory_space<vmem>>, vector<1x16xf32>,
      %get3A_499 = arith.index_cast %squeeze3A_480 : i32 to index
      %get3A_500 = arith.constant 0 : index
      %get3A_501 = tpu.vector_load %arg14[%get3A_499, %get3A_500] {strides = array<i32>} : memref<21x32xf32, #tpu.memory_space<vmem>>, vector<1x16xf32>,
      %get3A_502 = vector.shape_cast %get3A_501 : vector<1x16xf32> to vector<16xf32>
      %swap3A_503 = arith.index_cast %add3A_476 : i32 to index
      %swap3A_504 = arith.constant 64 : index
      %swap3A_505 = tpu.vector_load %arg18[%swap3A_503, %swap3A_504] {strides = array<i32>} : memref<512x96xf32, #tpu.memory_space<vmem>>, vector<1x16xf32>,
      %swap3A_506 = vector.shape_cast %swap3A_505 : vector<1x16xf32> to vector<16xf32>
      %swap3A_507 = vector.shape_cast %get3A_502 : vector<16xf32> to vector<1x16xf32>
      tpu.vector_store %arg18[%swap3A_503, %swap3A_504], %swap3A_507 {strides = array<i32>} : memref<512x96xf32, #tpu.memory_space<vmem>>, vector<1x16xf32>,
      %get3A_508 = arith.index_cast %squeeze3A_480 : i32 to index
      %get3A_509 = arith.constant 16 : index
      %get3A_510 = tpu.vector_load %arg14[%get3A_508, %get3A_509] {strides = array<i32>} : memref<21x32xf32, #tpu.memory_space<vmem>>, vector<1x16xf32>,
      %get3A_511 = vector.shape_cast %get3A_510 : vector<1x16xf32> to vector<16xf32>
      %swap3A_512 = arith.index_cast %add3A_476 : i32 to index
      %swap3A_513 = arith.constant 80 : index
      %swap3A_514 = tpu.vector_load %arg18[%swap3A_512, %swap3A_513] {strides = array<i32>} : memref<512x96xf32, #tpu.memory_space<vmem>>, vector<1x16xf32>,
      %swap3A_515 = vector.shape_cast %swap3A_514 : vector<1x16xf32> to vector<16xf32>
      %swap3A_516 = vector.shape_cast %get3A_511 : vector<16xf32> to vector<1x16xf32>
      tpu.vector_store %arg18[%swap3A_512, %swap3A_513], %swap3A_516 {strides = array<i32>} : memref<512x96xf32, #tpu.memory_space<vmem>>, vector<1x16xf32>,
      %add3A_517 = arith.constant 3 : i32
      %add3A_518 = arith.addi %mul3A_52, %add3A_517 : i32
      %slice3A_519 = vector.extract_strided_slice %get3A_389 {offsets = [3], sizes = [1], strides = [1]} : vector<16xi32> to vector<1xi32>
      %squeeze3A_520 = vector.extract %slice3A_519[0] : i32 from vector<1xi32>
      %slice3A_521 = vector.extract_strided_slice %get3A_392 {offsets = [3], sizes = [1], strides = [1]} : vector<16xi32> to vector<1xi32>
      %squeeze3A_522 = vector.extract %slice3A_521[0] : i32 from vector<1xi32>
      %get3A_523 = arith.index_cast %squeeze3A_520 : i32 to index
      %get3A_524 = arith.constant 0 : index
      %get3A_525 = tpu.vector_load %arg13[%get3A_523, %get3A_524] {strides = array<i32>} : memref<101x32xf32, #tpu.memory_space<vmem>>, vector<1x16xf32>,
      %get3A_526 = vector.shape_cast %get3A_525 : vector<1x16xf32> to vector<16xf32>
      %swap3A_527 = arith.index_cast %add3A_518 : i32 to index
      %swap3A_528 = arith.constant 32 : index
      %swap3A_529 = tpu.vector_load %arg18[%swap3A_527, %swap3A_528] {strides = array<i32>} : memref<512x96xf32, #tpu.memory_space<vmem>>, vector<1x16xf32>,
      %swap3A_530 = vector.shape_cast %swap3A_529 : vector<1x16xf32> to vector<16xf32>
      %swap3A_531 = vector.shape_cast %get3A_526 : vector<16xf32> to vector<1x16xf32>
      tpu.vector_store %arg18[%swap3A_527, %swap3A_528], %swap3A_531 {strides = array<i32>} : memref<512x96xf32, #tpu.memory_space<vmem>>, vector<1x16xf32>,
      %get3A_532 = arith.index_cast %squeeze3A_520 : i32 to index
      %get3A_533 = arith.constant 16 : index
      %get3A_534 = tpu.vector_load %arg13[%get3A_532, %get3A_533] {strides = array<i32>} : memref<101x32xf32, #tpu.memory_space<vmem>>, vector<1x16xf32>,
      %get3A_535 = vector.shape_cast %get3A_534 : vector<1x16xf32> to vector<16xf32>
      %swap3A_536 = arith.index_cast %add3A_518 : i32 to index
      %swap3A_537 = arith.constant 48 : index
      %swap3A_538 = tpu.vector_load %arg18[%swap3A_536, %swap3A_537] {strides = array<i32>} : memref<512x96xf32, #tpu.memory_space<vmem>>, vector<1x16xf32>,
      %swap3A_539 = vector.shape_cast %swap3A_538 : vector<1x16xf32> to vector<16xf32>
      %swap3A_540 = vector.shape_cast %get3A_535 : vector<16xf32> to vector<1x16xf32>
      tpu.vector_store %arg18[%swap3A_536, %swap3A_537], %swap3A_540 {strides = array<i32>} : memref<512x96xf32, #tpu.memory_space<vmem>>, vector<1x16xf32>,
      %get3A_541 = arith.index_cast %squeeze3A_522 : i32 to index
      %get3A_542 = arith.constant 0 : index
      %get3A_543 = tpu.vector_load %arg14[%get3A_541, %get3A_542] {strides = array<i32>} : memref<21x32xf32, #tpu.memory_space<vmem>>, vector<1x16xf32>,
      %get3A_544 = vector.shape_cast %get3A_543 : vector<1x16xf32> to vector<16xf32>
      %swap3A_545 = arith.index_cast %add3A_518 : i32 to index
      %swap3A_546 = arith.constant 64 : index
      %swap3A_547 = tpu.vector_load %arg18[%swap3A_545, %swap3A_546] {strides = array<i32>} : memref<512x96xf32, #tpu.memory_space<vmem>>, vector<1x16xf32>,
      %swap3A_548 = vector.shape_cast %swap3A_547 : vector<1x16xf32> to vector<16xf32>
      %swap3A_549 = vector.shape_cast %get3A_544 : vector<16xf32> to vector<1x16xf32>
      tpu.vector_store %arg18[%swap3A_545, %swap3A_546], %swap3A_549 {strides = array<i32>} : memref<512x96xf32, #tpu.memory_space<vmem>>, vector<1x16xf32>,
      %get3A_550 = arith.index_cast %squeeze3A_522 : i32 to index
      %get3A_551 = arith.constant 16 : index
      %get3A_552 = tpu.vector_load %arg14[%get3A_550, %get3A_551] {strides = array<i32>} : memref<21x32xf32, #tpu.memory_space<vmem>>, vector<1x16xf32>,
      %get3A_553 = vector.shape_cast %get3A_552 : vector<1x16xf32> to vector<16xf32>
      %swap3A_554 = arith.index_cast %add3A_518 : i32 to index
      %swap3A_555 = arith.constant 80 : index
      %swap3A_556 = tpu.vector_load %arg18[%swap3A_554, %swap3A_555] {strides = array<i32>} : memref<512x96xf32, #tpu.memory_space<vmem>>, vector<1x16xf32>,
      %swap3A_557 = vector.shape_cast %swap3A_556 : vector<1x16xf32> to vector<16xf32>
      %swap3A_558 = vector.shape_cast %get3A_553 : vector<16xf32> to vector<1x16xf32>
      tpu.vector_store %arg18[%swap3A_554, %swap3A_555], %swap3A_558 {strides = array<i32>} : memref<512x96xf32, #tpu.memory_space<vmem>>, vector<1x16xf32>,
      %add3A_559 = arith.constant 4 : i32
      %add3A_560 = arith.addi %mul3A_52, %add3A_559 : i32
      %slice3A_561 = vector.extract_strided_slice %get3A_389 {offsets = [4], sizes = [1], strides = [1]} : vector<16xi32> to vector<1xi32>
      %squeeze3A_562 = vector.extract %slice3A_561[0] : i32 from vector<1xi32>
      %slice3A_563 = vector.extract_strided_slice %get3A_392 {offsets = [4], sizes = [1], strides = [1]} : vector<16xi32> to vector<1xi32>
      %squeeze3A_564 = vector.extract %slice3A_563[0] : i32 from vector<1xi32>
      %get3A_565 = arith.index_cast %squeeze3A_562 : i32 to index
      %get3A_566 = arith.constant 0 : index
      %get3A_567 = tpu.vector_load %arg13[%get3A_565, %get3A_566] {strides = array<i32>} : memref<101x32xf32, #tpu.memory_space<vmem>>, vector<1x16xf32>,
      %get3A_568 = vector.shape_cast %get3A_567 : vector<1x16xf32> to vector<16xf32>
      %swap3A_569 = arith.index_cast %add3A_560 : i32 to index
      %swap3A_570 = arith.constant 32 : index
      %swap3A_571 = tpu.vector_load %arg18[%swap3A_569, %swap3A_570] {strides = array<i32>} : memref<512x96xf32, #tpu.memory_space<vmem>>, vector<1x16xf32>,
      %swap3A_572 = vector.shape_cast %swap3A_571 : vector<1x16xf32> to vector<16xf32>
      %swap3A_573 = vector.shape_cast %get3A_568 : vector<16xf32> to vector<1x16xf32>
      tpu.vector_store %arg18[%swap3A_569, %swap3A_570], %swap3A_573 {strides = array<i32>} : memref<512x96xf32, #tpu.memory_space<vmem>>, vector<1x16xf32>,
      %get3A_574 = arith.index_cast %squeeze3A_562 : i32 to index
      %get3A_575 = arith.constant 16 : index
      %get3A_576 = tpu.vector_load %arg13[%get3A_574, %get3A_575] {strides = array<i32>} : memref<101x32xf32, #tpu.memory_space<vmem>>, vector<1x16xf32>,
      %get3A_577 = vector.shape_cast %get3A_576 : vector<1x16xf32> to vector<16xf32>
      %swap3A_578 = arith.index_cast %add3A_560 : i32 to index
      %swap3A_579 = arith.constant 48 : index
      %swap3A_580 = tpu.vector_load %arg18[%swap3A_578, %swap3A_579] {strides = array<i32>} : memref<512x96xf32, #tpu.memory_space<vmem>>, vector<1x16xf32>,
      %swap3A_581 = vector.shape_cast %swap3A_580 : vector<1x16xf32> to vector<16xf32>
      %swap3A_582 = vector.shape_cast %get3A_577 : vector<16xf32> to vector<1x16xf32>
      tpu.vector_store %arg18[%swap3A_578, %swap3A_579], %swap3A_582 {strides = array<i32>} : memref<512x96xf32, #tpu.memory_space<vmem>>, vector<1x16xf32>,
      %get3A_583 = arith.index_cast %squeeze3A_564 : i32 to index
      %get3A_584 = arith.constant 0 : index
      %get3A_585 = tpu.vector_load %arg14[%get3A_583, %get3A_584] {strides = array<i32>} : memref<21x32xf32, #tpu.memory_space<vmem>>, vector<1x16xf32>,
      %get3A_586 = vector.shape_cast %get3A_585 : vector<1x16xf32> to vector<16xf32>
      %swap3A_587 = arith.index_cast %add3A_560 : i32 to index
      %swap3A_588 = arith.constant 64 : index
      %swap3A_589 = tpu.vector_load %arg18[%swap3A_587, %swap3A_588] {strides = array<i32>} : memref<512x96xf32, #tpu.memory_space<vmem>>, vector<1x16xf32>,
      %swap3A_590 = vector.shape_cast %swap3A_589 : vector<1x16xf32> to vector<16xf32>
      %swap3A_591 = vector.shape_cast %get3A_586 : vector<16xf32> to vector<1x16xf32>
      tpu.vector_store %arg18[%swap3A_587, %swap3A_588], %swap3A_591 {strides = array<i32>} : memref<512x96xf32, #tpu.memory_space<vmem>>, vector<1x16xf32>,
      %get3A_592 = arith.index_cast %squeeze3A_564 : i32 to index
      %get3A_593 = arith.constant 16 : index
      %get3A_594 = tpu.vector_load %arg14[%get3A_592, %get3A_593] {strides = array<i32>} : memref<21x32xf32, #tpu.memory_space<vmem>>, vector<1x16xf32>,
      %get3A_595 = vector.shape_cast %get3A_594 : vector<1x16xf32> to vector<16xf32>
      %swap3A_596 = arith.index_cast %add3A_560 : i32 to index
      %swap3A_597 = arith.constant 80 : index
      %swap3A_598 = tpu.vector_load %arg18[%swap3A_596, %swap3A_597] {strides = array<i32>} : memref<512x96xf32, #tpu.memory_space<vmem>>, vector<1x16xf32>,
      %swap3A_599 = vector.shape_cast %swap3A_598 : vector<1x16xf32> to vector<16xf32>
      %swap3A_600 = vector.shape_cast %get3A_595 : vector<16xf32> to vector<1x16xf32>
      tpu.vector_store %arg18[%swap3A_596, %swap3A_597], %swap3A_600 {strides = array<i32>} : memref<512x96xf32, #tpu.memory_space<vmem>>, vector<1x16xf32>,
      %add3A_601 = arith.constant 5 : i32
      %add3A_602 = arith.addi %mul3A_52, %add3A_601 : i32
      %slice3A_603 = vector.extract_strided_slice %get3A_389 {offsets = [5], sizes = [1], strides = [1]} : vector<16xi32> to vector<1xi32>
      %squeeze3A_604 = vector.extract %slice3A_603[0] : i32 from vector<1xi32>
      %slice3A_605 = vector.extract_strided_slice %get3A_392 {offsets = [5], sizes = [1], strides = [1]} : vector<16xi32> to vector<1xi32>
      %squeeze3A_606 = vector.extract %slice3A_605[0] : i32 from vector<1xi32>
      %get3A_607 = arith.index_cast %squeeze3A_604 : i32 to index
      %get3A_608 = arith.constant 0 : index
      %get3A_609 = tpu.vector_load %arg13[%get3A_607, %get3A_608] {strides = array<i32>} : memref<101x32xf32, #tpu.memory_space<vmem>>, vector<1x16xf32>,
      %get3A_610 = vector.shape_cast %get3A_609 : vector<1x16xf32> to vector<16xf32>
      %swap3A_611 = arith.index_cast %add3A_602 : i32 to index
      %swap3A_612 = arith.constant 32 : index
      %swap3A_613 = tpu.vector_load %arg18[%swap3A_611, %swap3A_612] {strides = array<i32>} : memref<512x96xf32, #tpu.memory_space<vmem>>, vector<1x16xf32>,
      %swap3A_614 = vector.shape_cast %swap3A_613 : vector<1x16xf32> to vector<16xf32>
      %swap3A_615 = vector.shape_cast %get3A_610 : vector<16xf32> to vector<1x16xf32>
      tpu.vector_store %arg18[%swap3A_611, %swap3A_612], %swap3A_615 {strides = array<i32>} : memref<512x96xf32, #tpu.memory_space<vmem>>, vector<1x16xf32>,
      %get3A_616 = arith.index_cast %squeeze3A_604 : i32 to index
      %get3A_617 = arith.constant 16 : index
      %get3A_618 = tpu.vector_load %arg13[%get3A_616, %get3A_617] {strides = array<i32>} : memref<101x32xf32, #tpu.memory_space<vmem>>, vector<1x16xf32>,
      %get3A_619 = vector.shape_cast %get3A_618 : vector<1x16xf32> to vector<16xf32>
      %swap3A_620 = arith.index_cast %add3A_602 : i32 to index
      %swap3A_621 = arith.constant 48 : index
      %swap3A_622 = tpu.vector_load %arg18[%swap3A_620, %swap3A_621] {strides = array<i32>} : memref<512x96xf32, #tpu.memory_space<vmem>>, vector<1x16xf32>,
      %swap3A_623 = vector.shape_cast %swap3A_622 : vector<1x16xf32> to vector<16xf32>
      %swap3A_624 = vector.shape_cast %get3A_619 : vector<16xf32> to vector<1x16xf32>
      tpu.vector_store %arg18[%swap3A_620, %swap3A_621], %swap3A_624 {strides = array<i32>} : memref<512x96xf32, #tpu.memory_space<vmem>>, vector<1x16xf32>,
      %get3A_625 = arith.index_cast %squeeze3A_606 : i32 to index
      %get3A_626 = arith.constant 0 : index
      %get3A_627 = tpu.vector_load %arg14[%get3A_625, %get3A_626] {strides = array<i32>} : memref<21x32xf32, #tpu.memory_space<vmem>>, vector<1x16xf32>,
      %get3A_628 = vector.shape_cast %get3A_627 : vector<1x16xf32> to vector<16xf32>
      %swap3A_629 = arith.index_cast %add3A_602 : i32 to index
      %swap3A_630 = arith.constant 64 : index
      %swap3A_631 = tpu.vector_load %arg18[%swap3A_629, %swap3A_630] {strides = array<i32>} : memref<512x96xf32, #tpu.memory_space<vmem>>, vector<1x16xf32>,
      %swap3A_632 = vector.shape_cast %swap3A_631 : vector<1x16xf32> to vector<16xf32>
      %swap3A_633 = vector.shape_cast %get3A_628 : vector<16xf32> to vector<1x16xf32>
      tpu.vector_store %arg18[%swap3A_629, %swap3A_630], %swap3A_633 {strides = array<i32>} : memref<512x96xf32, #tpu.memory_space<vmem>>, vector<1x16xf32>,
      %get3A_634 = arith.index_cast %squeeze3A_606 : i32 to index
      %get3A_635 = arith.constant 16 : index
      %get3A_636 = tpu.vector_load %arg14[%get3A_634, %get3A_635] {strides = array<i32>} : memref<21x32xf32, #tpu.memory_space<vmem>>, vector<1x16xf32>,
      %get3A_637 = vector.shape_cast %get3A_636 : vector<1x16xf32> to vector<16xf32>
      %swap3A_638 = arith.index_cast %add3A_602 : i32 to index
      %swap3A_639 = arith.constant 80 : index
      %swap3A_640 = tpu.vector_load %arg18[%swap3A_638, %swap3A_639] {strides = array<i32>} : memref<512x96xf32, #tpu.memory_space<vmem>>, vector<1x16xf32>,
      %swap3A_641 = vector.shape_cast %swap3A_640 : vector<1x16xf32> to vector<16xf32>
      %swap3A_642 = vector.shape_cast %get3A_637 : vector<16xf32> to vector<1x16xf32>
      tpu.vector_store %arg18[%swap3A_638, %swap3A_639], %swap3A_642 {strides = array<i32>} : memref<512x96xf32, #tpu.memory_space<vmem>>, vector<1x16xf32>,
      %add3A_643 = arith.constant 6 : i32
      %add3A_644 = arith.addi %mul3A_52, %add3A_643 : i32
      %slice3A_645 = vector.extract_strided_slice %get3A_389 {offsets = [6], sizes = [1], strides = [1]} : vector<16xi32> to vector<1xi32>
      %squeeze3A_646 = vector.extract %slice3A_645[0] : i32 from vector<1xi32>
      %slice3A_647 = vector.extract_strided_slice %get3A_392 {offsets = [6], sizes = [1], strides = [1]} : vector<16xi32> to vector<1xi32>
      %squeeze3A_648 = vector.extract %slice3A_647[0] : i32 from vector<1xi32>
      %get3A_649 = arith.index_cast %squeeze3A_646 : i32 to index
      %get3A_650 = arith.constant 0 : index
      %get3A_651 = tpu.vector_load %arg13[%get3A_649, %get3A_650] {strides = array<i32>} : memref<101x32xf32, #tpu.memory_space<vmem>>, vector<1x16xf32>,
      %get3A_652 = vector.shape_cast %get3A_651 : vector<1x16xf32> to vector<16xf32>
      %swap3A_653 = arith.index_cast %add3A_644 : i32 to index
      %swap3A_654 = arith.constant 32 : index
      %swap3A_655 = tpu.vector_load %arg18[%swap3A_653, %swap3A_654] {strides = array<i32>} : memref<512x96xf32, #tpu.memory_space<vmem>>, vector<1x16xf32>,
      %swap3A_656 = vector.shape_cast %swap3A_655 : vector<1x16xf32> to vector<16xf32>
      %swap3A_657 = vector.shape_cast %get3A_652 : vector<16xf32> to vector<1x16xf32>
      tpu.vector_store %arg18[%swap3A_653, %swap3A_654], %swap3A_657 {strides = array<i32>} : memref<512x96xf32, #tpu.memory_space<vmem>>, vector<1x16xf32>,
      %get3A_658 = arith.index_cast %squeeze3A_646 : i32 to index
      %get3A_659 = arith.constant 16 : index
      %get3A_660 = tpu.vector_load %arg13[%get3A_658, %get3A_659] {strides = array<i32>} : memref<101x32xf32, #tpu.memory_space<vmem>>, vector<1x16xf32>,
      %get3A_661 = vector.shape_cast %get3A_660 : vector<1x16xf32> to vector<16xf32>
      %swap3A_662 = arith.index_cast %add3A_644 : i32 to index
      %swap3A_663 = arith.constant 48 : index
      %swap3A_664 = tpu.vector_load %arg18[%swap3A_662, %swap3A_663] {strides = array<i32>} : memref<512x96xf32, #tpu.memory_space<vmem>>, vector<1x16xf32>,
      %swap3A_665 = vector.shape_cast %swap3A_664 : vector<1x16xf32> to vector<16xf32>
      %swap3A_666 = vector.shape_cast %get3A_661 : vector<16xf32> to vector<1x16xf32>
      tpu.vector_store %arg18[%swap3A_662, %swap3A_663], %swap3A_666 {strides = array<i32>} : memref<512x96xf32, #tpu.memory_space<vmem>>, vector<1x16xf32>,
      %get3A_667 = arith.index_cast %squeeze3A_648 : i32 to index
      %get3A_668 = arith.constant 0 : index
      %get3A_669 = tpu.vector_load %arg14[%get3A_667, %get3A_668] {strides = array<i32>} : memref<21x32xf32, #tpu.memory_space<vmem>>, vector<1x16xf32>,
      %get3A_670 = vector.shape_cast %get3A_669 : vector<1x16xf32> to vector<16xf32>
      %swap3A_671 = arith.index_cast %add3A_644 : i32 to index
      %swap3A_672 = arith.constant 64 : index
      %swap3A_673 = tpu.vector_load %arg18[%swap3A_671, %swap3A_672] {strides = array<i32>} : memref<512x96xf32, #tpu.memory_space<vmem>>, vector<1x16xf32>,
      %swap3A_674 = vector.shape_cast %swap3A_673 : vector<1x16xf32> to vector<16xf32>
      %swap3A_675 = vector.shape_cast %get3A_670 : vector<16xf32> to vector<1x16xf32>
      tpu.vector_store %arg18[%swap3A_671, %swap3A_672], %swap3A_675 {strides = array<i32>} : memref<512x96xf32, #tpu.memory_space<vmem>>, vector<1x16xf32>,
      %get3A_676 = arith.index_cast %squeeze3A_648 : i32 to index
      %get3A_677 = arith.constant 16 : index
      %get3A_678 = tpu.vector_load %arg14[%get3A_676, %get3A_677] {strides = array<i32>} : memref<21x32xf32, #tpu.memory_space<vmem>>, vector<1x16xf32>,
      %get3A_679 = vector.shape_cast %get3A_678 : vector<1x16xf32> to vector<16xf32>
      %swap3A_680 = arith.index_cast %add3A_644 : i32 to index
      %swap3A_681 = arith.constant 80 : index
      %swap3A_682 = tpu.vector_load %arg18[%swap3A_680, %swap3A_681] {strides = array<i32>} : memref<512x96xf32, #tpu.memory_space<vmem>>, vector<1x16xf32>,
      %swap3A_683 = vector.shape_cast %swap3A_682 : vector<1x16xf32> to vector<16xf32>
      %swap3A_684 = vector.shape_cast %get3A_679 : vector<16xf32> to vector<1x16xf32>
      tpu.vector_store %arg18[%swap3A_680, %swap3A_681], %swap3A_684 {strides = array<i32>} : memref<512x96xf32, #tpu.memory_space<vmem>>, vector<1x16xf32>,
      %add3A_685 = arith.constant 7 : i32
      %add3A_686 = arith.addi %mul3A_52, %add3A_685 : i32
      %slice3A_687 = vector.extract_strided_slice %get3A_389 {offsets = [7], sizes = [1], strides = [1]} : vector<16xi32> to vector<1xi32>
      %squeeze3A_688 = vector.extract %slice3A_687[0] : i32 from vector<1xi32>
      %slice3A_689 = vector.extract_strided_slice %get3A_392 {offsets = [7], sizes = [1], strides = [1]} : vector<16xi32> to vector<1xi32>
      %squeeze3A_690 = vector.extract %slice3A_689[0] : i32 from vector<1xi32>
      %get3A_691 = arith.index_cast %squeeze3A_688 : i32 to index
      %get3A_692 = arith.constant 0 : index
      %get3A_693 = tpu.vector_load %arg13[%get3A_691, %get3A_692] {strides = array<i32>} : memref<101x32xf32, #tpu.memory_space<vmem>>, vector<1x16xf32>,
      %get3A_694 = vector.shape_cast %get3A_693 : vector<1x16xf32> to vector<16xf32>
      %swap3A_695 = arith.index_cast %add3A_686 : i32 to index
      %swap3A_696 = arith.constant 32 : index
      %swap3A_697 = tpu.vector_load %arg18[%swap3A_695, %swap3A_696] {strides = array<i32>} : memref<512x96xf32, #tpu.memory_space<vmem>>, vector<1x16xf32>,
      %swap3A_698 = vector.shape_cast %swap3A_697 : vector<1x16xf32> to vector<16xf32>
      %swap3A_699 = vector.shape_cast %get3A_694 : vector<16xf32> to vector<1x16xf32>
      tpu.vector_store %arg18[%swap3A_695, %swap3A_696], %swap3A_699 {strides = array<i32>} : memref<512x96xf32, #tpu.memory_space<vmem>>, vector<1x16xf32>,
      %get3A_700 = arith.index_cast %squeeze3A_688 : i32 to index
      %get3A_701 = arith.constant 16 : index
      %get3A_702 = tpu.vector_load %arg13[%get3A_700, %get3A_701] {strides = array<i32>} : memref<101x32xf32, #tpu.memory_space<vmem>>, vector<1x16xf32>,
      %get3A_703 = vector.shape_cast %get3A_702 : vector<1x16xf32> to vector<16xf32>
      %swap3A_704 = arith.index_cast %add3A_686 : i32 to index
      %swap3A_705 = arith.constant 48 : index
      %swap3A_706 = tpu.vector_load %arg18[%swap3A_704, %swap3A_705] {strides = array<i32>} : memref<512x96xf32, #tpu.memory_space<vmem>>, vector<1x16xf32>,
      %swap3A_707 = vector.shape_cast %swap3A_706 : vector<1x16xf32> to vector<16xf32>
      %swap3A_708 = vector.shape_cast %get3A_703 : vector<16xf32> to vector<1x16xf32>
      tpu.vector_store %arg18[%swap3A_704, %swap3A_705], %swap3A_708 {strides = array<i32>} : memref<512x96xf32, #tpu.memory_space<vmem>>, vector<1x16xf32>,
      %get3A_709 = arith.index_cast %squeeze3A_690 : i32 to index
      %get3A_710 = arith.constant 0 : index
      %get3A_711 = tpu.vector_load %arg14[%get3A_709, %get3A_710] {strides = array<i32>} : memref<21x32xf32, #tpu.memory_space<vmem>>, vector<1x16xf32>,
      %get3A_712 = vector.shape_cast %get3A_711 : vector<1x16xf32> to vector<16xf32>
      %swap3A_713 = arith.index_cast %add3A_686 : i32 to index
      %swap3A_714 = arith.constant 64 : index
      %swap3A_715 = tpu.vector_load %arg18[%swap3A_713, %swap3A_714] {strides = array<i32>} : memref<512x96xf32, #tpu.memory_space<vmem>>, vector<1x16xf32>,
      %swap3A_716 = vector.shape_cast %swap3A_715 : vector<1x16xf32> to vector<16xf32>
      %swap3A_717 = vector.shape_cast %get3A_712 : vector<16xf32> to vector<1x16xf32>
      tpu.vector_store %arg18[%swap3A_713, %swap3A_714], %swap3A_717 {strides = array<i32>} : memref<512x96xf32, #tpu.memory_space<vmem>>, vector<1x16xf32>,
      %get3A_718 = arith.index_cast %squeeze3A_690 : i32 to index
      %get3A_719 = arith.constant 16 : index
      %get3A_720 = tpu.vector_load %arg14[%get3A_718, %get3A_719] {strides = array<i32>} : memref<21x32xf32, #tpu.memory_space<vmem>>, vector<1x16xf32>,
      %get3A_721 = vector.shape_cast %get3A_720 : vector<1x16xf32> to vector<16xf32>
      %swap3A_722 = arith.index_cast %add3A_686 : i32 to index
      %swap3A_723 = arith.constant 80 : index
      %swap3A_724 = tpu.vector_load %arg18[%swap3A_722, %swap3A_723] {strides = array<i32>} : memref<512x96xf32, #tpu.memory_space<vmem>>, vector<1x16xf32>,
      %swap3A_725 = vector.shape_cast %swap3A_724 : vector<1x16xf32> to vector<16xf32>
      %swap3A_726 = vector.shape_cast %get3A_721 : vector<16xf32> to vector<1x16xf32>
      tpu.vector_store %arg18[%swap3A_722, %swap3A_723], %swap3A_726 {strides = array<i32>} : memref<512x96xf32, #tpu.memory_space<vmem>>, vector<1x16xf32>,
      %add3A_727 = arith.constant 8 : i32
      %add3A_728 = arith.addi %mul3A_52, %add3A_727 : i32
      %slice3A_729 = vector.extract_strided_slice %get3A_389 {offsets = [8], sizes = [1], strides = [1]} : vector<16xi32> to vector<1xi32>
      %squeeze3A_730 = vector.extract %slice3A_729[0] : i32 from vector<1xi32>
      %slice3A_731 = vector.extract_strided_slice %get3A_392 {offsets = [8], sizes = [1], strides = [1]} : vector<16xi32> to vector<1xi32>
      %squeeze3A_732 = vector.extract %slice3A_731[0] : i32 from vector<1xi32>
      %get3A_733 = arith.index_cast %squeeze3A_730 : i32 to index
      %get3A_734 = arith.constant 0 : index
      %get3A_735 = tpu.vector_load %arg13[%get3A_733, %get3A_734] {strides = array<i32>} : memref<101x32xf32, #tpu.memory_space<vmem>>, vector<1x16xf32>,
      %get3A_736 = vector.shape_cast %get3A_735 : vector<1x16xf32> to vector<16xf32>
      %swap3A_737 = arith.index_cast %add3A_728 : i32 to index
      %swap3A_738 = arith.constant 32 : index
      %swap3A_739 = tpu.vector_load %arg18[%swap3A_737, %swap3A_738] {strides = array<i32>} : memref<512x96xf32, #tpu.memory_space<vmem>>, vector<1x16xf32>,
      %swap3A_740 = vector.shape_cast %swap3A_739 : vector<1x16xf32> to vector<16xf32>
      %swap3A_741 = vector.shape_cast %get3A_736 : vector<16xf32> to vector<1x16xf32>
      tpu.vector_store %arg18[%swap3A_737, %swap3A_738], %swap3A_741 {strides = array<i32>} : memref<512x96xf32, #tpu.memory_space<vmem>>, vector<1x16xf32>,
      %get3A_742 = arith.index_cast %squeeze3A_730 : i32 to index
      %get3A_743 = arith.constant 16 : index
      %get3A_744 = tpu.vector_load %arg13[%get3A_742, %get3A_743] {strides = array<i32>} : memref<101x32xf32, #tpu.memory_space<vmem>>, vector<1x16xf32>,
      %get3A_745 = vector.shape_cast %get3A_744 : vector<1x16xf32> to vector<16xf32>
      %swap3A_746 = arith.index_cast %add3A_728 : i32 to index
      %swap3A_747 = arith.constant 48 : index
      %swap3A_748 = tpu.vector_load %arg18[%swap3A_746, %swap3A_747] {strides = array<i32>} : memref<512x96xf32, #tpu.memory_space<vmem>>, vector<1x16xf32>,
      %swap3A_749 = vector.shape_cast %swap3A_748 : vector<1x16xf32> to vector<16xf32>
      %swap3A_750 = vector.shape_cast %get3A_745 : vector<16xf32> to vector<1x16xf32>
      tpu.vector_store %arg18[%swap3A_746, %swap3A_747], %swap3A_750 {strides = array<i32>} : memref<512x96xf32, #tpu.memory_space<vmem>>, vector<1x16xf32>,
      %get3A_751 = arith.index_cast %squeeze3A_732 : i32 to index
      %get3A_752 = arith.constant 0 : index
      %get3A_753 = tpu.vector_load %arg14[%get3A_751, %get3A_752] {strides = array<i32>} : memref<21x32xf32, #tpu.memory_space<vmem>>, vector<1x16xf32>,
      %get3A_754 = vector.shape_cast %get3A_753 : vector<1x16xf32> to vector<16xf32>
      %swap3A_755 = arith.index_cast %add3A_728 : i32 to index
      %swap3A_756 = arith.constant 64 : index
      %swap3A_757 = tpu.vector_load %arg18[%swap3A_755, %swap3A_756] {strides = array<i32>} : memref<512x96xf32, #tpu.memory_space<vmem>>, vector<1x16xf32>,
      %swap3A_758 = vector.shape_cast %swap3A_757 : vector<1x16xf32> to vector<16xf32>
      %swap3A_759 = vector.shape_cast %get3A_754 : vector<16xf32> to vector<1x16xf32>
      tpu.vector_store %arg18[%swap3A_755, %swap3A_756], %swap3A_759 {strides = array<i32>} : memref<512x96xf32, #tpu.memory_space<vmem>>, vector<1x16xf32>,
      %get3A_760 = arith.index_cast %squeeze3A_732 : i32 to index
      %get3A_761 = arith.constant 16 : index
      %get3A_762 = tpu.vector_load %arg14[%get3A_760, %get3A_761] {strides = array<i32>} : memref<21x32xf32, #tpu.memory_space<vmem>>, vector<1x16xf32>,
      %get3A_763 = vector.shape_cast %get3A_762 : vector<1x16xf32> to vector<16xf32>
      %swap3A_764 = arith.index_cast %add3A_728 : i32 to index
      %swap3A_765 = arith.constant 80 : index
      %swap3A_766 = tpu.vector_load %arg18[%swap3A_764, %swap3A_765] {strides = array<i32>} : memref<512x96xf32, #tpu.memory_space<vmem>>, vector<1x16xf32>,
      %swap3A_767 = vector.shape_cast %swap3A_766 : vector<1x16xf32> to vector<16xf32>
      %swap3A_768 = vector.shape_cast %get3A_763 : vector<16xf32> to vector<1x16xf32>
      tpu.vector_store %arg18[%swap3A_764, %swap3A_765], %swap3A_768 {strides = array<i32>} : memref<512x96xf32, #tpu.memory_space<vmem>>, vector<1x16xf32>,
      %add3A_769 = arith.constant 9 : i32
      %add3A_770 = arith.addi %mul3A_52, %add3A_769 : i32
      %slice3A_771 = vector.extract_strided_slice %get3A_389 {offsets = [9], sizes = [1], strides = [1]} : vector<16xi32> to vector<1xi32>
      %squeeze3A_772 = vector.extract %slice3A_771[0] : i32 from vector<1xi32>
      %slice3A_773 = vector.extract_strided_slice %get3A_392 {offsets = [9], sizes = [1], strides = [1]} : vector<16xi32> to vector<1xi32>
      %squeeze3A_774 = vector.extract %slice3A_773[0] : i32 from vector<1xi32>
      %get3A_775 = arith.index_cast %squeeze3A_772 : i32 to index
      %get3A_776 = arith.constant 0 : index
      %get3A_777 = tpu.vector_load %arg13[%get3A_775, %get3A_776] {strides = array<i32>} : memref<101x32xf32, #tpu.memory_space<vmem>>, vector<1x16xf32>,
      %get3A_778 = vector.shape_cast %get3A_777 : vector<1x16xf32> to vector<16xf32>
      %swap3A_779 = arith.index_cast %add3A_770 : i32 to index
      %swap3A_780 = arith.constant 32 : index
      %swap3A_781 = tpu.vector_load %arg18[%swap3A_779, %swap3A_780] {strides = array<i32>} : memref<512x96xf32, #tpu.memory_space<vmem>>, vector<1x16xf32>,
      %swap3A_782 = vector.shape_cast %swap3A_781 : vector<1x16xf32> to vector<16xf32>
      %swap3A_783 = vector.shape_cast %get3A_778 : vector<16xf32> to vector<1x16xf32>
      tpu.vector_store %arg18[%swap3A_779, %swap3A_780], %swap3A_783 {strides = array<i32>} : memref<512x96xf32, #tpu.memory_space<vmem>>, vector<1x16xf32>,
      %get3A_784 = arith.index_cast %squeeze3A_772 : i32 to index
      %get3A_785 = arith.constant 16 : index
      %get3A_786 = tpu.vector_load %arg13[%get3A_784, %get3A_785] {strides = array<i32>} : memref<101x32xf32, #tpu.memory_space<vmem>>, vector<1x16xf32>,
      %get3A_787 = vector.shape_cast %get3A_786 : vector<1x16xf32> to vector<16xf32>
      %swap3A_788 = arith.index_cast %add3A_770 : i32 to index
      %swap3A_789 = arith.constant 48 : index
      %swap3A_790 = tpu.vector_load %arg18[%swap3A_788, %swap3A_789] {strides = array<i32>} : memref<512x96xf32, #tpu.memory_space<vmem>>, vector<1x16xf32>,
      %swap3A_791 = vector.shape_cast %swap3A_790 : vector<1x16xf32> to vector<16xf32>
      %swap3A_792 = vector.shape_cast %get3A_787 : vector<16xf32> to vector<1x16xf32>
      tpu.vector_store %arg18[%swap3A_788, %swap3A_789], %swap3A_792 {strides = array<i32>} : memref<512x96xf32, #tpu.memory_space<vmem>>, vector<1x16xf32>,
      %get3A_793 = arith.index_cast %squeeze3A_774 : i32 to index
      %get3A_794 = arith.constant 0 : index
      %get3A_795 = tpu.vector_load %arg14[%get3A_793, %get3A_794] {strides = array<i32>} : memref<21x32xf32, #tpu.memory_space<vmem>>, vector<1x16xf32>,
      %get3A_796 = vector.shape_cast %get3A_795 : vector<1x16xf32> to vector<16xf32>
      %swap3A_797 = arith.index_cast %add3A_770 : i32 to index
      %swap3A_798 = arith.constant 64 : index
      %swap3A_799 = tpu.vector_load %arg18[%swap3A_797, %swap3A_798] {strides = array<i32>} : memref<512x96xf32, #tpu.memory_space<vmem>>, vector<1x16xf32>,
      %swap3A_800 = vector.shape_cast %swap3A_799 : vector<1x16xf32> to vector<16xf32>
      %swap3A_801 = vector.shape_cast %get3A_796 : vector<16xf32> to vector<1x16xf32>
      tpu.vector_store %arg18[%swap3A_797, %swap3A_798], %swap3A_801 {strides = array<i32>} : memref<512x96xf32, #tpu.memory_space<vmem>>, vector<1x16xf32>,
      %get3A_802 = arith.index_cast %squeeze3A_774 : i32 to index
      %get3A_803 = arith.constant 16 : index
      %get3A_804 = tpu.vector_load %arg14[%get3A_802, %get3A_803] {strides = array<i32>} : memref<21x32xf32, #tpu.memory_space<vmem>>, vector<1x16xf32>,
      %get3A_805 = vector.shape_cast %get3A_804 : vector<1x16xf32> to vector<16xf32>
      %swap3A_806 = arith.index_cast %add3A_770 : i32 to index
      %swap3A_807 = arith.constant 80 : index
      %swap3A_808 = tpu.vector_load %arg18[%swap3A_806, %swap3A_807] {strides = array<i32>} : memref<512x96xf32, #tpu.memory_space<vmem>>, vector<1x16xf32>,
      %swap3A_809 = vector.shape_cast %swap3A_808 : vector<1x16xf32> to vector<16xf32>
      %swap3A_810 = vector.shape_cast %get3A_805 : vector<16xf32> to vector<1x16xf32>
      tpu.vector_store %arg18[%swap3A_806, %swap3A_807], %swap3A_810 {strides = array<i32>} : memref<512x96xf32, #tpu.memory_space<vmem>>, vector<1x16xf32>,
      %add3A_811 = arith.constant 10 : i32
      %add3A_812 = arith.addi %mul3A_52, %add3A_811 : i32
      %slice3A_813 = vector.extract_strided_slice %get3A_389 {offsets = [10], sizes = [1], strides = [1]} : vector<16xi32> to vector<1xi32>
      %squeeze3A_814 = vector.extract %slice3A_813[0] : i32 from vector<1xi32>
      %slice3A_815 = vector.extract_strided_slice %get3A_392 {offsets = [10], sizes = [1], strides = [1]} : vector<16xi32> to vector<1xi32>
      %squeeze3A_816 = vector.extract %slice3A_815[0] : i32 from vector<1xi32>
      %get3A_817 = arith.index_cast %squeeze3A_814 : i32 to index
      %get3A_818 = arith.constant 0 : index
      %get3A_819 = tpu.vector_load %arg13[%get3A_817, %get3A_818] {strides = array<i32>} : memref<101x32xf32, #tpu.memory_space<vmem>>, vector<1x16xf32>,
      %get3A_820 = vector.shape_cast %get3A_819 : vector<1x16xf32> to vector<16xf32>
      %swap3A_821 = arith.index_cast %add3A_812 : i32 to index
      %swap3A_822 = arith.constant 32 : index
      %swap3A_823 = tpu.vector_load %arg18[%swap3A_821, %swap3A_822] {strides = array<i32>} : memref<512x96xf32, #tpu.memory_space<vmem>>, vector<1x16xf32>,
      %swap3A_824 = vector.shape_cast %swap3A_823 : vector<1x16xf32> to vector<16xf32>
      %swap3A_825 = vector.shape_cast %get3A_820 : vector<16xf32> to vector<1x16xf32>
      tpu.vector_store %arg18[%swap3A_821, %swap3A_822], %swap3A_825 {strides = array<i32>} : memref<512x96xf32, #tpu.memory_space<vmem>>, vector<1x16xf32>,
      %get3A_826 = arith.index_cast %squeeze3A_814 : i32 to index
      %get3A_827 = arith.constant 16 : index
      %get3A_828 = tpu.vector_load %arg13[%get3A_826, %get3A_827] {strides = array<i32>} : memref<101x32xf32, #tpu.memory_space<vmem>>, vector<1x16xf32>,
      %get3A_829 = vector.shape_cast %get3A_828 : vector<1x16xf32> to vector<16xf32>
      %swap3A_830 = arith.index_cast %add3A_812 : i32 to index
      %swap3A_831 = arith.constant 48 : index
      %swap3A_832 = tpu.vector_load %arg18[%swap3A_830, %swap3A_831] {strides = array<i32>} : memref<512x96xf32, #tpu.memory_space<vmem>>, vector<1x16xf32>,
      %swap3A_833 = vector.shape_cast %swap3A_832 : vector<1x16xf32> to vector<16xf32>
      %swap3A_834 = vector.shape_cast %get3A_829 : vector<16xf32> to vector<1x16xf32>
      tpu.vector_store %arg18[%swap3A_830, %swap3A_831], %swap3A_834 {strides = array<i32>} : memref<512x96xf32, #tpu.memory_space<vmem>>, vector<1x16xf32>,
      %get3A_835 = arith.index_cast %squeeze3A_816 : i32 to index
      %get3A_836 = arith.constant 0 : index
      %get3A_837 = tpu.vector_load %arg14[%get3A_835, %get3A_836] {strides = array<i32>} : memref<21x32xf32, #tpu.memory_space<vmem>>, vector<1x16xf32>,
      %get3A_838 = vector.shape_cast %get3A_837 : vector<1x16xf32> to vector<16xf32>
      %swap3A_839 = arith.index_cast %add3A_812 : i32 to index
      %swap3A_840 = arith.constant 64 : index
      %swap3A_841 = tpu.vector_load %arg18[%swap3A_839, %swap3A_840] {strides = array<i32>} : memref<512x96xf32, #tpu.memory_space<vmem>>, vector<1x16xf32>,
      %swap3A_842 = vector.shape_cast %swap3A_841 : vector<1x16xf32> to vector<16xf32>
      %swap3A_843 = vector.shape_cast %get3A_838 : vector<16xf32> to vector<1x16xf32>
      tpu.vector_store %arg18[%swap3A_839, %swap3A_840], %swap3A_843 {strides = array<i32>} : memref<512x96xf32, #tpu.memory_space<vmem>>, vector<1x16xf32>,
      %get3A_844 = arith.index_cast %squeeze3A_816 : i32 to index
      %get3A_845 = arith.constant 16 : index
      %get3A_846 = tpu.vector_load %arg14[%get3A_844, %get3A_845] {strides = array<i32>} : memref<21x32xf32, #tpu.memory_space<vmem>>, vector<1x16xf32>,
      %get3A_847 = vector.shape_cast %get3A_846 : vector<1x16xf32> to vector<16xf32>
      %swap3A_848 = arith.index_cast %add3A_812 : i32 to index
      %swap3A_849 = arith.constant 80 : index
      %swap3A_850 = tpu.vector_load %arg18[%swap3A_848, %swap3A_849] {strides = array<i32>} : memref<512x96xf32, #tpu.memory_space<vmem>>, vector<1x16xf32>,
      %swap3A_851 = vector.shape_cast %swap3A_850 : vector<1x16xf32> to vector<16xf32>
      %swap3A_852 = vector.shape_cast %get3A_847 : vector<16xf32> to vector<1x16xf32>
      tpu.vector_store %arg18[%swap3A_848, %swap3A_849], %swap3A_852 {strides = array<i32>} : memref<512x96xf32, #tpu.memory_space<vmem>>, vector<1x16xf32>,
      %add3A_853 = arith.constant 11 : i32
      %add3A_854 = arith.addi %mul3A_52, %add3A_853 : i32
      %slice3A_855 = vector.extract_strided_slice %get3A_389 {offsets = [11], sizes = [1], strides = [1]} : vector<16xi32> to vector<1xi32>
      %squeeze3A_856 = vector.extract %slice3A_855[0] : i32 from vector<1xi32>
      %slice3A_857 = vector.extract_strided_slice %get3A_392 {offsets = [11], sizes = [1], strides = [1]} : vector<16xi32> to vector<1xi32>
      %squeeze3A_858 = vector.extract %slice3A_857[0] : i32 from vector<1xi32>
      %get3A_859 = arith.index_cast %squeeze3A_856 : i32 to index
      %get3A_860 = arith.constant 0 : index
      %get3A_861 = tpu.vector_load %arg13[%get3A_859, %get3A_860] {strides = array<i32>} : memref<101x32xf32, #tpu.memory_space<vmem>>, vector<1x16xf32>,
      %get3A_862 = vector.shape_cast %get3A_861 : vector<1x16xf32> to vector<16xf32>
      %swap3A_863 = arith.index_cast %add3A_854 : i32 to index
      %swap3A_864 = arith.constant 32 : index
      %swap3A_865 = tpu.vector_load %arg18[%swap3A_863, %swap3A_864] {strides = array<i32>} : memref<512x96xf32, #tpu.memory_space<vmem>>, vector<1x16xf32>,
      %swap3A_866 = vector.shape_cast %swap3A_865 : vector<1x16xf32> to vector<16xf32>
      %swap3A_867 = vector.shape_cast %get3A_862 : vector<16xf32> to vector<1x16xf32>
      tpu.vector_store %arg18[%swap3A_863, %swap3A_864], %swap3A_867 {strides = array<i32>} : memref<512x96xf32, #tpu.memory_space<vmem>>, vector<1x16xf32>,
      %get3A_868 = arith.index_cast %squeeze3A_856 : i32 to index
      %get3A_869 = arith.constant 16 : index
      %get3A_870 = tpu.vector_load %arg13[%get3A_868, %get3A_869] {strides = array<i32>} : memref<101x32xf32, #tpu.memory_space<vmem>>, vector<1x16xf32>,
      %get3A_871 = vector.shape_cast %get3A_870 : vector<1x16xf32> to vector<16xf32>
      %swap3A_872 = arith.index_cast %add3A_854 : i32 to index
      %swap3A_873 = arith.constant 48 : index
      %swap3A_874 = tpu.vector_load %arg18[%swap3A_872, %swap3A_873] {strides = array<i32>} : memref<512x96xf32, #tpu.memory_space<vmem>>, vector<1x16xf32>,
      %swap3A_875 = vector.shape_cast %swap3A_874 : vector<1x16xf32> to vector<16xf32>
      %swap3A_876 = vector.shape_cast %get3A_871 : vector<16xf32> to vector<1x16xf32>
      tpu.vector_store %arg18[%swap3A_872, %swap3A_873], %swap3A_876 {strides = array<i32>} : memref<512x96xf32, #tpu.memory_space<vmem>>, vector<1x16xf32>,
      %get3A_877 = arith.index_cast %squeeze3A_858 : i32 to index
      %get3A_878 = arith.constant 0 : index
      %get3A_879 = tpu.vector_load %arg14[%get3A_877, %get3A_878] {strides = array<i32>} : memref<21x32xf32, #tpu.memory_space<vmem>>, vector<1x16xf32>,
      %get3A_880 = vector.shape_cast %get3A_879 : vector<1x16xf32> to vector<16xf32>
      %swap3A_881 = arith.index_cast %add3A_854 : i32 to index
      %swap3A_882 = arith.constant 64 : index
      %swap3A_883 = tpu.vector_load %arg18[%swap3A_881, %swap3A_882] {strides = array<i32>} : memref<512x96xf32, #tpu.memory_space<vmem>>, vector<1x16xf32>,
      %swap3A_884 = vector.shape_cast %swap3A_883 : vector<1x16xf32> to vector<16xf32>
      %swap3A_885 = vector.shape_cast %get3A_880 : vector<16xf32> to vector<1x16xf32>
      tpu.vector_store %arg18[%swap3A_881, %swap3A_882], %swap3A_885 {strides = array<i32>} : memref<512x96xf32, #tpu.memory_space<vmem>>, vector<1x16xf32>,
      %get3A_886 = arith.index_cast %squeeze3A_858 : i32 to index
      %get3A_887 = arith.constant 16 : index
      %get3A_888 = tpu.vector_load %arg14[%get3A_886, %get3A_887] {strides = array<i32>} : memref<21x32xf32, #tpu.memory_space<vmem>>, vector<1x16xf32>,
      %get3A_889 = vector.shape_cast %get3A_888 : vector<1x16xf32> to vector<16xf32>
      %swap3A_890 = arith.index_cast %add3A_854 : i32 to index
      %swap3A_891 = arith.constant 80 : index
      %swap3A_892 = tpu.vector_load %arg18[%swap3A_890, %swap3A_891] {strides = array<i32>} : memref<512x96xf32, #tpu.memory_space<vmem>>, vector<1x16xf32>,
      %swap3A_893 = vector.shape_cast %swap3A_892 : vector<1x16xf32> to vector<16xf32>
      %swap3A_894 = vector.shape_cast %get3A_889 : vector<16xf32> to vector<1x16xf32>
      tpu.vector_store %arg18[%swap3A_890, %swap3A_891], %swap3A_894 {strides = array<i32>} : memref<512x96xf32, #tpu.memory_space<vmem>>, vector<1x16xf32>,
      %add3A_895 = arith.constant 12 : i32
      %add3A_896 = arith.addi %mul3A_52, %add3A_895 : i32
      %slice3A_897 = vector.extract_strided_slice %get3A_389 {offsets = [12], sizes = [1], strides = [1]} : vector<16xi32> to vector<1xi32>
      %squeeze3A_898 = vector.extract %slice3A_897[0] : i32 from vector<1xi32>
      %slice3A_899 = vector.extract_strided_slice %get3A_392 {offsets = [12], sizes = [1], strides = [1]} : vector<16xi32> to vector<1xi32>
      %squeeze3A_900 = vector.extract %slice3A_899[0] : i32 from vector<1xi32>
      %get3A_901 = arith.index_cast %squeeze3A_898 : i32 to index
      %get3A_902 = arith.constant 0 : index
      %get3A_903 = tpu.vector_load %arg13[%get3A_901, %get3A_902] {strides = array<i32>} : memref<101x32xf32, #tpu.memory_space<vmem>>, vector<1x16xf32>,
      %get3A_904 = vector.shape_cast %get3A_903 : vector<1x16xf32> to vector<16xf32>
      %swap3A_905 = arith.index_cast %add3A_896 : i32 to index
      %swap3A_906 = arith.constant 32 : index
      %swap3A_907 = tpu.vector_load %arg18[%swap3A_905, %swap3A_906] {strides = array<i32>} : memref<512x96xf32, #tpu.memory_space<vmem>>, vector<1x16xf32>,
      %swap3A_908 = vector.shape_cast %swap3A_907 : vector<1x16xf32> to vector<16xf32>
      %swap3A_909 = vector.shape_cast %get3A_904 : vector<16xf32> to vector<1x16xf32>
      tpu.vector_store %arg18[%swap3A_905, %swap3A_906], %swap3A_909 {strides = array<i32>} : memref<512x96xf32, #tpu.memory_space<vmem>>, vector<1x16xf32>,
      %get3A_910 = arith.index_cast %squeeze3A_898 : i32 to index
      %get3A_911 = arith.constant 16 : index
      %get3A_912 = tpu.vector_load %arg13[%get3A_910, %get3A_911] {strides = array<i32>} : memref<101x32xf32, #tpu.memory_space<vmem>>, vector<1x16xf32>,
      %get3A_913 = vector.shape_cast %get3A_912 : vector<1x16xf32> to vector<16xf32>
      %swap3A_914 = arith.index_cast %add3A_896 : i32 to index
      %swap3A_915 = arith.constant 48 : index
      %swap3A_916 = tpu.vector_load %arg18[%swap3A_914, %swap3A_915] {strides = array<i32>} : memref<512x96xf32, #tpu.memory_space<vmem>>, vector<1x16xf32>,
      %swap3A_917 = vector.shape_cast %swap3A_916 : vector<1x16xf32> to vector<16xf32>
      %swap3A_918 = vector.shape_cast %get3A_913 : vector<16xf32> to vector<1x16xf32>
      tpu.vector_store %arg18[%swap3A_914, %swap3A_915], %swap3A_918 {strides = array<i32>} : memref<512x96xf32, #tpu.memory_space<vmem>>, vector<1x16xf32>,
      %get3A_919 = arith.index_cast %squeeze3A_900 : i32 to index
      %get3A_920 = arith.constant 0 : index
      %get3A_921 = tpu.vector_load %arg14[%get3A_919, %get3A_920] {strides = array<i32>} : memref<21x32xf32, #tpu.memory_space<vmem>>, vector<1x16xf32>,
      %get3A_922 = vector.shape_cast %get3A_921 : vector<1x16xf32> to vector<16xf32>
      %swap3A_923 = arith.index_cast %add3A_896 : i32 to index
      %swap3A_924 = arith.constant 64 : index
      %swap3A_925 = tpu.vector_load %arg18[%swap3A_923, %swap3A_924] {strides = array<i32>} : memref<512x96xf32, #tpu.memory_space<vmem>>, vector<1x16xf32>,
      %swap3A_926 = vector.shape_cast %swap3A_925 : vector<1x16xf32> to vector<16xf32>
      %swap3A_927 = vector.shape_cast %get3A_922 : vector<16xf32> to vector<1x16xf32>
      tpu.vector_store %arg18[%swap3A_923, %swap3A_924], %swap3A_927 {strides = array<i32>} : memref<512x96xf32, #tpu.memory_space<vmem>>, vector<1x16xf32>,
      %get3A_928 = arith.index_cast %squeeze3A_900 : i32 to index
      %get3A_929 = arith.constant 16 : index
      %get3A_930 = tpu.vector_load %arg14[%get3A_928, %get3A_929] {strides = array<i32>} : memref<21x32xf32, #tpu.memory_space<vmem>>, vector<1x16xf32>,
      %get3A_931 = vector.shape_cast %get3A_930 : vector<1x16xf32> to vector<16xf32>
      %swap3A_932 = arith.index_cast %add3A_896 : i32 to index
      %swap3A_933 = arith.constant 80 : index
      %swap3A_934 = tpu.vector_load %arg18[%swap3A_932, %swap3A_933] {strides = array<i32>} : memref<512x96xf32, #tpu.memory_space<vmem>>, vector<1x16xf32>,
      %swap3A_935 = vector.shape_cast %swap3A_934 : vector<1x16xf32> to vector<16xf32>
      %swap3A_936 = vector.shape_cast %get3A_931 : vector<16xf32> to vector<1x16xf32>
      tpu.vector_store %arg18[%swap3A_932, %swap3A_933], %swap3A_936 {strides = array<i32>} : memref<512x96xf32, #tpu.memory_space<vmem>>, vector<1x16xf32>,
      %add3A_937 = arith.constant 13 : i32
      %add3A_938 = arith.addi %mul3A_52, %add3A_937 : i32
      %slice3A_939 = vector.extract_strided_slice %get3A_389 {offsets = [13], sizes = [1], strides = [1]} : vector<16xi32> to vector<1xi32>
      %squeeze3A_940 = vector.extract %slice3A_939[0] : i32 from vector<1xi32>
      %slice3A_941 = vector.extract_strided_slice %get3A_392 {offsets = [13], sizes = [1], strides = [1]} : vector<16xi32> to vector<1xi32>
      %squeeze3A_942 = vector.extract %slice3A_941[0] : i32 from vector<1xi32>
      %get3A_943 = arith.index_cast %squeeze3A_940 : i32 to index
      %get3A_944 = arith.constant 0 : index
      %get3A_945 = tpu.vector_load %arg13[%get3A_943, %get3A_944] {strides = array<i32>} : memref<101x32xf32, #tpu.memory_space<vmem>>, vector<1x16xf32>,
      %get3A_946 = vector.shape_cast %get3A_945 : vector<1x16xf32> to vector<16xf32>
      %swap3A_947 = arith.index_cast %add3A_938 : i32 to index
      %swap3A_948 = arith.constant 32 : index
      %swap3A_949 = tpu.vector_load %arg18[%swap3A_947, %swap3A_948] {strides = array<i32>} : memref<512x96xf32, #tpu.memory_space<vmem>>, vector<1x16xf32>,
      %swap3A_950 = vector.shape_cast %swap3A_949 : vector<1x16xf32> to vector<16xf32>
      %swap3A_951 = vector.shape_cast %get3A_946 : vector<16xf32> to vector<1x16xf32>
      tpu.vector_store %arg18[%swap3A_947, %swap3A_948], %swap3A_951 {strides = array<i32>} : memref<512x96xf32, #tpu.memory_space<vmem>>, vector<1x16xf32>,
      %get3A_952 = arith.index_cast %squeeze3A_940 : i32 to index
      %get3A_953 = arith.constant 16 : index
      %get3A_954 = tpu.vector_load %arg13[%get3A_952, %get3A_953] {strides = array<i32>} : memref<101x32xf32, #tpu.memory_space<vmem>>, vector<1x16xf32>,
      %get3A_955 = vector.shape_cast %get3A_954 : vector<1x16xf32> to vector<16xf32>
      %swap3A_956 = arith.index_cast %add3A_938 : i32 to index
      %swap3A_957 = arith.constant 48 : index
      %swap3A_958 = tpu.vector_load %arg18[%swap3A_956, %swap3A_957] {strides = array<i32>} : memref<512x96xf32, #tpu.memory_space<vmem>>, vector<1x16xf32>,
      %swap3A_959 = vector.shape_cast %swap3A_958 : vector<1x16xf32> to vector<16xf32>
      %swap3A_960 = vector.shape_cast %get3A_955 : vector<16xf32> to vector<1x16xf32>
      tpu.vector_store %arg18[%swap3A_956, %swap3A_957], %swap3A_960 {strides = array<i32>} : memref<512x96xf32, #tpu.memory_space<vmem>>, vector<1x16xf32>,
      %get3A_961 = arith.index_cast %squeeze3A_942 : i32 to index
      %get3A_962 = arith.constant 0 : index
      %get3A_963 = tpu.vector_load %arg14[%get3A_961, %get3A_962] {strides = array<i32>} : memref<21x32xf32, #tpu.memory_space<vmem>>, vector<1x16xf32>,
      %get3A_964 = vector.shape_cast %get3A_963 : vector<1x16xf32> to vector<16xf32>
      %swap3A_965 = arith.index_cast %add3A_938 : i32 to index
      %swap3A_966 = arith.constant 64 : index
      %swap3A_967 = tpu.vector_load %arg18[%swap3A_965, %swap3A_966] {strides = array<i32>} : memref<512x96xf32, #tpu.memory_space<vmem>>, vector<1x16xf32>,
      %swap3A_968 = vector.shape_cast %swap3A_967 : vector<1x16xf32> to vector<16xf32>
      %swap3A_969 = vector.shape_cast %get3A_964 : vector<16xf32> to vector<1x16xf32>
      tpu.vector_store %arg18[%swap3A_965, %swap3A_966], %swap3A_969 {strides = array<i32>} : memref<512x96xf32, #tpu.memory_space<vmem>>, vector<1x16xf32>,
      %get3A_970 = arith.index_cast %squeeze3A_942 : i32 to index
      %get3A_971 = arith.constant 16 : index
      %get3A_972 = tpu.vector_load %arg14[%get3A_970, %get3A_971] {strides = array<i32>} : memref<21x32xf32, #tpu.memory_space<vmem>>, vector<1x16xf32>,
      %get3A_973 = vector.shape_cast %get3A_972 : vector<1x16xf32> to vector<16xf32>
      %swap3A_974 = arith.index_cast %add3A_938 : i32 to index
      %swap3A_975 = arith.constant 80 : index
      %swap3A_976 = tpu.vector_load %arg18[%swap3A_974, %swap3A_975] {strides = array<i32>} : memref<512x96xf32, #tpu.memory_space<vmem>>, vector<1x16xf32>,
      %swap3A_977 = vector.shape_cast %swap3A_976 : vector<1x16xf32> to vector<16xf32>
      %swap3A_978 = vector.shape_cast %get3A_973 : vector<16xf32> to vector<1x16xf32>
      tpu.vector_store %arg18[%swap3A_974, %swap3A_975], %swap3A_978 {strides = array<i32>} : memref<512x96xf32, #tpu.memory_space<vmem>>, vector<1x16xf32>,
      %add3A_979 = arith.constant 14 : i32
      %add3A_980 = arith.addi %mul3A_52, %add3A_979 : i32
      %slice3A_981 = vector.extract_strided_slice %get3A_389 {offsets = [14], sizes = [1], strides = [1]} : vector<16xi32> to vector<1xi32>
      %squeeze3A_982 = vector.extract %slice3A_981[0] : i32 from vector<1xi32>
      %slice3A_983 = vector.extract_strided_slice %get3A_392 {offsets = [14], sizes = [1], strides = [1]} : vector<16xi32> to vector<1xi32>
      %squeeze3A_984 = vector.extract %slice3A_983[0] : i32 from vector<1xi32>
      %get3A_985 = arith.index_cast %squeeze3A_982 : i32 to index
      %get3A_986 = arith.constant 0 : index
      %get3A_987 = tpu.vector_load %arg13[%get3A_985, %get3A_986] {strides = array<i32>} : memref<101x32xf32, #tpu.memory_space<vmem>>, vector<1x16xf32>,
      %get3A_988 = vector.shape_cast %get3A_987 : vector<1x16xf32> to vector<16xf32>
      %swap3A_989 = arith.index_cast %add3A_980 : i32 to index
      %swap3A_990 = arith.constant 32 : index
      %swap3A_991 = tpu.vector_load %arg18[%swap3A_989, %swap3A_990] {strides = array<i32>} : memref<512x96xf32, #tpu.memory_space<vmem>>, vector<1x16xf32>,
      %swap3A_992 = vector.shape_cast %swap3A_991 : vector<1x16xf32> to vector<16xf32>
      %swap3A_993 = vector.shape_cast %get3A_988 : vector<16xf32> to vector<1x16xf32>
      tpu.vector_store %arg18[%swap3A_989, %swap3A_990], %swap3A_993 {strides = array<i32>} : memref<512x96xf32, #tpu.memory_space<vmem>>, vector<1x16xf32>,
      %get3A_994 = arith.index_cast %squeeze3A_982 : i32 to index
      %get3A_995 = arith.constant 16 : index
      %get3A_996 = tpu.vector_load %arg13[%get3A_994, %get3A_995] {strides = array<i32>} : memref<101x32xf32, #tpu.memory_space<vmem>>, vector<1x16xf32>,
      %get3A_997 = vector.shape_cast %get3A_996 : vector<1x16xf32> to vector<16xf32>
      %swap3A_998 = arith.index_cast %add3A_980 : i32 to index
      %swap3A_999 = arith.constant 48 : index
      %swap3A_1000 = tpu.vector_load %arg18[%swap3A_998, %swap3A_999] {strides = array<i32>} : memref<512x96xf32, #tpu.memory_space<vmem>>, vector<1x16xf32>,
      %swap3A_1001 = vector.shape_cast %swap3A_1000 : vector<1x16xf32> to vector<16xf32>
      %swap3A_1002 = vector.shape_cast %get3A_997 : vector<16xf32> to vector<1x16xf32>
      tpu.vector_store %arg18[%swap3A_998, %swap3A_999], %swap3A_1002 {strides = array<i32>} : memref<512x96xf32, #tpu.memory_space<vmem>>, vector<1x16xf32>,
      %get3A_1003 = arith.index_cast %squeeze3A_984 : i32 to index
      %get3A_1004 = arith.constant 0 : index
      %get3A_1005 = tpu.vector_load %arg14[%get3A_1003, %get3A_1004] {strides = array<i32>} : memref<21x32xf32, #tpu.memory_space<vmem>>, vector<1x16xf32>,
      %get3A_1006 = vector.shape_cast %get3A_1005 : vector<1x16xf32> to vector<16xf32>
      %swap3A_1007 = arith.index_cast %add3A_980 : i32 to index
      %swap3A_1008 = arith.constant 64 : index
      %swap3A_1009 = tpu.vector_load %arg18[%swap3A_1007, %swap3A_1008] {strides = array<i32>} : memref<512x96xf32, #tpu.memory_space<vmem>>, vector<1x16xf32>,
      %swap3A_1010 = vector.shape_cast %swap3A_1009 : vector<1x16xf32> to vector<16xf32>
      %swap3A_1011 = vector.shape_cast %get3A_1006 : vector<16xf32> to vector<1x16xf32>
      tpu.vector_store %arg18[%swap3A_1007, %swap3A_1008], %swap3A_1011 {strides = array<i32>} : memref<512x96xf32, #tpu.memory_space<vmem>>, vector<1x16xf32>,
      %get3A_1012 = arith.index_cast %squeeze3A_984 : i32 to index
      %get3A_1013 = arith.constant 16 : index
      %get3A_1014 = tpu.vector_load %arg14[%get3A_1012, %get3A_1013] {strides = array<i32>} : memref<21x32xf32, #tpu.memory_space<vmem>>, vector<1x16xf32>,
      %get3A_1015 = vector.shape_cast %get3A_1014 : vector<1x16xf32> to vector<16xf32>
      %swap3A_1016 = arith.index_cast %add3A_980 : i32 to index
      %swap3A_1017 = arith.constant 80 : index
      %swap3A_1018 = tpu.vector_load %arg18[%swap3A_1016, %swap3A_1017] {strides = array<i32>} : memref<512x96xf32, #tpu.memory_space<vmem>>, vector<1x16xf32>,
      %swap3A_1019 = vector.shape_cast %swap3A_1018 : vector<1x16xf32> to vector<16xf32>
      %swap3A_1020 = vector.shape_cast %get3A_1015 : vector<16xf32> to vector<1x16xf32>
      tpu.vector_store %arg18[%swap3A_1016, %swap3A_1017], %swap3A_1020 {strides = array<i32>} : memref<512x96xf32, #tpu.memory_space<vmem>>, vector<1x16xf32>,
      %add3A_1021 = arith.constant 15 : i32
      %add3A_1022 = arith.addi %mul3A_52, %add3A_1021 : i32
      %slice3A_1023 = vector.extract_strided_slice %get3A_389 {offsets = [15], sizes = [1], strides = [1]} : vector<16xi32> to vector<1xi32>
      %squeeze3A_1024 = vector.extract %slice3A_1023[0] : i32 from vector<1xi32>
      %slice3A_1025 = vector.extract_strided_slice %get3A_392 {offsets = [15], sizes = [1], strides = [1]} : vector<16xi32> to vector<1xi32>
      %squeeze3A_1026 = vector.extract %slice3A_1025[0] : i32 from vector<1xi32>
      %get3A_1027 = arith.index_cast %squeeze3A_1024 : i32 to index
      %get3A_1028 = arith.constant 0 : index
      %get3A_1029 = tpu.vector_load %arg13[%get3A_1027, %get3A_1028] {strides = array<i32>} : memref<101x32xf32, #tpu.memory_space<vmem>>, vector<1x16xf32>,
      %get3A_1030 = vector.shape_cast %get3A_1029 : vector<1x16xf32> to vector<16xf32>
      %swap3A_1031 = arith.index_cast %add3A_1022 : i32 to index
      %swap3A_1032 = arith.constant 32 : index
      %swap3A_1033 = tpu.vector_load %arg18[%swap3A_1031, %swap3A_1032] {strides = array<i32>} : memref<512x96xf32, #tpu.memory_space<vmem>>, vector<1x16xf32>,
      %swap3A_1034 = vector.shape_cast %swap3A_1033 : vector<1x16xf32> to vector<16xf32>
      %swap3A_1035 = vector.shape_cast %get3A_1030 : vector<16xf32> to vector<1x16xf32>
      tpu.vector_store %arg18[%swap3A_1031, %swap3A_1032], %swap3A_1035 {strides = array<i32>} : memref<512x96xf32, #tpu.memory_space<vmem>>, vector<1x16xf32>,
      %get3A_1036 = arith.index_cast %squeeze3A_1024 : i32 to index
      %get3A_1037 = arith.constant 16 : index
      %get3A_1038 = tpu.vector_load %arg13[%get3A_1036, %get3A_1037] {strides = array<i32>} : memref<101x32xf32, #tpu.memory_space<vmem>>, vector<1x16xf32>,
      %get3A_1039 = vector.shape_cast %get3A_1038 : vector<1x16xf32> to vector<16xf32>
      %swap3A_1040 = arith.index_cast %add3A_1022 : i32 to index
      %swap3A_1041 = arith.constant 48 : index
      %swap3A_1042 = tpu.vector_load %arg18[%swap3A_1040, %swap3A_1041] {strides = array<i32>} : memref<512x96xf32, #tpu.memory_space<vmem>>, vector<1x16xf32>,
      %swap3A_1043 = vector.shape_cast %swap3A_1042 : vector<1x16xf32> to vector<16xf32>
      %swap3A_1044 = vector.shape_cast %get3A_1039 : vector<16xf32> to vector<1x16xf32>
      tpu.vector_store %arg18[%swap3A_1040, %swap3A_1041], %swap3A_1044 {strides = array<i32>} : memref<512x96xf32, #tpu.memory_space<vmem>>, vector<1x16xf32>,
      %get3A_1045 = arith.index_cast %squeeze3A_1026 : i32 to index
      %get3A_1046 = arith.constant 0 : index
      %get3A_1047 = tpu.vector_load %arg14[%get3A_1045, %get3A_1046] {strides = array<i32>} : memref<21x32xf32, #tpu.memory_space<vmem>>, vector<1x16xf32>,
      %get3A_1048 = vector.shape_cast %get3A_1047 : vector<1x16xf32> to vector<16xf32>
      %swap3A_1049 = arith.index_cast %add3A_1022 : i32 to index
      %swap3A_1050 = arith.constant 64 : index
      %swap3A_1051 = tpu.vector_load %arg18[%swap3A_1049, %swap3A_1050] {strides = array<i32>} : memref<512x96xf32, #tpu.memory_space<vmem>>, vector<1x16xf32>,
      %swap3A_1052 = vector.shape_cast %swap3A_1051 : vector<1x16xf32> to vector<16xf32>
      %swap3A_1053 = vector.shape_cast %get3A_1048 : vector<16xf32> to vector<1x16xf32>
      tpu.vector_store %arg18[%swap3A_1049, %swap3A_1050], %swap3A_1053 {strides = array<i32>} : memref<512x96xf32, #tpu.memory_space<vmem>>, vector<1x16xf32>,
      %get3A_1054 = arith.index_cast %squeeze3A_1026 : i32 to index
      %get3A_1055 = arith.constant 16 : index
      %get3A_1056 = tpu.vector_load %arg14[%get3A_1054, %get3A_1055] {strides = array<i32>} : memref<21x32xf32, #tpu.memory_space<vmem>>, vector<1x16xf32>,
      %get3A_1057 = vector.shape_cast %get3A_1056 : vector<1x16xf32> to vector<16xf32>
      %swap3A_1058 = arith.index_cast %add3A_1022 : i32 to index
      %swap3A_1059 = arith.constant 80 : index
      %swap3A_1060 = tpu.vector_load %arg18[%swap3A_1058, %swap3A_1059] {strides = array<i32>} : memref<512x96xf32, #tpu.memory_space<vmem>>, vector<1x16xf32>,
      %swap3A_1061 = vector.shape_cast %swap3A_1060 : vector<1x16xf32> to vector<16xf32>
      %swap3A_1062 = vector.shape_cast %get3A_1057 : vector<16xf32> to vector<1x16xf32>
      tpu.vector_store %arg18[%swap3A_1058, %swap3A_1059], %swap3A_1062 {strides = array<i32>} : memref<512x96xf32, #tpu.memory_space<vmem>>, vector<1x16xf32>,
      %scan3A_1063 = arith.constant 0 : i32
      scf.yield %scan3A_1063 : i32
    }
    %scan3A_29 = arith.constant 32 : i32
    %scan3A_30 = arith.constant 0 : i32
    %scan3A_31 = arith.constant 1 : i32
    %scan3A_32 = arith.constant 19 : i32
    %scan3A_33 = arith.addi %scan3A_31, %scan3A_32 : i32
    %scan3A_34 = arith.constant 1 : i32
    %scan3A_35 = scf.for %scan3A_49 = %scan3A_31 to %scan3A_33 step %scan3A_34 iter_args(%scan3A_50 = %scan3A_30) -> (i32)  : i32 {
      %dma_wait3A_51 = arith.constant 0 : i32
      %dma_wait3A_52 = arith.constant 0 : i32
      %dma_wait3A_53 = arith.constant 0 : i32
      %dma_wait3A_54 = tpu.memref_slice %arg9[%dma_wait3A_51, %dma_wait3A_52, %dma_wait3A_53] : memref<20x1x512xi32, #tpu.memory_space<vmem>> -> memref<1x1x512xi32, #tpu.memory_space<vmem>>
      %dma_wait3A_55 = tpu.memref_squeeze %dma_wait3A_54 : memref<1x1x512xi32, #tpu.memory_space<vmem>> -> memref<512xi32, #tpu.memory_space<vmem>>
      %dma_wait3A_56 = arith.constant 0 : i32
      %dma_wait3A_57 = arith.constant 0 : i32
      %dma_wait3A_58 = tpu.memref_slice %arg5[%dma_wait3A_56, %dma_wait3A_57] : memref<10000x32xf32, #tpu.memory_space<hbm>> -> memref<10000x32xf32, #tpu.memory_space<hbm>>
      tpu.wait_indirect_dma semaphore(%arg19 : memref<!tpu.dma_semaphore, #tpu.memory_space<semaphore_mem>>) src(%dma_wait3A_58 : memref<10000x32xf32, #tpu.memory_space<hbm>>) dst(%arg12 : memref<512x32xf32, #tpu.memory_space<vmem>>)
      %scan3A_59 = arith.constant 0 : i32
      scf.yield %scan3A_59 : i32
    }
    %scan3A_36 = arith.constant 19 : i32
    %get3A = arith.constant 0 : index
    %get3A_37 = tpu.vector_load %arg17[%get3A] {strides = array<i32>} : memref<32xf32, #tpu.memory_space<vmem>>, vector<16xf32>,
    %get3A_38 = vector.shape_cast %get3A_37 : vector<16xf32> to vector<16xf32>
    %get3A_39 = arith.constant 16 : index
    %get3A_40 = tpu.vector_load %arg17[%get3A_39] {strides = array<i32>} : memref<32xf32, #tpu.memory_space<vmem>>, vector<16xf32>,
    %get3A_41 = vector.shape_cast %get3A_40 : vector<16xf32> to vector<16xf32>
    %scan3A_42 = arith.constant 0 : i32
    %scan3A_43 = arith.constant 0 : i32
    %scan3A_44 = arith.constant 32 : i32
    %scan3A_45 = arith.addi %scan3A_43, %scan3A_44 : i32
    %scan3A_46 = arith.constant 1 : i32
    %scan3A_47 = scf.for %scan3A_49 = %scan3A_43 to %scan3A_45 step %scan3A_46 iter_args(%scan3A_50 = %scan3A_42) -> (i32)  : i32 {
      %mul3A_51 = arith.constant 16 : i32
      %mul3A_52 = arith.muli %scan3A_49, %mul3A_51 : i32
      %get3A_53 = arith.index_cast %mul3A_52 : i32 to index
      %get3A_54 = tpu.vector_load %arg15[%get3A_53] {strides = array<i32>} : memref<512xf32, #tpu.memory_space<vmem>>, vector<16xf32>,
      %get3A_55 = vector.shape_cast %get3A_54 : vector<16xf32> to vector<16xf32>
      %get3A_56 = arith.index_cast %mul3A_52 : i32 to index
      %get3A_57 = tpu.vector_load %arg16[%get3A_56] {strides = array<i32>} : memref<512xf32, #tpu.memory_space<vmem>>, vector<16xf32>,
      %get3A_58 = vector.shape_cast %get3A_57 : vector<16xf32> to vector<16xf32>
      %add3A_59 = arith.constant 0 : i32
      %add3A_60 = arith.addi %mul3A_52, %add3A_59 : i32
      %slice3A = vector.extract_strided_slice %get3A_55 {offsets = [0], sizes = [1], strides = [1]} : vector<16xf32> to vector<1xf32>
      %squeeze3A = vector.extract %slice3A[0] : f32 from vector<1xf32>
      %slice3A_61 = vector.extract_strided_slice %get3A_58 {offsets = [0], sizes = [1], strides = [1]} : vector<16xf32> to vector<1xf32>
      %squeeze3A_62 = vector.extract %slice3A_61[0] : f32 from vector<1xf32>
      %get3A_63 = arith.index_cast %add3A_60 : i32 to index
      %get3A_64 = arith.constant 0 : index
      %get3A_65 = tpu.vector_load %arg12[%get3A_63, %get3A_64] {strides = array<i32>} : memref<512x32xf32, #tpu.memory_space<vmem>>, vector<1x16xf32>,
      %get3A_66 = vector.shape_cast %get3A_65 : vector<1x16xf32> to vector<16xf32>
      %get3A_67 = arith.index_cast %add3A_60 : i32 to index
      %get3A_68 = arith.constant 16 : index
      %get3A_69 = tpu.vector_load %arg12[%get3A_67, %get3A_68] {strides = array<i32>} : memref<512x32xf32, #tpu.memory_space<vmem>>, vector<1x16xf32>,
      %get3A_70 = vector.shape_cast %get3A_69 : vector<1x16xf32> to vector<16xf32>
      %mul3A_71 = vector.broadcast %squeeze3A : f32 to vector<16xf32>
      %mul3A_72 = arith.mulf %mul3A_71, %get3A_38 : vector<16xf32>
      %sub3A = arith.subf %get3A_66, %mul3A_72 : vector<16xf32>
      %mul3A_73 = vector.broadcast %squeeze3A_62 : f32 to vector<16xf32>
      %mul3A_74 = arith.mulf %sub3A, %mul3A_73 : vector<16xf32>
      %swap3A = arith.index_cast %add3A_60 : i32 to index
      %swap3A_75 = arith.constant 0 : index
      %swap3A_76 = tpu.vector_load %arg18[%swap3A, %swap3A_75] {strides = array<i32>} : memref<512x96xf32, #tpu.memory_space<vmem>>, vector<1x16xf32>,
      %swap3A_77 = vector.shape_cast %swap3A_76 : vector<1x16xf32> to vector<16xf32>
      %swap3A_78 = vector.shape_cast %mul3A_74 : vector<16xf32> to vector<1x16xf32>
      tpu.vector_store %arg18[%swap3A, %swap3A_75], %swap3A_78 {strides = array<i32>} : memref<512x96xf32, #tpu.memory_space<vmem>>, vector<1x16xf32>,
      %mul3A_79 = vector.broadcast %squeeze3A : f32 to vector<16xf32>
      %mul3A_80 = arith.mulf %mul3A_79, %get3A_41 : vector<16xf32>
      %sub3A_81 = arith.subf %get3A_70, %mul3A_80 : vector<16xf32>
      %mul3A_82 = vector.broadcast %squeeze3A_62 : f32 to vector<16xf32>
      %mul3A_83 = arith.mulf %sub3A_81, %mul3A_82 : vector<16xf32>
      %swap3A_84 = arith.index_cast %add3A_60 : i32 to index
      %swap3A_85 = arith.constant 16 : index
      %swap3A_86 = tpu.vector_load %arg18[%swap3A_84, %swap3A_85] {strides = array<i32>} : memref<512x96xf32, #tpu.memory_space<vmem>>, vector<1x16xf32>,
      %swap3A_87 = vector.shape_cast %swap3A_86 : vector<1x16xf32> to vector<16xf32>
      %swap3A_88 = vector.shape_cast %mul3A_83 : vector<16xf32> to vector<1x16xf32>
      tpu.vector_store %arg18[%swap3A_84, %swap3A_85], %swap3A_88 {strides = array<i32>} : memref<512x96xf32, #tpu.memory_space<vmem>>, vector<1x16xf32>,
      %add3A_89 = arith.constant 1 : i32
      %add3A_90 = arith.addi %mul3A_52, %add3A_89 : i32
      %slice3A_91 = vector.extract_strided_slice %get3A_55 {offsets = [1], sizes = [1], strides = [1]} : vector<16xf32> to vector<1xf32>
      %squeeze3A_92 = vector.extract %slice3A_91[0] : f32 from vector<1xf32>
      %slice3A_93 = vector.extract_strided_slice %get3A_58 {offsets = [1], sizes = [1], strides = [1]} : vector<16xf32> to vector<1xf32>
      %squeeze3A_94 = vector.extract %slice3A_93[0] : f32 from vector<1xf32>
      %get3A_95 = arith.index_cast %add3A_90 : i32 to index
      %get3A_96 = arith.constant 0 : index
      %get3A_97 = tpu.vector_load %arg12[%get3A_95, %get3A_96] {strides = array<i32>} : memref<512x32xf32, #tpu.memory_space<vmem>>, vector<1x16xf32>,
      %get3A_98 = vector.shape_cast %get3A_97 : vector<1x16xf32> to vector<16xf32>
      %get3A_99 = arith.index_cast %add3A_90 : i32 to index
      %get3A_100 = arith.constant 16 : index
      %get3A_101 = tpu.vector_load %arg12[%get3A_99, %get3A_100] {strides = array<i32>} : memref<512x32xf32, #tpu.memory_space<vmem>>, vector<1x16xf32>,
      %get3A_102 = vector.shape_cast %get3A_101 : vector<1x16xf32> to vector<16xf32>
      %mul3A_103 = vector.broadcast %squeeze3A_92 : f32 to vector<16xf32>
      %mul3A_104 = arith.mulf %mul3A_103, %get3A_38 : vector<16xf32>
      %sub3A_105 = arith.subf %get3A_98, %mul3A_104 : vector<16xf32>
      %mul3A_106 = vector.broadcast %squeeze3A_94 : f32 to vector<16xf32>
      %mul3A_107 = arith.mulf %sub3A_105, %mul3A_106 : vector<16xf32>
      %swap3A_108 = arith.index_cast %add3A_90 : i32 to index
      %swap3A_109 = arith.constant 0 : index
      %swap3A_110 = tpu.vector_load %arg18[%swap3A_108, %swap3A_109] {strides = array<i32>} : memref<512x96xf32, #tpu.memory_space<vmem>>, vector<1x16xf32>,
      %swap3A_111 = vector.shape_cast %swap3A_110 : vector<1x16xf32> to vector<16xf32>
      %swap3A_112 = vector.shape_cast %mul3A_107 : vector<16xf32> to vector<1x16xf32>
      tpu.vector_store %arg18[%swap3A_108, %swap3A_109], %swap3A_112 {strides = array<i32>} : memref<512x96xf32, #tpu.memory_space<vmem>>, vector<1x16xf32>,
      %mul3A_113 = vector.broadcast %squeeze3A_92 : f32 to vector<16xf32>
      %mul3A_114 = arith.mulf %mul3A_113, %get3A_41 : vector<16xf32>
      %sub3A_115 = arith.subf %get3A_102, %mul3A_114 : vector<16xf32>
      %mul3A_116 = vector.broadcast %squeeze3A_94 : f32 to vector<16xf32>
      %mul3A_117 = arith.mulf %sub3A_115, %mul3A_116 : vector<16xf32>
      %swap3A_118 = arith.index_cast %add3A_90 : i32 to index
      %swap3A_119 = arith.constant 16 : index
      %swap3A_120 = tpu.vector_load %arg18[%swap3A_118, %swap3A_119] {strides = array<i32>} : memref<512x96xf32, #tpu.memory_space<vmem>>, vector<1x16xf32>,
      %swap3A_121 = vector.shape_cast %swap3A_120 : vector<1x16xf32> to vector<16xf32>
      %swap3A_122 = vector.shape_cast %mul3A_117 : vector<16xf32> to vector<1x16xf32>
      tpu.vector_store %arg18[%swap3A_118, %swap3A_119], %swap3A_122 {strides = array<i32>} : memref<512x96xf32, #tpu.memory_space<vmem>>, vector<1x16xf32>,
      %add3A_123 = arith.constant 2 : i32
      %add3A_124 = arith.addi %mul3A_52, %add3A_123 : i32
      %slice3A_125 = vector.extract_strided_slice %get3A_55 {offsets = [2], sizes = [1], strides = [1]} : vector<16xf32> to vector<1xf32>
      %squeeze3A_126 = vector.extract %slice3A_125[0] : f32 from vector<1xf32>
      %slice3A_127 = vector.extract_strided_slice %get3A_58 {offsets = [2], sizes = [1], strides = [1]} : vector<16xf32> to vector<1xf32>
      %squeeze3A_128 = vector.extract %slice3A_127[0] : f32 from vector<1xf32>
      %get3A_129 = arith.index_cast %add3A_124 : i32 to index
      %get3A_130 = arith.constant 0 : index
      %get3A_131 = tpu.vector_load %arg12[%get3A_129, %get3A_130] {strides = array<i32>} : memref<512x32xf32, #tpu.memory_space<vmem>>, vector<1x16xf32>,
      %get3A_132 = vector.shape_cast %get3A_131 : vector<1x16xf32> to vector<16xf32>
      %get3A_133 = arith.index_cast %add3A_124 : i32 to index
      %get3A_134 = arith.constant 16 : index
      %get3A_135 = tpu.vector_load %arg12[%get3A_133, %get3A_134] {strides = array<i32>} : memref<512x32xf32, #tpu.memory_space<vmem>>, vector<1x16xf32>,
      %get3A_136 = vector.shape_cast %get3A_135 : vector<1x16xf32> to vector<16xf32>
      %mul3A_137 = vector.broadcast %squeeze3A_126 : f32 to vector<16xf32>
      %mul3A_138 = arith.mulf %mul3A_137, %get3A_38 : vector<16xf32>
      %sub3A_139 = arith.subf %get3A_132, %mul3A_138 : vector<16xf32>
      %mul3A_140 = vector.broadcast %squeeze3A_128 : f32 to vector<16xf32>
      %mul3A_141 = arith.mulf %sub3A_139, %mul3A_140 : vector<16xf32>
      %swap3A_142 = arith.index_cast %add3A_124 : i32 to index
      %swap3A_143 = arith.constant 0 : index
      %swap3A_144 = tpu.vector_load %arg18[%swap3A_142, %swap3A_143] {strides = array<i32>} : memref<512x96xf32, #tpu.memory_space<vmem>>, vector<1x16xf32>,
      %swap3A_145 = vector.shape_cast %swap3A_144 : vector<1x16xf32> to vector<16xf32>
      %swap3A_146 = vector.shape_cast %mul3A_141 : vector<16xf32> to vector<1x16xf32>
      tpu.vector_store %arg18[%swap3A_142, %swap3A_143], %swap3A_146 {strides = array<i32>} : memref<512x96xf32, #tpu.memory_space<vmem>>, vector<1x16xf32>,
      %mul3A_147 = vector.broadcast %squeeze3A_126 : f32 to vector<16xf32>
      %mul3A_148 = arith.mulf %mul3A_147, %get3A_41 : vector<16xf32>
      %sub3A_149 = arith.subf %get3A_136, %mul3A_148 : vector<16xf32>
      %mul3A_150 = vector.broadcast %squeeze3A_128 : f32 to vector<16xf32>
      %mul3A_151 = arith.mulf %sub3A_149, %mul3A_150 : vector<16xf32>
      %swap3A_152 = arith.index_cast %add3A_124 : i32 to index
      %swap3A_153 = arith.constant 16 : index
      %swap3A_154 = tpu.vector_load %arg18[%swap3A_152, %swap3A_153] {strides = array<i32>} : memref<512x96xf32, #tpu.memory_space<vmem>>, vector<1x16xf32>,
      %swap3A_155 = vector.shape_cast %swap3A_154 : vector<1x16xf32> to vector<16xf32>
      %swap3A_156 = vector.shape_cast %mul3A_151 : vector<16xf32> to vector<1x16xf32>
      tpu.vector_store %arg18[%swap3A_152, %swap3A_153], %swap3A_156 {strides = array<i32>} : memref<512x96xf32, #tpu.memory_space<vmem>>, vector<1x16xf32>,
      %add3A_157 = arith.constant 3 : i32
      %add3A_158 = arith.addi %mul3A_52, %add3A_157 : i32
      %slice3A_159 = vector.extract_strided_slice %get3A_55 {offsets = [3], sizes = [1], strides = [1]} : vector<16xf32> to vector<1xf32>
      %squeeze3A_160 = vector.extract %slice3A_159[0] : f32 from vector<1xf32>
      %slice3A_161 = vector.extract_strided_slice %get3A_58 {offsets = [3], sizes = [1], strides = [1]} : vector<16xf32> to vector<1xf32>
      %squeeze3A_162 = vector.extract %slice3A_161[0] : f32 from vector<1xf32>
      %get3A_163 = arith.index_cast %add3A_158 : i32 to index
      %get3A_164 = arith.constant 0 : index
      %get3A_165 = tpu.vector_load %arg12[%get3A_163, %get3A_164] {strides = array<i32>} : memref<512x32xf32, #tpu.memory_space<vmem>>, vector<1x16xf32>,
      %get3A_166 = vector.shape_cast %get3A_165 : vector<1x16xf32> to vector<16xf32>
      %get3A_167 = arith.index_cast %add3A_158 : i32 to index
      %get3A_168 = arith.constant 16 : index
      %get3A_169 = tpu.vector_load %arg12[%get3A_167, %get3A_168] {strides = array<i32>} : memref<512x32xf32, #tpu.memory_space<vmem>>, vector<1x16xf32>,
      %get3A_170 = vector.shape_cast %get3A_169 : vector<1x16xf32> to vector<16xf32>
      %mul3A_171 = vector.broadcast %squeeze3A_160 : f32 to vector<16xf32>
      %mul3A_172 = arith.mulf %mul3A_171, %get3A_38 : vector<16xf32>
      %sub3A_173 = arith.subf %get3A_166, %mul3A_172 : vector<16xf32>
      %mul3A_174 = vector.broadcast %squeeze3A_162 : f32 to vector<16xf32>
      %mul3A_175 = arith.mulf %sub3A_173, %mul3A_174 : vector<16xf32>
      %swap3A_176 = arith.index_cast %add3A_158 : i32 to index
      %swap3A_177 = arith.constant 0 : index
      %swap3A_178 = tpu.vector_load %arg18[%swap3A_176, %swap3A_177] {strides = array<i32>} : memref<512x96xf32, #tpu.memory_space<vmem>>, vector<1x16xf32>,
      %swap3A_179 = vector.shape_cast %swap3A_178 : vector<1x16xf32> to vector<16xf32>
      %swap3A_180 = vector.shape_cast %mul3A_175 : vector<16xf32> to vector<1x16xf32>
      tpu.vector_store %arg18[%swap3A_176, %swap3A_177], %swap3A_180 {strides = array<i32>} : memref<512x96xf32, #tpu.memory_space<vmem>>, vector<1x16xf32>,
      %mul3A_181 = vector.broadcast %squeeze3A_160 : f32 to vector<16xf32>
      %mul3A_182 = arith.mulf %mul3A_181, %get3A_41 : vector<16xf32>
      %sub3A_183 = arith.subf %get3A_170, %mul3A_182 : vector<16xf32>
      %mul3A_184 = vector.broadcast %squeeze3A_162 : f32 to vector<16xf32>
      %mul3A_185 = arith.mulf %sub3A_183, %mul3A_184 : vector<16xf32>
      %swap3A_186 = arith.index_cast %add3A_158 : i32 to index
      %swap3A_187 = arith.constant 16 : index
      %swap3A_188 = tpu.vector_load %arg18[%swap3A_186, %swap3A_187] {strides = array<i32>} : memref<512x96xf32, #tpu.memory_space<vmem>>, vector<1x16xf32>,
      %swap3A_189 = vector.shape_cast %swap3A_188 : vector<1x16xf32> to vector<16xf32>
      %swap3A_190 = vector.shape_cast %mul3A_185 : vector<16xf32> to vector<1x16xf32>
      tpu.vector_store %arg18[%swap3A_186, %swap3A_187], %swap3A_190 {strides = array<i32>} : memref<512x96xf32, #tpu.memory_space<vmem>>, vector<1x16xf32>,
      %add3A_191 = arith.constant 4 : i32
      %add3A_192 = arith.addi %mul3A_52, %add3A_191 : i32
      %slice3A_193 = vector.extract_strided_slice %get3A_55 {offsets = [4], sizes = [1], strides = [1]} : vector<16xf32> to vector<1xf32>
      %squeeze3A_194 = vector.extract %slice3A_193[0] : f32 from vector<1xf32>
      %slice3A_195 = vector.extract_strided_slice %get3A_58 {offsets = [4], sizes = [1], strides = [1]} : vector<16xf32> to vector<1xf32>
      %squeeze3A_196 = vector.extract %slice3A_195[0] : f32 from vector<1xf32>
      %get3A_197 = arith.index_cast %add3A_192 : i32 to index
      %get3A_198 = arith.constant 0 : index
      %get3A_199 = tpu.vector_load %arg12[%get3A_197, %get3A_198] {strides = array<i32>} : memref<512x32xf32, #tpu.memory_space<vmem>>, vector<1x16xf32>,
      %get3A_200 = vector.shape_cast %get3A_199 : vector<1x16xf32> to vector<16xf32>
      %get3A_201 = arith.index_cast %add3A_192 : i32 to index
      %get3A_202 = arith.constant 16 : index
      %get3A_203 = tpu.vector_load %arg12[%get3A_201, %get3A_202] {strides = array<i32>} : memref<512x32xf32, #tpu.memory_space<vmem>>, vector<1x16xf32>,
      %get3A_204 = vector.shape_cast %get3A_203 : vector<1x16xf32> to vector<16xf32>
      %mul3A_205 = vector.broadcast %squeeze3A_194 : f32 to vector<16xf32>
      %mul3A_206 = arith.mulf %mul3A_205, %get3A_38 : vector<16xf32>
      %sub3A_207 = arith.subf %get3A_200, %mul3A_206 : vector<16xf32>
      %mul3A_208 = vector.broadcast %squeeze3A_196 : f32 to vector<16xf32>
      %mul3A_209 = arith.mulf %sub3A_207, %mul3A_208 : vector<16xf32>
      %swap3A_210 = arith.index_cast %add3A_192 : i32 to index
      %swap3A_211 = arith.constant 0 : index
      %swap3A_212 = tpu.vector_load %arg18[%swap3A_210, %swap3A_211] {strides = array<i32>} : memref<512x96xf32, #tpu.memory_space<vmem>>, vector<1x16xf32>,
      %swap3A_213 = vector.shape_cast %swap3A_212 : vector<1x16xf32> to vector<16xf32>
      %swap3A_214 = vector.shape_cast %mul3A_209 : vector<16xf32> to vector<1x16xf32>
      tpu.vector_store %arg18[%swap3A_210, %swap3A_211], %swap3A_214 {strides = array<i32>} : memref<512x96xf32, #tpu.memory_space<vmem>>, vector<1x16xf32>,
      %mul3A_215 = vector.broadcast %squeeze3A_194 : f32 to vector<16xf32>
      %mul3A_216 = arith.mulf %mul3A_215, %get3A_41 : vector<16xf32>
      %sub3A_217 = arith.subf %get3A_204, %mul3A_216 : vector<16xf32>
      %mul3A_218 = vector.broadcast %squeeze3A_196 : f32 to vector<16xf32>
      %mul3A_219 = arith.mulf %sub3A_217, %mul3A_218 : vector<16xf32>
      %swap3A_220 = arith.index_cast %add3A_192 : i32 to index
      %swap3A_221 = arith.constant 16 : index
      %swap3A_222 = tpu.vector_load %arg18[%swap3A_220, %swap3A_221] {strides = array<i32>} : memref<512x96xf32, #tpu.memory_space<vmem>>, vector<1x16xf32>,
      %swap3A_223 = vector.shape_cast %swap3A_222 : vector<1x16xf32> to vector<16xf32>
      %swap3A_224 = vector.shape_cast %mul3A_219 : vector<16xf32> to vector<1x16xf32>
      tpu.vector_store %arg18[%swap3A_220, %swap3A_221], %swap3A_224 {strides = array<i32>} : memref<512x96xf32, #tpu.memory_space<vmem>>, vector<1x16xf32>,
      %add3A_225 = arith.constant 5 : i32
      %add3A_226 = arith.addi %mul3A_52, %add3A_225 : i32
      %slice3A_227 = vector.extract_strided_slice %get3A_55 {offsets = [5], sizes = [1], strides = [1]} : vector<16xf32> to vector<1xf32>
      %squeeze3A_228 = vector.extract %slice3A_227[0] : f32 from vector<1xf32>
      %slice3A_229 = vector.extract_strided_slice %get3A_58 {offsets = [5], sizes = [1], strides = [1]} : vector<16xf32> to vector<1xf32>
      %squeeze3A_230 = vector.extract %slice3A_229[0] : f32 from vector<1xf32>
      %get3A_231 = arith.index_cast %add3A_226 : i32 to index
      %get3A_232 = arith.constant 0 : index
      %get3A_233 = tpu.vector_load %arg12[%get3A_231, %get3A_232] {strides = array<i32>} : memref<512x32xf32, #tpu.memory_space<vmem>>, vector<1x16xf32>,
      %get3A_234 = vector.shape_cast %get3A_233 : vector<1x16xf32> to vector<16xf32>
      %get3A_235 = arith.index_cast %add3A_226 : i32 to index
      %get3A_236 = arith.constant 16 : index
      %get3A_237 = tpu.vector_load %arg12[%get3A_235, %get3A_236] {strides = array<i32>} : memref<512x32xf32, #tpu.memory_space<vmem>>, vector<1x16xf32>,
      %get3A_238 = vector.shape_cast %get3A_237 : vector<1x16xf32> to vector<16xf32>
      %mul3A_239 = vector.broadcast %squeeze3A_228 : f32 to vector<16xf32>
      %mul3A_240 = arith.mulf %mul3A_239, %get3A_38 : vector<16xf32>
      %sub3A_241 = arith.subf %get3A_234, %mul3A_240 : vector<16xf32>
      %mul3A_242 = vector.broadcast %squeeze3A_230 : f32 to vector<16xf32>
      %mul3A_243 = arith.mulf %sub3A_241, %mul3A_242 : vector<16xf32>
      %swap3A_244 = arith.index_cast %add3A_226 : i32 to index
      %swap3A_245 = arith.constant 0 : index
      %swap3A_246 = tpu.vector_load %arg18[%swap3A_244, %swap3A_245] {strides = array<i32>} : memref<512x96xf32, #tpu.memory_space<vmem>>, vector<1x16xf32>,
      %swap3A_247 = vector.shape_cast %swap3A_246 : vector<1x16xf32> to vector<16xf32>
      %swap3A_248 = vector.shape_cast %mul3A_243 : vector<16xf32> to vector<1x16xf32>
      tpu.vector_store %arg18[%swap3A_244, %swap3A_245], %swap3A_248 {strides = array<i32>} : memref<512x96xf32, #tpu.memory_space<vmem>>, vector<1x16xf32>,
      %mul3A_249 = vector.broadcast %squeeze3A_228 : f32 to vector<16xf32>
      %mul3A_250 = arith.mulf %mul3A_249, %get3A_41 : vector<16xf32>
      %sub3A_251 = arith.subf %get3A_238, %mul3A_250 : vector<16xf32>
      %mul3A_252 = vector.broadcast %squeeze3A_230 : f32 to vector<16xf32>
      %mul3A_253 = arith.mulf %sub3A_251, %mul3A_252 : vector<16xf32>
      %swap3A_254 = arith.index_cast %add3A_226 : i32 to index
      %swap3A_255 = arith.constant 16 : index
      %swap3A_256 = tpu.vector_load %arg18[%swap3A_254, %swap3A_255] {strides = array<i32>} : memref<512x96xf32, #tpu.memory_space<vmem>>, vector<1x16xf32>,
      %swap3A_257 = vector.shape_cast %swap3A_256 : vector<1x16xf32> to vector<16xf32>
      %swap3A_258 = vector.shape_cast %mul3A_253 : vector<16xf32> to vector<1x16xf32>
      tpu.vector_store %arg18[%swap3A_254, %swap3A_255], %swap3A_258 {strides = array<i32>} : memref<512x96xf32, #tpu.memory_space<vmem>>, vector<1x16xf32>,
      %add3A_259 = arith.constant 6 : i32
      %add3A_260 = arith.addi %mul3A_52, %add3A_259 : i32
      %slice3A_261 = vector.extract_strided_slice %get3A_55 {offsets = [6], sizes = [1], strides = [1]} : vector<16xf32> to vector<1xf32>
      %squeeze3A_262 = vector.extract %slice3A_261[0] : f32 from vector<1xf32>
      %slice3A_263 = vector.extract_strided_slice %get3A_58 {offsets = [6], sizes = [1], strides = [1]} : vector<16xf32> to vector<1xf32>
      %squeeze3A_264 = vector.extract %slice3A_263[0] : f32 from vector<1xf32>
      %get3A_265 = arith.index_cast %add3A_260 : i32 to index
      %get3A_266 = arith.constant 0 : index
      %get3A_267 = tpu.vector_load %arg12[%get3A_265, %get3A_266] {strides = array<i32>} : memref<512x32xf32, #tpu.memory_space<vmem>>, vector<1x16xf32>,
      %get3A_268 = vector.shape_cast %get3A_267 : vector<1x16xf32> to vector<16xf32>
      %get3A_269 = arith.index_cast %add3A_260 : i32 to index
      %get3A_270 = arith.constant 16 : index
      %get3A_271 = tpu.vector_load %arg12[%get3A_269, %get3A_270] {strides = array<i32>} : memref<512x32xf32, #tpu.memory_space<vmem>>, vector<1x16xf32>,
      %get3A_272 = vector.shape_cast %get3A_271 : vector<1x16xf32> to vector<16xf32>
      %mul3A_273 = vector.broadcast %squeeze3A_262 : f32 to vector<16xf32>
      %mul3A_274 = arith.mulf %mul3A_273, %get3A_38 : vector<16xf32>
      %sub3A_275 = arith.subf %get3A_268, %mul3A_274 : vector<16xf32>
      %mul3A_276 = vector.broadcast %squeeze3A_264 : f32 to vector<16xf32>
      %mul3A_277 = arith.mulf %sub3A_275, %mul3A_276 : vector<16xf32>
      %swap3A_278 = arith.index_cast %add3A_260 : i32 to index
      %swap3A_279 = arith.constant 0 : index
      %swap3A_280 = tpu.vector_load %arg18[%swap3A_278, %swap3A_279] {strides = array<i32>} : memref<512x96xf32, #tpu.memory_space<vmem>>, vector<1x16xf32>,
      %swap3A_281 = vector.shape_cast %swap3A_280 : vector<1x16xf32> to vector<16xf32>
      %swap3A_282 = vector.shape_cast %mul3A_277 : vector<16xf32> to vector<1x16xf32>
      tpu.vector_store %arg18[%swap3A_278, %swap3A_279], %swap3A_282 {strides = array<i32>} : memref<512x96xf32, #tpu.memory_space<vmem>>, vector<1x16xf32>,
      %mul3A_283 = vector.broadcast %squeeze3A_262 : f32 to vector<16xf32>
      %mul3A_284 = arith.mulf %mul3A_283, %get3A_41 : vector<16xf32>
      %sub3A_285 = arith.subf %get3A_272, %mul3A_284 : vector<16xf32>
      %mul3A_286 = vector.broadcast %squeeze3A_264 : f32 to vector<16xf32>
      %mul3A_287 = arith.mulf %sub3A_285, %mul3A_286 : vector<16xf32>
      %swap3A_288 = arith.index_cast %add3A_260 : i32 to index
      %swap3A_289 = arith.constant 16 : index
      %swap3A_290 = tpu.vector_load %arg18[%swap3A_288, %swap3A_289] {strides = array<i32>} : memref<512x96xf32, #tpu.memory_space<vmem>>, vector<1x16xf32>,
      %swap3A_291 = vector.shape_cast %swap3A_290 : vector<1x16xf32> to vector<16xf32>
      %swap3A_292 = vector.shape_cast %mul3A_287 : vector<16xf32> to vector<1x16xf32>
      tpu.vector_store %arg18[%swap3A_288, %swap3A_289], %swap3A_292 {strides = array<i32>} : memref<512x96xf32, #tpu.memory_space<vmem>>, vector<1x16xf32>,
      %add3A_293 = arith.constant 7 : i32
      %add3A_294 = arith.addi %mul3A_52, %add3A_293 : i32
      %slice3A_295 = vector.extract_strided_slice %get3A_55 {offsets = [7], sizes = [1], strides = [1]} : vector<16xf32> to vector<1xf32>
      %squeeze3A_296 = vector.extract %slice3A_295[0] : f32 from vector<1xf32>
      %slice3A_297 = vector.extract_strided_slice %get3A_58 {offsets = [7], sizes = [1], strides = [1]} : vector<16xf32> to vector<1xf32>
      %squeeze3A_298 = vector.extract %slice3A_297[0] : f32 from vector<1xf32>
      %get3A_299 = arith.index_cast %add3A_294 : i32 to index
      %get3A_300 = arith.constant 0 : index
      %get3A_301 = tpu.vector_load %arg12[%get3A_299, %get3A_300] {strides = array<i32>} : memref<512x32xf32, #tpu.memory_space<vmem>>, vector<1x16xf32>,
      %get3A_302 = vector.shape_cast %get3A_301 : vector<1x16xf32> to vector<16xf32>
      %get3A_303 = arith.index_cast %add3A_294 : i32 to index
      %get3A_304 = arith.constant 16 : index
      %get3A_305 = tpu.vector_load %arg12[%get3A_303, %get3A_304] {strides = array<i32>} : memref<512x32xf32, #tpu.memory_space<vmem>>, vector<1x16xf32>,
      %get3A_306 = vector.shape_cast %get3A_305 : vector<1x16xf32> to vector<16xf32>
      %mul3A_307 = vector.broadcast %squeeze3A_296 : f32 to vector<16xf32>
      %mul3A_308 = arith.mulf %mul3A_307, %get3A_38 : vector<16xf32>
      %sub3A_309 = arith.subf %get3A_302, %mul3A_308 : vector<16xf32>
      %mul3A_310 = vector.broadcast %squeeze3A_298 : f32 to vector<16xf32>
      %mul3A_311 = arith.mulf %sub3A_309, %mul3A_310 : vector<16xf32>
      %swap3A_312 = arith.index_cast %add3A_294 : i32 to index
      %swap3A_313 = arith.constant 0 : index
      %swap3A_314 = tpu.vector_load %arg18[%swap3A_312, %swap3A_313] {strides = array<i32>} : memref<512x96xf32, #tpu.memory_space<vmem>>, vector<1x16xf32>,
      %swap3A_315 = vector.shape_cast %swap3A_314 : vector<1x16xf32> to vector<16xf32>
      %swap3A_316 = vector.shape_cast %mul3A_311 : vector<16xf32> to vector<1x16xf32>
      tpu.vector_store %arg18[%swap3A_312, %swap3A_313], %swap3A_316 {strides = array<i32>} : memref<512x96xf32, #tpu.memory_space<vmem>>, vector<1x16xf32>,
      %mul3A_317 = vector.broadcast %squeeze3A_296 : f32 to vector<16xf32>
      %mul3A_318 = arith.mulf %mul3A_317, %get3A_41 : vector<16xf32>
      %sub3A_319 = arith.subf %get3A_306, %mul3A_318 : vector<16xf32>
      %mul3A_320 = vector.broadcast %squeeze3A_298 : f32 to vector<16xf32>
      %mul3A_321 = arith.mulf %sub3A_319, %mul3A_320 : vector<16xf32>
      %swap3A_322 = arith.index_cast %add3A_294 : i32 to index
      %swap3A_323 = arith.constant 16 : index
      %swap3A_324 = tpu.vector_load %arg18[%swap3A_322, %swap3A_323] {strides = array<i32>} : memref<512x96xf32, #tpu.memory_space<vmem>>, vector<1x16xf32>,
      %swap3A_325 = vector.shape_cast %swap3A_324 : vector<1x16xf32> to vector<16xf32>
      %swap3A_326 = vector.shape_cast %mul3A_321 : vector<16xf32> to vector<1x16xf32>
      tpu.vector_store %arg18[%swap3A_322, %swap3A_323], %swap3A_326 {strides = array<i32>} : memref<512x96xf32, #tpu.memory_space<vmem>>, vector<1x16xf32>,
      %add3A_327 = arith.constant 8 : i32
      %add3A_328 = arith.addi %mul3A_52, %add3A_327 : i32
      %slice3A_329 = vector.extract_strided_slice %get3A_55 {offsets = [8], sizes = [1], strides = [1]} : vector<16xf32> to vector<1xf32>
      %squeeze3A_330 = vector.extract %slice3A_329[0] : f32 from vector<1xf32>
      %slice3A_331 = vector.extract_strided_slice %get3A_58 {offsets = [8], sizes = [1], strides = [1]} : vector<16xf32> to vector<1xf32>
      %squeeze3A_332 = vector.extract %slice3A_331[0] : f32 from vector<1xf32>
      %get3A_333 = arith.index_cast %add3A_328 : i32 to index
      %get3A_334 = arith.constant 0 : index
      %get3A_335 = tpu.vector_load %arg12[%get3A_333, %get3A_334] {strides = array<i32>} : memref<512x32xf32, #tpu.memory_space<vmem>>, vector<1x16xf32>,
      %get3A_336 = vector.shape_cast %get3A_335 : vector<1x16xf32> to vector<16xf32>
      %get3A_337 = arith.index_cast %add3A_328 : i32 to index
      %get3A_338 = arith.constant 16 : index
      %get3A_339 = tpu.vector_load %arg12[%get3A_337, %get3A_338] {strides = array<i32>} : memref<512x32xf32, #tpu.memory_space<vmem>>, vector<1x16xf32>,
      %get3A_340 = vector.shape_cast %get3A_339 : vector<1x16xf32> to vector<16xf32>
      %mul3A_341 = vector.broadcast %squeeze3A_330 : f32 to vector<16xf32>
      %mul3A_342 = arith.mulf %mul3A_341, %get3A_38 : vector<16xf32>
      %sub3A_343 = arith.subf %get3A_336, %mul3A_342 : vector<16xf32>
      %mul3A_344 = vector.broadcast %squeeze3A_332 : f32 to vector<16xf32>
      %mul3A_345 = arith.mulf %sub3A_343, %mul3A_344 : vector<16xf32>
      %swap3A_346 = arith.index_cast %add3A_328 : i32 to index
      %swap3A_347 = arith.constant 0 : index
      %swap3A_348 = tpu.vector_load %arg18[%swap3A_346, %swap3A_347] {strides = array<i32>} : memref<512x96xf32, #tpu.memory_space<vmem>>, vector<1x16xf32>,
      %swap3A_349 = vector.shape_cast %swap3A_348 : vector<1x16xf32> to vector<16xf32>
      %swap3A_350 = vector.shape_cast %mul3A_345 : vector<16xf32> to vector<1x16xf32>
      tpu.vector_store %arg18[%swap3A_346, %swap3A_347], %swap3A_350 {strides = array<i32>} : memref<512x96xf32, #tpu.memory_space<vmem>>, vector<1x16xf32>,
      %mul3A_351 = vector.broadcast %squeeze3A_330 : f32 to vector<16xf32>
      %mul3A_352 = arith.mulf %mul3A_351, %get3A_41 : vector<16xf32>
      %sub3A_353 = arith.subf %get3A_340, %mul3A_352 : vector<16xf32>
      %mul3A_354 = vector.broadcast %squeeze3A_332 : f32 to vector<16xf32>
      %mul3A_355 = arith.mulf %sub3A_353, %mul3A_354 : vector<16xf32>
      %swap3A_356 = arith.index_cast %add3A_328 : i32 to index
      %swap3A_357 = arith.constant 16 : index
      %swap3A_358 = tpu.vector_load %arg18[%swap3A_356, %swap3A_357] {strides = array<i32>} : memref<512x96xf32, #tpu.memory_space<vmem>>, vector<1x16xf32>,
      %swap3A_359 = vector.shape_cast %swap3A_358 : vector<1x16xf32> to vector<16xf32>
      %swap3A_360 = vector.shape_cast %mul3A_355 : vector<16xf32> to vector<1x16xf32>
      tpu.vector_store %arg18[%swap3A_356, %swap3A_357], %swap3A_360 {strides = array<i32>} : memref<512x96xf32, #tpu.memory_space<vmem>>, vector<1x16xf32>,
      %add3A_361 = arith.constant 9 : i32
      %add3A_362 = arith.addi %mul3A_52, %add3A_361 : i32
      %slice3A_363 = vector.extract_strided_slice %get3A_55 {offsets = [9], sizes = [1], strides = [1]} : vector<16xf32> to vector<1xf32>
      %squeeze3A_364 = vector.extract %slice3A_363[0] : f32 from vector<1xf32>
      %slice3A_365 = vector.extract_strided_slice %get3A_58 {offsets = [9], sizes = [1], strides = [1]} : vector<16xf32> to vector<1xf32>
      %squeeze3A_366 = vector.extract %slice3A_365[0] : f32 from vector<1xf32>
      %get3A_367 = arith.index_cast %add3A_362 : i32 to index
      %get3A_368 = arith.constant 0 : index
      %get3A_369 = tpu.vector_load %arg12[%get3A_367, %get3A_368] {strides = array<i32>} : memref<512x32xf32, #tpu.memory_space<vmem>>, vector<1x16xf32>,
      %get3A_370 = vector.shape_cast %get3A_369 : vector<1x16xf32> to vector<16xf32>
      %get3A_371 = arith.index_cast %add3A_362 : i32 to index
      %get3A_372 = arith.constant 16 : index
      %get3A_373 = tpu.vector_load %arg12[%get3A_371, %get3A_372] {strides = array<i32>} : memref<512x32xf32, #tpu.memory_space<vmem>>, vector<1x16xf32>,
      %get3A_374 = vector.shape_cast %get3A_373 : vector<1x16xf32> to vector<16xf32>
      %mul3A_375 = vector.broadcast %squeeze3A_364 : f32 to vector<16xf32>
      %mul3A_376 = arith.mulf %mul3A_375, %get3A_38 : vector<16xf32>
      %sub3A_377 = arith.subf %get3A_370, %mul3A_376 : vector<16xf32>
      %mul3A_378 = vector.broadcast %squeeze3A_366 : f32 to vector<16xf32>
      %mul3A_379 = arith.mulf %sub3A_377, %mul3A_378 : vector<16xf32>
      %swap3A_380 = arith.index_cast %add3A_362 : i32 to index
      %swap3A_381 = arith.constant 0 : index
      %swap3A_382 = tpu.vector_load %arg18[%swap3A_380, %swap3A_381] {strides = array<i32>} : memref<512x96xf32, #tpu.memory_space<vmem>>, vector<1x16xf32>,
      %swap3A_383 = vector.shape_cast %swap3A_382 : vector<1x16xf32> to vector<16xf32>
      %swap3A_384 = vector.shape_cast %mul3A_379 : vector<16xf32> to vector<1x16xf32>
      tpu.vector_store %arg18[%swap3A_380, %swap3A_381], %swap3A_384 {strides = array<i32>} : memref<512x96xf32, #tpu.memory_space<vmem>>, vector<1x16xf32>,
      %mul3A_385 = vector.broadcast %squeeze3A_364 : f32 to vector<16xf32>
      %mul3A_386 = arith.mulf %mul3A_385, %get3A_41 : vector<16xf32>
      %sub3A_387 = arith.subf %get3A_374, %mul3A_386 : vector<16xf32>
      %mul3A_388 = vector.broadcast %squeeze3A_366 : f32 to vector<16xf32>
      %mul3A_389 = arith.mulf %sub3A_387, %mul3A_388 : vector<16xf32>
      %swap3A_390 = arith.index_cast %add3A_362 : i32 to index
      %swap3A_391 = arith.constant 16 : index
      %swap3A_392 = tpu.vector_load %arg18[%swap3A_390, %swap3A_391] {strides = array<i32>} : memref<512x96xf32, #tpu.memory_space<vmem>>, vector<1x16xf32>,
      %swap3A_393 = vector.shape_cast %swap3A_392 : vector<1x16xf32> to vector<16xf32>
      %swap3A_394 = vector.shape_cast %mul3A_389 : vector<16xf32> to vector<1x16xf32>
      tpu.vector_store %arg18[%swap3A_390, %swap3A_391], %swap3A_394 {strides = array<i32>} : memref<512x96xf32, #tpu.memory_space<vmem>>, vector<1x16xf32>,
      %add3A_395 = arith.constant 10 : i32
      %add3A_396 = arith.addi %mul3A_52, %add3A_395 : i32
      %slice3A_397 = vector.extract_strided_slice %get3A_55 {offsets = [10], sizes = [1], strides = [1]} : vector<16xf32> to vector<1xf32>
      %squeeze3A_398 = vector.extract %slice3A_397[0] : f32 from vector<1xf32>
      %slice3A_399 = vector.extract_strided_slice %get3A_58 {offsets = [10], sizes = [1], strides = [1]} : vector<16xf32> to vector<1xf32>
      %squeeze3A_400 = vector.extract %slice3A_399[0] : f32 from vector<1xf32>
      %get3A_401 = arith.index_cast %add3A_396 : i32 to index
      %get3A_402 = arith.constant 0 : index
      %get3A_403 = tpu.vector_load %arg12[%get3A_401, %get3A_402] {strides = array<i32>} : memref<512x32xf32, #tpu.memory_space<vmem>>, vector<1x16xf32>,
      %get3A_404 = vector.shape_cast %get3A_403 : vector<1x16xf32> to vector<16xf32>
      %get3A_405 = arith.index_cast %add3A_396 : i32 to index
      %get3A_406 = arith.constant 16 : index
      %get3A_407 = tpu.vector_load %arg12[%get3A_405, %get3A_406] {strides = array<i32>} : memref<512x32xf32, #tpu.memory_space<vmem>>, vector<1x16xf32>,
      %get3A_408 = vector.shape_cast %get3A_407 : vector<1x16xf32> to vector<16xf32>
      %mul3A_409 = vector.broadcast %squeeze3A_398 : f32 to vector<16xf32>
      %mul3A_410 = arith.mulf %mul3A_409, %get3A_38 : vector<16xf32>
      %sub3A_411 = arith.subf %get3A_404, %mul3A_410 : vector<16xf32>
      %mul3A_412 = vector.broadcast %squeeze3A_400 : f32 to vector<16xf32>
      %mul3A_413 = arith.mulf %sub3A_411, %mul3A_412 : vector<16xf32>
      %swap3A_414 = arith.index_cast %add3A_396 : i32 to index
      %swap3A_415 = arith.constant 0 : index
      %swap3A_416 = tpu.vector_load %arg18[%swap3A_414, %swap3A_415] {strides = array<i32>} : memref<512x96xf32, #tpu.memory_space<vmem>>, vector<1x16xf32>,
      %swap3A_417 = vector.shape_cast %swap3A_416 : vector<1x16xf32> to vector<16xf32>
      %swap3A_418 = vector.shape_cast %mul3A_413 : vector<16xf32> to vector<1x16xf32>
      tpu.vector_store %arg18[%swap3A_414, %swap3A_415], %swap3A_418 {strides = array<i32>} : memref<512x96xf32, #tpu.memory_space<vmem>>, vector<1x16xf32>,
      %mul3A_419 = vector.broadcast %squeeze3A_398 : f32 to vector<16xf32>
      %mul3A_420 = arith.mulf %mul3A_419, %get3A_41 : vector<16xf32>
      %sub3A_421 = arith.subf %get3A_408, %mul3A_420 : vector<16xf32>
      %mul3A_422 = vector.broadcast %squeeze3A_400 : f32 to vector<16xf32>
      %mul3A_423 = arith.mulf %sub3A_421, %mul3A_422 : vector<16xf32>
      %swap3A_424 = arith.index_cast %add3A_396 : i32 to index
      %swap3A_425 = arith.constant 16 : index
      %swap3A_426 = tpu.vector_load %arg18[%swap3A_424, %swap3A_425] {strides = array<i32>} : memref<512x96xf32, #tpu.memory_space<vmem>>, vector<1x16xf32>,
      %swap3A_427 = vector.shape_cast %swap3A_426 : vector<1x16xf32> to vector<16xf32>
      %swap3A_428 = vector.shape_cast %mul3A_423 : vector<16xf32> to vector<1x16xf32>
      tpu.vector_store %arg18[%swap3A_424, %swap3A_425], %swap3A_428 {strides = array<i32>} : memref<512x96xf32, #tpu.memory_space<vmem>>, vector<1x16xf32>,
      %add3A_429 = arith.constant 11 : i32
      %add3A_430 = arith.addi %mul3A_52, %add3A_429 : i32
      %slice3A_431 = vector.extract_strided_slice %get3A_55 {offsets = [11], sizes = [1], strides = [1]} : vector<16xf32> to vector<1xf32>
      %squeeze3A_432 = vector.extract %slice3A_431[0] : f32 from vector<1xf32>
      %slice3A_433 = vector.extract_strided_slice %get3A_58 {offsets = [11], sizes = [1], strides = [1]} : vector<16xf32> to vector<1xf32>
      %squeeze3A_434 = vector.extract %slice3A_433[0] : f32 from vector<1xf32>
      %get3A_435 = arith.index_cast %add3A_430 : i32 to index
      %get3A_436 = arith.constant 0 : index
      %get3A_437 = tpu.vector_load %arg12[%get3A_435, %get3A_436] {strides = array<i32>} : memref<512x32xf32, #tpu.memory_space<vmem>>, vector<1x16xf32>,
      %get3A_438 = vector.shape_cast %get3A_437 : vector<1x16xf32> to vector<16xf32>
      %get3A_439 = arith.index_cast %add3A_430 : i32 to index
      %get3A_440 = arith.constant 16 : index
      %get3A_441 = tpu.vector_load %arg12[%get3A_439, %get3A_440] {strides = array<i32>} : memref<512x32xf32, #tpu.memory_space<vmem>>, vector<1x16xf32>,
      %get3A_442 = vector.shape_cast %get3A_441 : vector<1x16xf32> to vector<16xf32>
      %mul3A_443 = vector.broadcast %squeeze3A_432 : f32 to vector<16xf32>
      %mul3A_444 = arith.mulf %mul3A_443, %get3A_38 : vector<16xf32>
      %sub3A_445 = arith.subf %get3A_438, %mul3A_444 : vector<16xf32>
      %mul3A_446 = vector.broadcast %squeeze3A_434 : f32 to vector<16xf32>
      %mul3A_447 = arith.mulf %sub3A_445, %mul3A_446 : vector<16xf32>
      %swap3A_448 = arith.index_cast %add3A_430 : i32 to index
      %swap3A_449 = arith.constant 0 : index
      %swap3A_450 = tpu.vector_load %arg18[%swap3A_448, %swap3A_449] {strides = array<i32>} : memref<512x96xf32, #tpu.memory_space<vmem>>, vector<1x16xf32>,
      %swap3A_451 = vector.shape_cast %swap3A_450 : vector<1x16xf32> to vector<16xf32>
      %swap3A_452 = vector.shape_cast %mul3A_447 : vector<16xf32> to vector<1x16xf32>
      tpu.vector_store %arg18[%swap3A_448, %swap3A_449], %swap3A_452 {strides = array<i32>} : memref<512x96xf32, #tpu.memory_space<vmem>>, vector<1x16xf32>,
      %mul3A_453 = vector.broadcast %squeeze3A_432 : f32 to vector<16xf32>
      %mul3A_454 = arith.mulf %mul3A_453, %get3A_41 : vector<16xf32>
      %sub3A_455 = arith.subf %get3A_442, %mul3A_454 : vector<16xf32>
      %mul3A_456 = vector.broadcast %squeeze3A_434 : f32 to vector<16xf32>
      %mul3A_457 = arith.mulf %sub3A_455, %mul3A_456 : vector<16xf32>
      %swap3A_458 = arith.index_cast %add3A_430 : i32 to index
      %swap3A_459 = arith.constant 16 : index
      %swap3A_460 = tpu.vector_load %arg18[%swap3A_458, %swap3A_459] {strides = array<i32>} : memref<512x96xf32, #tpu.memory_space<vmem>>, vector<1x16xf32>,
      %swap3A_461 = vector.shape_cast %swap3A_460 : vector<1x16xf32> to vector<16xf32>
      %swap3A_462 = vector.shape_cast %mul3A_457 : vector<16xf32> to vector<1x16xf32>
      tpu.vector_store %arg18[%swap3A_458, %swap3A_459], %swap3A_462 {strides = array<i32>} : memref<512x96xf32, #tpu.memory_space<vmem>>, vector<1x16xf32>,
      %add3A_463 = arith.constant 12 : i32
      %add3A_464 = arith.addi %mul3A_52, %add3A_463 : i32
      %slice3A_465 = vector.extract_strided_slice %get3A_55 {offsets = [12], sizes = [1], strides = [1]} : vector<16xf32> to vector<1xf32>
      %squeeze3A_466 = vector.extract %slice3A_465[0] : f32 from vector<1xf32>
      %slice3A_467 = vector.extract_strided_slice %get3A_58 {offsets = [12], sizes = [1], strides = [1]} : vector<16xf32> to vector<1xf32>
      %squeeze3A_468 = vector.extract %slice3A_467[0] : f32 from vector<1xf32>
      %get3A_469 = arith.index_cast %add3A_464 : i32 to index
      %get3A_470 = arith.constant 0 : index
      %get3A_471 = tpu.vector_load %arg12[%get3A_469, %get3A_470] {strides = array<i32>} : memref<512x32xf32, #tpu.memory_space<vmem>>, vector<1x16xf32>,
      %get3A_472 = vector.shape_cast %get3A_471 : vector<1x16xf32> to vector<16xf32>
      %get3A_473 = arith.index_cast %add3A_464 : i32 to index
      %get3A_474 = arith.constant 16 : index
      %get3A_475 = tpu.vector_load %arg12[%get3A_473, %get3A_474] {strides = array<i32>} : memref<512x32xf32, #tpu.memory_space<vmem>>, vector<1x16xf32>,
      %get3A_476 = vector.shape_cast %get3A_475 : vector<1x16xf32> to vector<16xf32>
      %mul3A_477 = vector.broadcast %squeeze3A_466 : f32 to vector<16xf32>
      %mul3A_478 = arith.mulf %mul3A_477, %get3A_38 : vector<16xf32>
      %sub3A_479 = arith.subf %get3A_472, %mul3A_478 : vector<16xf32>
      %mul3A_480 = vector.broadcast %squeeze3A_468 : f32 to vector<16xf32>
      %mul3A_481 = arith.mulf %sub3A_479, %mul3A_480 : vector<16xf32>
      %swap3A_482 = arith.index_cast %add3A_464 : i32 to index
      %swap3A_483 = arith.constant 0 : index
      %swap3A_484 = tpu.vector_load %arg18[%swap3A_482, %swap3A_483] {strides = array<i32>} : memref<512x96xf32, #tpu.memory_space<vmem>>, vector<1x16xf32>,
      %swap3A_485 = vector.shape_cast %swap3A_484 : vector<1x16xf32> to vector<16xf32>
      %swap3A_486 = vector.shape_cast %mul3A_481 : vector<16xf32> to vector<1x16xf32>
      tpu.vector_store %arg18[%swap3A_482, %swap3A_483], %swap3A_486 {strides = array<i32>} : memref<512x96xf32, #tpu.memory_space<vmem>>, vector<1x16xf32>,
      %mul3A_487 = vector.broadcast %squeeze3A_466 : f32 to vector<16xf32>
      %mul3A_488 = arith.mulf %mul3A_487, %get3A_41 : vector<16xf32>
      %sub3A_489 = arith.subf %get3A_476, %mul3A_488 : vector<16xf32>
      %mul3A_490 = vector.broadcast %squeeze3A_468 : f32 to vector<16xf32>
      %mul3A_491 = arith.mulf %sub3A_489, %mul3A_490 : vector<16xf32>
      %swap3A_492 = arith.index_cast %add3A_464 : i32 to index
      %swap3A_493 = arith.constant 16 : index
      %swap3A_494 = tpu.vector_load %arg18[%swap3A_492, %swap3A_493] {strides = array<i32>} : memref<512x96xf32, #tpu.memory_space<vmem>>, vector<1x16xf32>,
      %swap3A_495 = vector.shape_cast %swap3A_494 : vector<1x16xf32> to vector<16xf32>
      %swap3A_496 = vector.shape_cast %mul3A_491 : vector<16xf32> to vector<1x16xf32>
      tpu.vector_store %arg18[%swap3A_492, %swap3A_493], %swap3A_496 {strides = array<i32>} : memref<512x96xf32, #tpu.memory_space<vmem>>, vector<1x16xf32>,
      %add3A_497 = arith.constant 13 : i32
      %add3A_498 = arith.addi %mul3A_52, %add3A_497 : i32
      %slice3A_499 = vector.extract_strided_slice %get3A_55 {offsets = [13], sizes = [1], strides = [1]} : vector<16xf32> to vector<1xf32>
      %squeeze3A_500 = vector.extract %slice3A_499[0] : f32 from vector<1xf32>
      %slice3A_501 = vector.extract_strided_slice %get3A_58 {offsets = [13], sizes = [1], strides = [1]} : vector<16xf32> to vector<1xf32>
      %squeeze3A_502 = vector.extract %slice3A_501[0] : f32 from vector<1xf32>
      %get3A_503 = arith.index_cast %add3A_498 : i32 to index
      %get3A_504 = arith.constant 0 : index
      %get3A_505 = tpu.vector_load %arg12[%get3A_503, %get3A_504] {strides = array<i32>} : memref<512x32xf32, #tpu.memory_space<vmem>>, vector<1x16xf32>,
      %get3A_506 = vector.shape_cast %get3A_505 : vector<1x16xf32> to vector<16xf32>
      %get3A_507 = arith.index_cast %add3A_498 : i32 to index
      %get3A_508 = arith.constant 16 : index
      %get3A_509 = tpu.vector_load %arg12[%get3A_507, %get3A_508] {strides = array<i32>} : memref<512x32xf32, #tpu.memory_space<vmem>>, vector<1x16xf32>,
      %get3A_510 = vector.shape_cast %get3A_509 : vector<1x16xf32> to vector<16xf32>
      %mul3A_511 = vector.broadcast %squeeze3A_500 : f32 to vector<16xf32>
      %mul3A_512 = arith.mulf %mul3A_511, %get3A_38 : vector<16xf32>
      %sub3A_513 = arith.subf %get3A_506, %mul3A_512 : vector<16xf32>
      %mul3A_514 = vector.broadcast %squeeze3A_502 : f32 to vector<16xf32>
      %mul3A_515 = arith.mulf %sub3A_513, %mul3A_514 : vector<16xf32>
      %swap3A_516 = arith.index_cast %add3A_498 : i32 to index
      %swap3A_517 = arith.constant 0 : index
      %swap3A_518 = tpu.vector_load %arg18[%swap3A_516, %swap3A_517] {strides = array<i32>} : memref<512x96xf32, #tpu.memory_space<vmem>>, vector<1x16xf32>,
      %swap3A_519 = vector.shape_cast %swap3A_518 : vector<1x16xf32> to vector<16xf32>
      %swap3A_520 = vector.shape_cast %mul3A_515 : vector<16xf32> to vector<1x16xf32>
      tpu.vector_store %arg18[%swap3A_516, %swap3A_517], %swap3A_520 {strides = array<i32>} : memref<512x96xf32, #tpu.memory_space<vmem>>, vector<1x16xf32>,
      %mul3A_521 = vector.broadcast %squeeze3A_500 : f32 to vector<16xf32>
      %mul3A_522 = arith.mulf %mul3A_521, %get3A_41 : vector<16xf32>
      %sub3A_523 = arith.subf %get3A_510, %mul3A_522 : vector<16xf32>
      %mul3A_524 = vector.broadcast %squeeze3A_502 : f32 to vector<16xf32>
      %mul3A_525 = arith.mulf %sub3A_523, %mul3A_524 : vector<16xf32>
      %swap3A_526 = arith.index_cast %add3A_498 : i32 to index
      %swap3A_527 = arith.constant 16 : index
      %swap3A_528 = tpu.vector_load %arg18[%swap3A_526, %swap3A_527] {strides = array<i32>} : memref<512x96xf32, #tpu.memory_space<vmem>>, vector<1x16xf32>,
      %swap3A_529 = vector.shape_cast %swap3A_528 : vector<1x16xf32> to vector<16xf32>
      %swap3A_530 = vector.shape_cast %mul3A_525 : vector<16xf32> to vector<1x16xf32>
      tpu.vector_store %arg18[%swap3A_526, %swap3A_527], %swap3A_530 {strides = array<i32>} : memref<512x96xf32, #tpu.memory_space<vmem>>, vector<1x16xf32>,
      %add3A_531 = arith.constant 14 : i32
      %add3A_532 = arith.addi %mul3A_52, %add3A_531 : i32
      %slice3A_533 = vector.extract_strided_slice %get3A_55 {offsets = [14], sizes = [1], strides = [1]} : vector<16xf32> to vector<1xf32>
      %squeeze3A_534 = vector.extract %slice3A_533[0] : f32 from vector<1xf32>
      %slice3A_535 = vector.extract_strided_slice %get3A_58 {offsets = [14], sizes = [1], strides = [1]} : vector<16xf32> to vector<1xf32>
      %squeeze3A_536 = vector.extract %slice3A_535[0] : f32 from vector<1xf32>
      %get3A_537 = arith.index_cast %add3A_532 : i32 to index
      %get3A_538 = arith.constant 0 : index
      %get3A_539 = tpu.vector_load %arg12[%get3A_537, %get3A_538] {strides = array<i32>} : memref<512x32xf32, #tpu.memory_space<vmem>>, vector<1x16xf32>,
      %get3A_540 = vector.shape_cast %get3A_539 : vector<1x16xf32> to vector<16xf32>
      %get3A_541 = arith.index_cast %add3A_532 : i32 to index
      %get3A_542 = arith.constant 16 : index
      %get3A_543 = tpu.vector_load %arg12[%get3A_541, %get3A_542] {strides = array<i32>} : memref<512x32xf32, #tpu.memory_space<vmem>>, vector<1x16xf32>,
      %get3A_544 = vector.shape_cast %get3A_543 : vector<1x16xf32> to vector<16xf32>
      %mul3A_545 = vector.broadcast %squeeze3A_534 : f32 to vector<16xf32>
      %mul3A_546 = arith.mulf %mul3A_545, %get3A_38 : vector<16xf32>
      %sub3A_547 = arith.subf %get3A_540, %mul3A_546 : vector<16xf32>
      %mul3A_548 = vector.broadcast %squeeze3A_536 : f32 to vector<16xf32>
      %mul3A_549 = arith.mulf %sub3A_547, %mul3A_548 : vector<16xf32>
      %swap3A_550 = arith.index_cast %add3A_532 : i32 to index
      %swap3A_551 = arith.constant 0 : index
      %swap3A_552 = tpu.vector_load %arg18[%swap3A_550, %swap3A_551] {strides = array<i32>} : memref<512x96xf32, #tpu.memory_space<vmem>>, vector<1x16xf32>,
      %swap3A_553 = vector.shape_cast %swap3A_552 : vector<1x16xf32> to vector<16xf32>
      %swap3A_554 = vector.shape_cast %mul3A_549 : vector<16xf32> to vector<1x16xf32>
      tpu.vector_store %arg18[%swap3A_550, %swap3A_551], %swap3A_554 {strides = array<i32>} : memref<512x96xf32, #tpu.memory_space<vmem>>, vector<1x16xf32>,
      %mul3A_555 = vector.broadcast %squeeze3A_534 : f32 to vector<16xf32>
      %mul3A_556 = arith.mulf %mul3A_555, %get3A_41 : vector<16xf32>
      %sub3A_557 = arith.subf %get3A_544, %mul3A_556 : vector<16xf32>
      %mul3A_558 = vector.broadcast %squeeze3A_536 : f32 to vector<16xf32>
      %mul3A_559 = arith.mulf %sub3A_557, %mul3A_558 : vector<16xf32>
      %swap3A_560 = arith.index_cast %add3A_532 : i32 to index
      %swap3A_561 = arith.constant 16 : index
      %swap3A_562 = tpu.vector_load %arg18[%swap3A_560, %swap3A_561] {strides = array<i32>} : memref<512x96xf32, #tpu.memory_space<vmem>>, vector<1x16xf32>,
      %swap3A_563 = vector.shape_cast %swap3A_562 : vector<1x16xf32> to vector<16xf32>
      %swap3A_564 = vector.shape_cast %mul3A_559 : vector<16xf32> to vector<1x16xf32>
      tpu.vector_store %arg18[%swap3A_560, %swap3A_561], %swap3A_564 {strides = array<i32>} : memref<512x96xf32, #tpu.memory_space<vmem>>, vector<1x16xf32>,
      %add3A_565 = arith.constant 15 : i32
      %add3A_566 = arith.addi %mul3A_52, %add3A_565 : i32
      %slice3A_567 = vector.extract_strided_slice %get3A_55 {offsets = [15], sizes = [1], strides = [1]} : vector<16xf32> to vector<1xf32>
      %squeeze3A_568 = vector.extract %slice3A_567[0] : f32 from vector<1xf32>
      %slice3A_569 = vector.extract_strided_slice %get3A_58 {offsets = [15], sizes = [1], strides = [1]} : vector<16xf32> to vector<1xf32>
      %squeeze3A_570 = vector.extract %slice3A_569[0] : f32 from vector<1xf32>
      %get3A_571 = arith.index_cast %add3A_566 : i32 to index
      %get3A_572 = arith.constant 0 : index
      %get3A_573 = tpu.vector_load %arg12[%get3A_571, %get3A_572] {strides = array<i32>} : memref<512x32xf32, #tpu.memory_space<vmem>>, vector<1x16xf32>,
      %get3A_574 = vector.shape_cast %get3A_573 : vector<1x16xf32> to vector<16xf32>
      %get3A_575 = arith.index_cast %add3A_566 : i32 to index
      %get3A_576 = arith.constant 16 : index
      %get3A_577 = tpu.vector_load %arg12[%get3A_575, %get3A_576] {strides = array<i32>} : memref<512x32xf32, #tpu.memory_space<vmem>>, vector<1x16xf32>,
      %get3A_578 = vector.shape_cast %get3A_577 : vector<1x16xf32> to vector<16xf32>
      %mul3A_579 = vector.broadcast %squeeze3A_568 : f32 to vector<16xf32>
      %mul3A_580 = arith.mulf %mul3A_579, %get3A_38 : vector<16xf32>
      %sub3A_581 = arith.subf %get3A_574, %mul3A_580 : vector<16xf32>
      %mul3A_582 = vector.broadcast %squeeze3A_570 : f32 to vector<16xf32>
      %mul3A_583 = arith.mulf %sub3A_581, %mul3A_582 : vector<16xf32>
      %swap3A_584 = arith.index_cast %add3A_566 : i32 to index
      %swap3A_585 = arith.constant 0 : index
      %swap3A_586 = tpu.vector_load %arg18[%swap3A_584, %swap3A_585] {strides = array<i32>} : memref<512x96xf32, #tpu.memory_space<vmem>>, vector<1x16xf32>,
      %swap3A_587 = vector.shape_cast %swap3A_586 : vector<1x16xf32> to vector<16xf32>
      %swap3A_588 = vector.shape_cast %mul3A_583 : vector<16xf32> to vector<1x16xf32>
      tpu.vector_store %arg18[%swap3A_584, %swap3A_585], %swap3A_588 {strides = array<i32>} : memref<512x96xf32, #tpu.memory_space<vmem>>, vector<1x16xf32>,
      %mul3A_589 = vector.broadcast %squeeze3A_568 : f32 to vector<16xf32>
      %mul3A_590 = arith.mulf %mul3A_589, %get3A_41 : vector<16xf32>
      %sub3A_591 = arith.subf %get3A_578, %mul3A_590 : vector<16xf32>
      %mul3A_592 = vector.broadcast %squeeze3A_570 : f32 to vector<16xf32>
      %mul3A_593 = arith.mulf %sub3A_591, %mul3A_592 : vector<16xf32>
      %swap3A_594 = arith.index_cast %add3A_566 : i32 to index
      %swap3A_595 = arith.constant 16 : index
      %swap3A_596 = tpu.vector_load %arg18[%swap3A_594, %swap3A_595] {strides = array<i32>} : memref<512x96xf32, #tpu.memory_space<vmem>>, vector<1x16xf32>,
      %swap3A_597 = vector.shape_cast %swap3A_596 : vector<1x16xf32> to vector<16xf32>
      %swap3A_598 = vector.shape_cast %mul3A_593 : vector<16xf32> to vector<1x16xf32>
      tpu.vector_store %arg18[%swap3A_594, %swap3A_595], %swap3A_598 {strides = array<i32>} : memref<512x96xf32, #tpu.memory_space<vmem>>, vector<1x16xf32>,
      %scan3A_599 = arith.constant 0 : i32
      scf.yield %scan3A_599 : i32
    }
    %scan3A_48 = arith.constant 32 : i32
    "tpu.region"() ({
      %run_scoped3A_49 = tpu.sem_alloc : memref<!tpu.dma_semaphore, #tpu.memory_space<semaphore_mem>>
      %dma_start3A_50 = arith.constant 0 : i32
      %dma_start3A_51 = tpu.memref_slice %arg8[%mul3A_2, %dma_start3A_50] : memref<16384x96xf32, #tpu.memory_space<hbm>> -> memref<512x96xf32, #tpu.memory_space<hbm>>
      %dma_start3A_52 = arith.constant 0 : i32
      %dma_start3A_53 = tpu.memref_slice %arg8[%mul3A_2, %dma_start3A_52] : memref<16384x96xf32, #tpu.memory_space<hbm>> -> memref<512x96xf32, #tpu.memory_space<hbm>>
      tpu.enqueue_dma source(%arg18 : memref<512x96xf32, #tpu.memory_space<vmem>>) target(%dma_start3A_53 : memref<512x96xf32, #tpu.memory_space<hbm>>) target_semaphore(%run_scoped3A_49 : memref<!tpu.dma_semaphore, #tpu.memory_space<semaphore_mem>>)
      %dma_wait3A_54 = arith.constant 0 : i32
      %dma_wait3A_55 = tpu.memref_slice %arg8[%mul3A_2, %dma_wait3A_54] : memref<16384x96xf32, #tpu.memory_space<hbm>> -> memref<512x96xf32, #tpu.memory_space<hbm>>
      %dma_wait3A_56 = arith.constant 0 : i32
      %dma_wait3A_57 = tpu.memref_slice %arg8[%mul3A_2, %dma_wait3A_56] : memref<16384x96xf32, #tpu.memory_space<hbm>> -> memref<512x96xf32, #tpu.memory_space<hbm>>
      tpu.wait_dma2 semaphore(%run_scoped3A_49 : memref<!tpu.dma_semaphore, #tpu.memory_space<semaphore_mem>>) src(%arg18 : memref<512x96xf32, #tpu.memory_space<vmem>>) dst(%dma_wait3A_57 : memref<512x96xf32, #tpu.memory_space<hbm>>)
      tpu.yield
    }) : () -> ()
    return
  }
}

</mosaic_0001>

<sc_bundles>
// kernel: kernel.3.cloned.1.call-start
scs
__scs_entry_jumppad:
0x0: {  	(pc) =	sbr.rel $0x88, $3  }
0x1: {  	(tag) =	ssettag $0x0;
	lr =	simm.s32 $0x1  }
0x2: {  	[smem:$0x3F9B] =	sst lr;
	_ =	strace $0xD0000000  }
0x3: {  	_ = 	snop  }
0x4: {  	_ = 	snop  }
0x5: {  	_ = 	snop  }
0x6: {  	_ = 	snop  }
0x7: {  	_ = 	snop  }
__scs_overlays_trampoline_lowered:
0x8: {  	[smem:$0x3FAA] =	sst s0  }
0x9: {  	[smem:$0x3FAB] =	sst s1  }
0xa: {  	[smem:$0x3FAC] =	sst s2  }
0xb: {  	[smem:$0x3FAD] =	sst s3  }
0xc: {  	[smem:$0x3FAE] =	sst s4  }
0xd: {  	[smem:$0x3FAF] =	sst s5  }
0xe: {  	[smem:$0x3FB0] =	sst s6  }
0xf: {  	[smem:$0x3FB1] =	sst s7  }
0x10: {  	[smem:$0x3FB2] =	sst s8  }
0x11: {  	[smem:$0x3FB3] =	sst s9;
	s0 =	simm.s32 @!p0 $0x0  }
0x12: {  	s1 =	sld [smem:$0x3F99];
	s0 =	simm.s32 @p0 $0x1  }
0x13: {  	[smem:$0x3FB4] =	sst s0;
	s0 =	simm.s32 @!p1 $0x0  }
0x14: {  	s2 =	sld [smem:$0x3F98];
	s0 =	simm.s32 @p1 $0x1  }
0x15: {  	[smem:$0x3FB5] =	sst s0;
	s0 =	simm.s32 @!p2 $0x0  }
0x16: {  	s3 =	sld [smem:$0x3FDB];
	s0 =	simm.s32 @p2 $0x1  }
0x17: {  	s4 =	simm.s32 $0x1BF5;
	[smem:$0x3FB7] =	sst s0  }
0x18: {  	s0 =	sld [smem:$0x3F9A];
	_ =	swait.ge [sflag:s4], $0x0  }
0x19: {  	s7 =	sld [smem:$0x3F9B]  }
0x1a: {  	s8 =	sadd.s32 $0xFFFFE003, lr  }
0x1b: {  	s9 =	sadd.s32 $0xFFFFFEF7, lr;
	s5 =	simm.s32 $0xFFFFFFFF;
	p2 =	slt.u32 s8, $0xFFFFF086  }
0x1c: {  	p1 =	slt.u32 s9, $0xF7A;
	s5 =	simm.s32 @!p2 $0x0  }
0x1d: {  	s5 =	simm.s32 @p1 $0x1;
	p0 =	seq.s32 s7, s2  }
0x1e: {  	s7 =	smul.u32 @!p0 $0xF7A, s2;
	p2 =	seq.s32 @!p0 s5, $0x0  }
0x1f: {  	s9 =	smul.u32 $0xF7A, s1;
	s8 =	simm.s32 @!p0 $0x1BF5;
	p2 =	por !p2, p0  }
0x20: {  	[sflag:s8] =	ssyncset.s32 @!p0 $0xFFFFF086;
	s6 =	sadd.s32 @!p0 s3, s7;
	s7 =	simm.s32 @!p0 $0x108  }
0x21: {  	s3 =	sadd.s32 s3, s9;
	s6 =	sadd.s32 @!p0 $0x88, s6;
	s7 =	simm.s32 @p2 $0x1082  }
0x22: {  	[simem:s7], [sflag:s8] =	dma.local @!p0 [hbm:s6], $0xF7A  }
0x23: {  	s9 =	sor.u32 $0xD0000000, s2;
	s6 =	simm.s32 $0x108;
	_ =	swait.ge @!p0 [sflag:s8], $0x0  }
0x24: {  	s3 =	sadd.s32 $0x88, s3;
	s6 =	simm.s32 @!p1 $0x1082;
	[sflag:s4] =	ssyncset.s32 $0xFFFFF086  }
0x25: {  	[simem:s6], [sflag:s4] =	dma.local [hbm:s3], $0xF7A  }
0x26: {  	[smem:$0x3F9B] =	sst s1;
	(tag) =	ssettag s2;
	_ =	strace s9  }
0x27: {  	s1 =	sld [smem:$0x3FAB]  }
0x28: {  	s2 =	sld [smem:$0x3FAC]  }
0x29: {  	s4 =	sld [smem:$0x3FAE]  }
0x2a: {  	p0 =	seq.s32 s5, $0x0;
	s5 =	sld [smem:$0x3FAF]  }
0x2b: {  	s6 =	sld [smem:$0x3FB0]  }
0x2c: {  	s7 =	sld [smem:$0x3FB1]  }
0x2d: {  	s3 =	simm.s32 $0x108;
	s8 =	sld [smem:$0x3FB2]  }
0x2e: {  	s3 =	simm.s32 @!p0 $0x1082;
	s9 =	sld [smem:$0x3FB3]  }
0x2f: {  	lr =	sadd.s32 s0, s3;
	s0 =	sld [smem:$0x3FAA]  }
0x30: {  	s3 =	sld [smem:$0x3FAD]  }
0x31: {  	[smem:$0x3FB6] =	sst s10  }
0x32: {  	s10 =	sld [smem:$0x3FB4];
	_ =	sdelay $0x3  }
0x33: {  	p0 =	seq.s32 s10, $0x1;
	s10 =	sld [smem:$0x3FB6];
	_ =	sdelay $0x3  }
0x34: {  	[smem:$0x3FB6] =	sst s10  }
0x35: {  	s10 =	sld [smem:$0x3FB5];
	_ =	sdelay $0x3  }
0x36: {  	p1 =	seq.s32 s10, $0x1;
	s10 =	sld [smem:$0x3FB6];
	_ =	sdelay $0x3  }
0x37: {  	[smem:$0x3FB6] =	sst s10  }
0x38: {  	s10 =	sld [smem:$0x3FB7]  }
0x39: {  	_ = 	snop;
	(pc) =	sbr.ind lr, $3  }
0x3a: {  	_ = 	snop  }
0x3b: {  	_ = 	snop  }
0x3c: {  	p2 =	seq.s32 s10, $0x1;
	s10 =	sld [smem:$0x3FB6]  }
0x3d: {  	_ =	shalt  }
0x3e: {  	_ =	shalt  }
0x3f: {  	_ =	shalt  }
0x40: {  	_ =	shalt  }
0x41: {  	_ =	shalt  }
0x42: {  	_ =	shalt  }
0x43: {  	_ =	shalt  }
0x44: {  	_ =	shalt  }
0x45: {  	_ =	shalt  }
0x46: {  	_ =	shalt  }
0x47: {  	_ =	shalt  }
0x48: {  	_ =	shalt  }
0x49: {  	_ =	shalt  }
0x4a: {  	_ =	shalt  }
0x4b: {  	_ =	shalt  }
0x4c: {  	_ =	shalt  }
0x4d: {  	_ =	shalt  }
0x4e: {  	_ =	shalt  }
0x4f: {  	_ =	shalt  }
0x50: {  	_ =	shalt  }
0x51: {  	_ =	shalt  }
0x52: {  	_ =	shalt  }
0x53: {  	_ =	shalt  }
0x54: {  	_ =	shalt  }
0x55: {  	_ =	shalt  }
0x56: {  	_ =	shalt  }
0x57: {  	_ =	shalt  }
0x58: {  	_ =	shalt  }
0x59: {  	_ =	shalt  }
0x5a: {  	_ =	shalt  }
0x5b: {  	_ =	shalt  }
0x5c: {  	_ =	shalt  }
0x5d: {  	_ =	shalt  }
0x5e: {  	_ =	shalt  }
0x5f: {  	_ =	shalt  }
0x60: {  	_ =	shalt  }
0x61: {  	_ =	shalt  }
0x62: {  	_ =	shalt  }
0x63: {  	_ =	shalt  }
0x64: {  	_ =	shalt  }
0x65: {  	_ =	shalt  }
0x66: {  	_ =	shalt  }
0x67: {  	_ =	shalt  }
0x68: {  	_ =	shalt  }
0x69: {  	_ =	shalt  }
0x6a: {  	_ =	shalt  }
0x6b: {  	_ =	shalt  }
0x6c: {  	_ =	shalt  }
0x6d: {  	_ =	shalt  }
0x6e: {  	_ =	shalt  }
0x6f: {  	_ =	shalt  }
0x70: {  	_ =	shalt  }
0x71: {  	_ =	shalt  }
0x72: {  	_ =	shalt  }
0x73: {  	_ =	shalt  }
0x74: {  	_ =	shalt  }
0x75: {  	_ =	shalt  }
0x76: {  	_ =	shalt  }
0x77: {  	_ =	shalt  }
0x78: {  	_ =	shalt  }
0x79: {  	_ =	shalt  }
0x7a: {  	_ =	shalt  }
0x7b: {  	_ =	shalt  }
0x7c: {  	_ =	shalt  }
0x7d: {  	_ =	shalt  }
0x7e: {  	_ =	shalt  }
0x7f: {  	_ =	shalt  }
0x80: {  	_ =	shalt  }
0x81: {  	_ =	shalt  }
0x82: {  	_ =	shalt  }
0x83: {  	_ =	shalt  }
0x84: {  	_ =	shalt  }
0x85: {  	_ =	shalt  }
0x86: {  	_ =	shalt  }
0x87: {  	_ =	shalt  }
.Lfunc_end0:
.L_simem_size_0:
called_computation_lowered:
.L_overlay_start_0:
0x88: {  	s2 =	sld [smem:$0x3FD9]  }
0x89: {  	s3 =	sld [smem:$0x3FFE];
	_ =	sdelay $0x1  }
0x8a: {  	s1 =	srdreg.scid  }
0x8b: {  	s0 =	sand.u32 $0x1, s1  }
0x8c: {  	s17 =	sshll.u32 s0, $0xA;
	s2 =	sadd.s32 s3, s2  }
0x8d: {  	s2 =	sadd.s32 s2, s17  }
0x8e: {  	[smem:$0x3FC2] =	sst s2  }
0x8f: {  	_ = 	snop  }
0x90: {  	s2 =	sld [smem:$0x3FC8]  }
0x91: {  	s18 =	sld [smem:$0x3FC7]  }
0x92: {  	s4 =	sld [smem:$0x3FD0];
	(tm) =	ssettm $0x1  }
0x93: {  	s5 =	sld [smem:$0x3FFB];
	_ =	sdelay $0x3  }
0x94: {  	_ =	strace s5  }
0x95: {  	s5 =	sld [smem:$0x3FFC];
	_ =	sdelay $0x3  }
0x96: {  	_ =	strace s5  }
0x97: {  	s5 =	sld [smem:$0x3FFD];
	_ =	sdelay $0x3  }
0x98: {  	_ =	strace s5  }
0x99: {  	_ =	strace $0x8FFFFFFF  }
0x9a: {  	s19 =	sld [smem:$0x3FDB];
	_ =	sdelay $0x1  }
0x9b: {  	s6 =	simm.s32 $_scs_section_size  }
0x9c: {  	s7 =	simm.s32 $_size__tile_overlayer_lowered;
	s8 =	simm.s32 $_tile_overlayer_lowered  }
0x9d: {  	s22 =	simm.s32 $0x1BFF;
	s21 =	sshll.u32 s8, $0x1;
	s5 =	sadd.s32 s6, s19  }
0x9e: {  	s9 =	simm.s32 $0x0;
	s20 =	sshll.u32 s7, $0x1;
	s7 =	sadd.s32 s21, s5  }
0x9f: {  	[timem:s9], [sflag:s22] =	dma.local [hbm:s7], s20  }
0xa0: {  	_ =	swait.ge [sflag:s22], s20  }
0xa1: {  	s6 =	ssub.s32 $0x0, s20;
	[sflag:s22] =	ssyncset.done $0x0  }
0xa2: {  	[sflag:s22] =	ssyncadd.s32 s6;
	_ =	sdelay $0x1  }
0xa3: {  	s23 =	simm.s32 $0x1B8B  }
0xa4: {  	_ =	swait.ge [sflag:s23], $0x1  }
0xa5: {  	[sflag:s23] =	ssyncset.done $0x0  }
0xa6: {  	s25 =	simm.s32 $0x1B8E;
	s24 =	sld [smem:$0x3FFE];
	[sflag:s23] =	ssyncadd.s32 $0xFFFFFFFF  }
0xa7: {  	s26 =	simm.s32 $execute0_lowered;
	[smem:$0x3FD2] =	sst s25  }
0xa8: {  	s7 =	sshll.u32 s26, $0x1;
	_ =	strace $0x80000046;
	[dreg:$0x1] =	wrdreg $0xFFFFFFFF  }
0xa9: {  	s28 =	simm.s32 $_size_execute0_lowered;
	s5 =	sadd.s32 s5, s7;
	[dreg:$0x0] =	wrdreg $0x0  }
0xaa: {  	s7 =	sshll.u32 s28, $0x1;
	[dreg:$0x2] =	wrdreg s5  }
0xab: {  	[dreg:$0x3] =	wrdreg s7  }
0xac: {  	[dreg:$0x4] =	wrdreg $0xC0  }
0xad: {  	_ =	task [dreg:s9], $0x5FFFF  }
0xae: {  	[dreg:$0x1] =	wrdreg $0xFFFFFFFF  }
0xaf: {  	[dreg:$0x0] =	wrdreg $0x60  }
0xb0: {  	[dreg:$0x2] =	wrdreg s24  }
0xb1: {  	[dreg:$0x3] =	wrdreg s2  }
0xb2: {  	[dreg:$0x4] =	wrdreg s18  }
0xb3: {  	[dreg:$0x5] =	wrdreg s4  }
0xb4: {  	[dreg:$0x6] =	wrdreg $0x9  }
0xb5: {  	_ =	task.clear_ibuf [dreg:s9], $0x7FFFF;
	_ =	strace $0x90000046  }
0xb6: {  	s29 =	simm.s32 $0x9;
	_ =	strace $0x80000048  }
0xb7: {  	_ =	swait.ge [sflag:s29], $0x1  }
0xb8: {  	[sflag:s29] =	ssyncadd.s32 $0xFFFFFFFF  }
0xb9: {  	_ =	strace $0x90000048  }
0xba: {  	_ =	sfence  }
0xbb: {  	s30 =	sld [smem:$0x0];
	_ =	sdelay $0x2  }
0xbc: {  	s31 =	sshll.u32 s1, $0xD;
	s1 =	sshrl.u32 s1, $0x2  }
0xbd: {  	s3 =	sand.u32 $0x4000, s31;
	s1 =	sadd.s32 s1, s30  }
0xbe: {  	s0 =	sor.u32 s3, s0;
	s1 =	sshll.u32 s1, $0x11  }
0xbf: {  	s0 =	sor.u32 s1, s0  }
0xc0: {  	s0 =	sadd.s32 $0x8F2B, s0  }
0xc1: {  	[sflag:s0] =	ssyncadd.remote.s32 $0x1  }
0xc2: {  	_ =	sfence.sel $0xFFFF  }
0xc3: {  	[dreg:$0x0] =	wrdreg $0xFFFFFFFF;
	(pc) =	sbr.abs _section_cstart, $3  }
0xc4: {  	[dreg:$0x1] =	wrdreg $0xFFFFFFFF  }
0xc5: {  	_ =	task.clear_ibuf [dreg:s9], $0x2FFFF;
	_ =	strace $0x9FFFFFFF  }
0xc6: {  	(tm) =	ssettm $0x7FFFFFFF  }
0xc7: {  	_ =	shalt  }
tec
execute0_lowered:
.L_overlay_start_1:
0x0: {  	(tag) =	ssettag $0x1  }
0x1: {  	s0 =	rddreg [dreg:$0x0]  }
0x2: {  	s1 =	rddreg [dreg:$0x1]  }
0x3: {  	s2 =	srdreg.scid;
	s8 =	rddreg [dreg:$0x2]  }
0x4: {  	s4 =	stileid.u32;
	s9 =	rddreg [dreg:$0x3];
	s13 =	simm.s32 $0x2  }
0x5: {  	s14 =	simm.s32 $0x2C00;
	s20 =	simm.s32 $0x1;
	s30 =	simm.s32 $0x1400  }
0x6: {  	s31 =	simm.s32 $0x1600;
	s15 =	simm.s32 $0x1E00;
	s16 =	simm.s32 $0x2000  }
0x7: {  	s17 =	simm.s32 $0x2200;
	s18 =	simm.s32 $0x2400;
	s19 =	simm.s32 $0x2600  }
0x8: {  	s21 =	simm.s32 $0x7F60;
	s22 =	simm.s32 $0x0;
	s5 =	sand.u32 $0x1, s2  }
0x9: {  	s4 =	sshll.u32 s4, $0x9;
	s2 =	simm.s32 $0x0;
	s3 =	sshll.u32 s5, $0xD  }
0xa: {  	[smem:$0x7FF] =	sst s2;
	s11 =	ssub.s32 $0x2, s5;
	s5 =	sadd.s32 $0x400, s0  }
0xb: {  	s6 =	sor.u32 s4, s3;
	_ =	strace $0x80000047;
	s3 =	sadd.s32 $0xA800, s0  }
0xc: {  	s4 =	sadd.s32 $0x600, s0;
	s29 =	sshrl.u32 s11, $0x1;
	s10 =	sshrl.u32 s6, $0x3  }
0xd: {  	s12 =	smul.u32 $0xC, s6;
	s7 =	sadd.s32 s10, s0;
	s0 =	ssub.s32 s11, s29  }
0xe: {  	s8 =	sadd.s32 s8, s10;
	s11 =	simm.s32 $0x200;
	s6 =	sadd.s32 $0x800, s7  }
0xf: {  	s7 =	sadd.s32 s1, s10;
	s9 =	sadd.s32 s9, s12;
	s10 =	smax.u32 s0, $0x1  }
0x10: {  	v0 =	vimm.f32 $0.0e+00;
	s1 =	simm.s32 $0x1800;
	s0 =	simm.s32 $0x1A00;
	s12 =	simm.s32 $0x1C00  }
.LBB2_1:
0x11: {  	s23 =	simm.s32 $0x4000  }
0x12: {  	[tilespmem:s2], [sflag:$0x2] =	stream.strided.gather [hbm4b:s6+s11], $0x2800, s23, s11, $0x38;
	[tilespmem:$0x13F60] =	vst v63  }
0x13: {  	_ =	swait.ge [sflag:s13], $0x2800  }
0x14: {  	[sflag:s13] =	ssyncset.done $0x0  }
0x15: {  	[sflag:s13] =	ssyncadd.s32 $0xFFFFD800  }
0x16: {  	[tilespmem:s14], [sflag:$0x1] =	stream.indirect.gather [hbm4b:s3+s11], $0x20, s2, s11, $0xb8;
	[tilespmem:$0x13F60] =	vst v63  }
0x17: {  	s26 =	simm.s32 $0x2800  }
0x18: {  	[tilespmem:s26], [sflag:$0x2] =	stream.linear.gather [hbm4b:s7+s2], $0x200, $0x38;
	[tilespmem:$0x13F60] =	vst v63  }
0x19: {  	_ =	swait.ge [sflag:s13], $0x200  }
0x1a: {  	[sflag:s13] =	ssyncset.done $0x0  }
0x1b: {  	s28 =	simm.s32 $0x2A00;
	[sflag:s13] =	ssyncadd.s32 $0xFFFFFE00  }
0x1c: {  	[tilespmem:s28], [sflag:$0x2] =	stream.linear.gather [hbm4b:s8+s2], $0x200, $0x38;
	[tilespmem:$0x13F60] =	vst v63  }
0x1d: {  	_ =	swait.ge [sflag:s13], $0x200  }
0x1e: {  	[sflag:s13] =	ssyncset.done $0x0  }
0x1f: {  	s29 =	simm.s32 $0x6C00;
	[sflag:s13] =	ssyncadd.s32 $0xFFFFFE00  }
0x20: {  	[tilespmem:s29], [sflag:$0x2] =	stream.linear.gather [hbm4b:s4+s2], $0xCA0, $0x38;
	[tilespmem:$0x13F60] =	vst v63  }
0x21: {  	_ =	swait.ge [sflag:s13], $0xCA0  }
0x22: {  	[sflag:s13] =	ssyncset.done $0x0  }
0x23: {  	s24 =	simm.s32 $0x78A0;
	[sflag:s13] =	ssyncadd.s32 $0xFFFFF360  }
0x24: {  	[tilespmem:s24], [sflag:$0x2] =	stream.linear.gather [hbm4b:s5+s2], $0x2A0, $0x38;
	[tilespmem:$0x13F60] =	vst v63  }
0x25: {  	_ =	swait.ge [sflag:s13], $0x2A0  }
0x26: {  	[sflag:s13] =	ssyncset.done $0x0  }
0x27: {  	s25 =	simm.s32 $0x7F40;
	[sflag:s13] =	ssyncadd.s32 $0xFFFFFD60  }
0x28: {  	[tilespmem:s25], [sflag:$0x2] =	stream.linear.gather [hbm4b:s3+s2], $0x20, $0x38;
	[tilespmem:$0x13F60] =	vst v63  }
0x29: {  	_ =	swait.ge [sflag:s13], $0x20  }
0x2a: {  	[sflag:s13] =	ssyncset.done $0x0  }
0x2b: {  	[sflag:s13] =	ssyncadd.s32 $0xFFFFFFE0  }
0x2c: {  	_ =	swait.ge [sflag:s20], $0x4000  }
0x2d: {  	[sflag:s20] =	ssyncset.done $0x0  }
0x2e: {  	[sflag:s20] =	ssyncadd.s32 $0xFFFFC000  }
0x2f: {  	[tilespmem:s14], [sflag:$0x1] =	stream.indirect.gather.add.f32 [hbm:s3], $0x20, s11, s11, $0xb8;
	[tilespmem:$0x13F60] =	vst v63  }
0x30: {  	s26 =	simm.s32 $0x400  }
0x31: {  	[tilespmem:s14], [sflag:$0x1] =	stream.indirect.gather.add.f32 [hbm:s3], $0x20, s26, s11, $0xb8;
	[tilespmem:$0x13F60] =	vst v63  }
0x32: {  	s28 =	simm.s32 $0x600  }
0x33: {  	[tilespmem:s14], [sflag:$0x1] =	stream.indirect.gather.add.f32 [hbm:s3], $0x20, s28, s11, $0xb8;
	[tilespmem:$0x13F60] =	vst v63  }
0x34: {  	s29 =	simm.s32 $0x800  }
0x35: {  	[tilespmem:s14], [sflag:$0x1] =	stream.indirect.gather.add.f32 [hbm:s3], $0x20, s29, s11, $0xb8;
	[tilespmem:$0x13F60] =	vst v63  }
0x36: {  	s24 =	simm.s32 $0xA00  }
0x37: {  	[tilespmem:s14], [sflag:$0x1] =	stream.indirect.gather.add.f32 [hbm:s3], $0x20, s24, s11, $0xb8;
	[tilespmem:$0x13F60] =	vst v63  }
0x38: {  	s25 =	simm.s32 $0xC00  }
0x39: {  	[tilespmem:s14], [sflag:$0x1] =	stream.indirect.gather.add.f32 [hbm:s3], $0x20, s25, s11, $0xb8;
	[tilespmem:$0x13F60] =	vst v63  }
0x3a: {  	s26 =	simm.s32 $0xE00  }
0x3b: {  	[tilespmem:s14], [sflag:$0x1] =	stream.indirect.gather.add.f32 [hbm:s3], $0x20, s26, s11, $0xb8;
	[tilespmem:$0x13F60] =	vst v63  }
0x3c: {  	s28 =	simm.s32 $0x1000  }
0x3d: {  	[tilespmem:s14], [sflag:$0x1] =	stream.indirect.gather.add.f32 [hbm:s3], $0x20, s28, s11, $0xb8;
	[tilespmem:$0x13F60] =	vst v63  }
0x3e: {  	s29 =	simm.s32 $0x1200  }
0x3f: {  	[tilespmem:s14], [sflag:$0x1] =	stream.indirect.gather.add.f32 [hbm:s3], $0x20, s29, s11, $0xb8;
	[tilespmem:$0x13F60] =	vst v63  }
0x40: {  	_ = 	snop  }
0x41: {  	[tilespmem:s14], [sflag:$0x1] =	stream.indirect.gather.add.f32 [hbm:s3], $0x20, s30, s11, $0xb8;
	[tilespmem:$0x13F60] =	vst v63  }
0x42: {  	_ = 	snop  }
0x43: {  	[tilespmem:s14], [sflag:$0x1] =	stream.indirect.gather.add.f32 [hbm:s3], $0x20, s31, s11, $0xb8;
	[tilespmem:$0x13F60] =	vst v63  }
0x44: {  	_ = 	snop  }
0x45: {  	[tilespmem:s14], [sflag:$0x1] =	stream.indirect.gather.add.f32 [hbm:s3], $0x20, s1, s11, $0xb8;
	[tilespmem:$0x13F60] =	vst v63  }
0x46: {  	_ = 	snop  }
0x47: {  	[tilespmem:s14], [sflag:$0x1] =	stream.indirect.gather.add.f32 [hbm:s3], $0x20, s0, s11, $0xb8;
	[tilespmem:$0x13F60] =	vst v63  }
0x48: {  	_ = 	snop  }
0x49: {  	[tilespmem:s14], [sflag:$0x1] =	stream.indirect.gather.add.f32 [hbm:s3], $0x20, s12, s11, $0xb8;
	[tilespmem:$0x13F60] =	vst v63  }
0x4a: {  	_ = 	snop  }
0x4b: {  	[tilespmem:s14], [sflag:$0x1] =	stream.indirect.gather.add.f32 [hbm:s3], $0x20, s15, s11, $0xb8;
	[tilespmem:$0x13F60] =	vst v63  }
0x4c: {  	_ = 	snop  }
0x4d: {  	[tilespmem:s14], [sflag:$0x1] =	stream.indirect.gather.add.f32 [hbm:s3], $0x20, s16, s11, $0xb8;
	[tilespmem:$0x13F60] =	vst v63  }
0x4e: {  	_ = 	snop  }
0x4f: {  	[tilespmem:s14], [sflag:$0x1] =	stream.indirect.gather.add.f32 [hbm:s3], $0x20, s17, s11, $0xb8;
	[tilespmem:$0x13F60] =	vst v63  }
0x50: {  	_ = 	snop  }
0x51: {  	[tilespmem:s14], [sflag:$0x1] =	stream.indirect.gather.add.f32 [hbm:s3], $0x20, s18, s11, $0xb8;
	[tilespmem:$0x13F60] =	vst v63  }
0x52: {  	s23 =	simm.s32 $0x8280;
	s24 =	simm.s32 $0x0  }
0x53: {  	[tilespmem:s14], [sflag:$0x1] =	stream.indirect.gather.add.f32 [hbm:s3], $0x20, s19, s11, $0xb8;
	[tilespmem:$0x13F60] =	vst v63  }
.LBB2_2:
0x54: {  	s25 =	sshra.s32 s24, $0x2  }
0x55: {  	v1 =	vld [tilespmem:s25+$0x0]  }
0x56: {  	v2 =	vld [tilespmem:s25+$0x200];
	_ =	sdelay $0x1  }
0x57: {  	v3 =	vld [tilespmem:s25+$0x400];
	_ =	sdelay $0x1  }
0x58: {  	v4 =	vld [tilespmem:s25+$0x600]  }
0x59: {  	vm0 =	veq.s32 v1, $0x0;
	vm1 =	veq.s32 v2, $0x0  }
0x5a: {  	v5 =	vld [tilespmem:s25+$0x800];
	v1 =	vsel vm0, $0x3F800000, v0;
	v2 =	vsel vm1, $0x3F800000, v0  }
0x5b: {  	vm9 =	veq.s32 v3, $0x0;
	v1 =	vadd.f32 v2, v1  }
0x5c: {  	v3 =	vld [tilespmem:s25+$0xA00];
	v2 =	vsel vm9, $0x3F800000, v0  }
0x5d: {  	vm10 =	veq.s32 v4, $0x0;
	v1 =	vadd.f32 v2, v1  }
0x5e: {  	v53 =	vld [tilespmem:s25+$0xC00];
	v2 =	vsel vm10, $0x3F800000, v0  }
0x5f: {  	vm11 =	veq.s32 v5, $0x0;
	v1 =	vadd.f32 v2, v1  }
0x60: {  	v54 =	vld [tilespmem:s25+$0xE00];
	v2 =	vsel vm11, $0x3F800000, v0  }
0x61: {  	vm12 =	veq.s32 v3, $0x0;
	v1 =	vadd.f32 v2, v1  }
0x62: {  	v3 =	vld [tilespmem:s25+$0x1000];
	v2 =	vsel vm12, $0x3F800000, v0  }
0x63: {  	vm13 =	veq.s32 v53, $0x0;
	v1 =	vadd.f32 v2, v1  }
0x64: {  	v55 =	vld [tilespmem:s25+$0x1200];
	v2 =	vsel vm13, $0x3F800000, v0  }
0x65: {  	vm14 =	veq.s32 v54, $0x0;
	v1 =	vadd.f32 v2, v1  }
0x66: {  	v56 =	vld [tilespmem:s25+$0x1400];
	v2 =	vsel vm14, $0x3F800000, v0  }
0x67: {  	vm15 =	veq.s32 v3, $0x0;
	v1 =	vadd.f32 v2, v1  }
0x68: {  	v3 =	vld [tilespmem:s25+$0x1600];
	v2 =	vsel vm15, $0x3F800000, v0  }
0x69: {  	vm4 =	veq.s32 v55, $0x0;
	v1 =	vadd.f32 v2, v1  }
0x6a: {  	v57 =	vld [tilespmem:s25+$0x1800];
	v2 =	vsel vm4, $0x3F800000, v0  }
0x6b: {  	vm5 =	veq.s32 v56, $0x0;
	v1 =	vadd.f32 v2, v1  }
0x6c: {  	v58 =	vld [tilespmem:s25+$0x1A00];
	v2 =	vsel vm5, $0x3F800000, v0  }
0x6d: {  	vm6 =	veq.s32 v3, $0x0;
	v1 =	vadd.f32 v2, v1  }
0x6e: {  	v3 =	vld [tilespmem:s25+$0x1C00];
	v2 =	vsel vm6, $0x3F800000, v0  }
0x6f: {  	vm7 =	veq.s32 v57, $0x0;
	v1 =	vadd.f32 v2, v1  }
0x70: {  	v59 =	vld [tilespmem:s25+$0x1E00];
	v2 =	vsel vm7, $0x3F800000, v0  }
0x71: {  	vm8 =	veq.s32 v58, $0x0;
	v1 =	vadd.f32 v2, v1  }
0x72: {  	v60 =	vld [tilespmem:s25+$0x2000];
	v2 =	vsel vm8, $0x3F800000, v0  }
0x73: {  	vm9 =	veq.s32 v3, $0x0;
	v1 =	vadd.f32 v2, v1  }
0x74: {  	v3 =	vld [tilespmem:s25+$0x2200];
	v2 =	vsel vm9, $0x3F800000, v0  }
0x75: {  	vm10 =	veq.s32 v59, $0x0;
	v1 =	vadd.f32 v2, v1  }
0x76: {  	v61 =	vld [tilespmem:s25+$0x2400];
	v2 =	vsel vm10, $0x3F800000, v0  }
0x77: {  	v6 =	vld [tilespmem:s25+$0x2800];
	vm11 =	veq.s32 v60, $0x0;
	v1 =	vadd.f32 v2, v1  }
0x78: {  	v5 =	vsel vm11, $0x3F800000, v0;
	v2 =	vld [tilespmem:s25+$0x2600]  }
0x79: {  	vm12 =	veq.s32 v3, $0x0;
	v1 =	vadd.f32 v5, v1  }
0x7a: {  	v3 =	vsel vm12, $0x3F800000, v0  }
0x7b: {  	vm13 =	veq.s32 v61, $0x0;
	v1 =	vadd.f32 v3, v1  }
0x7c: {  	v3 =	vsel vm13, $0x3F800000, v0  }
0x7d: {  	vm14 =	veq.s32 v2, $0x0;
	v3 =	vadd.f32 v3, v1;
	v1 =	vshll.u32 v6, $0x7  }
0x7e: {  	v2 =	vsel vm14, $0x3F800000, v0;
	v1 =	vshra.s32 v1, $0x2  }
0x7f: {  	v3 =	vadd.f32 v2, v3;
	(v2sf) =	vpush v1, $0x0;
	_ =	sdelay $0x1  }
0x80: {  	v62 =	vsub.f32 $2.000000000e+01, v3;
	_ =	sdelay $0x1  }
0x81: {  	(erf) = vrcp.f32 v62  }
0x82: {  	v2 =	vld [tilespmem:s25+$0x2A00];
	_ =	sdelay $0x4  }
0x83: {  	v2 =	vshll.u32 v2, $0x7  }
0x84: {  	v2 =	vshra.s32 v2, $0x2  }
0x85: {  	(v2sf) =	vpush v2, $0x0  }
0x86: {  	vm15 =	vgt.f32 v62, $5.000000000e-01;
	v63 =	vpop (erf)  }
0x87: {  	[tilespmem:s25+$0x7B40] =	vst v3;
	v3 =	vnsel vm15, $0x0, v63  }
0x88: {  	[tilespmem:s25+$0x7D40] =	vst v3;
	s28 =	spop (v2sf)  }
0x89: {  	v3 =	vld [tilespmem:s28+$0x6C00];
	_ =	sdelay $0x4  }
0x8a: {  	[tilespmem:s23+$0xFFFFFD00] =	vst v3  }
0x8b: {  	v3 =	vld [tilespmem:s28+$0x6C10];
	_ =	sdelay $0x1  }
0x8c: {  	(v2sf) =	vpush v1, $0x1;
	_ =	sdelay $0x2  }
0x8d: {  	s29 =	spop (v2sf);
	[tilespmem:s23+$0xFFFFFD10] =	vst v3  }
0x8e: {  	v3 =	vld [tilespmem:s29+$0x78A0];
	_ =	sdelay $0x4  }
0x8f: {  	[tilespmem:s23+$0xFFFFFD20] =	vst v3  }
0x90: {  	v3 =	vld [tilespmem:s29+$0x78B0];
	_ =	sdelay $0x1  }
0x91: {  	(v2sf) =	vpush v2, $0x1;
	_ =	sdelay $0x2  }
0x92: {  	s26 =	spop (v2sf);
	[tilespmem:s23+$0xFFFFFD30] =	vst v3  }
0x93: {  	v3 =	vld [tilespmem:s26+$0x6C00];
	_ =	sdelay $0x4  }
0x94: {  	[tilespmem:s23+$0xFFFFFD60] =	vst v3  }
0x95: {  	v3 =	vld [tilespmem:s26+$0x6C10];
	_ =	sdelay $0x1  }
0x96: {  	(v2sf) =	vpush v1, $0x2;
	_ =	sdelay $0x2  }
0x97: {  	s28 =	spop (v2sf);
	[tilespmem:s23+$0xFFFFFD70] =	vst v3  }
0x98: {  	v3 =	vld [tilespmem:s28+$0x78A0];
	_ =	sdelay $0x4  }
0x99: {  	[tilespmem:s23+$0xFFFFFD80] =	vst v3  }
0x9a: {  	v3 =	vld [tilespmem:s28+$0x78B0];
	_ =	sdelay $0x1  }
0x9b: {  	(v2sf) =	vpush v2, $0x2;
	_ =	sdelay $0x2  }
0x9c: {  	s29 =	spop (v2sf);
	[tilespmem:s23+$0xFFFFFD90] =	vst v3  }
0x9d: {  	v3 =	vld [tilespmem:s29+$0x6C00];
	_ =	sdelay $0x4  }
0x9e: {  	[tilespmem:s23+$0xFFFFFDC0] =	vst v3  }
0x9f: {  	v3 =	vld [tilespmem:s29+$0x6C10];
	_ =	sdelay $0x1  }
0xa0: {  	(v2sf) =	vpush v1, $0x3;
	_ =	sdelay $0x2  }
0xa1: {  	s26 =	spop (v2sf);
	[tilespmem:s23+$0xFFFFFDD0] =	vst v3  }
0xa2: {  	v3 =	vld [tilespmem:s26+$0x78A0];
	_ =	sdelay $0x4  }
0xa3: {  	[tilespmem:s23+$0xFFFFFDE0] =	vst v3  }
0xa4: {  	v3 =	vld [tilespmem:s26+$0x78B0];
	_ =	sdelay $0x1  }
0xa5: {  	(v2sf) =	vpush v2, $0x3;
	_ =	sdelay $0x2  }
0xa6: {  	s28 =	spop (v2sf);
	[tilespmem:s23+$0xFFFFFDF0] =	vst v3  }
0xa7: {  	v3 =	vld [tilespmem:s28+$0x6C00];
	_ =	sdelay $0x4  }
0xa8: {  	[tilespmem:s23+$0xFFFFFE20] =	vst v3  }
0xa9: {  	v3 =	vld [tilespmem:s28+$0x6C10];
	_ =	sdelay $0x1  }
0xaa: {  	(v2sf) =	vpush v1, $0x4;
	_ =	sdelay $0x2  }
0xab: {  	s29 =	spop (v2sf);
	[tilespmem:s23+$0xFFFFFE30] =	vst v3  }
0xac: {  	v3 =	vld [tilespmem:s29+$0x78A0];
	_ =	sdelay $0x4  }
0xad: {  	[tilespmem:s23+$0xFFFFFE40] =	vst v3  }
0xae: {  	v3 =	vld [tilespmem:s29+$0x78B0];
	_ =	sdelay $0x1  }
0xaf: {  	(v2sf) =	vpush v2, $0x4;
	_ =	sdelay $0x2  }
0xb0: {  	s26 =	spop (v2sf);
	[tilespmem:s23+$0xFFFFFE50] =	vst v3  }
0xb1: {  	v3 =	vld [tilespmem:s26+$0x6C00];
	_ =	sdelay $0x4  }
0xb2: {  	[tilespmem:s23+$0xFFFFFE80] =	vst v3  }
0xb3: {  	v3 =	vld [tilespmem:s26+$0x6C10];
	_ =	sdelay $0x1  }
0xb4: {  	(v2sf) =	vpush v1, $0x5;
	_ =	sdelay $0x2  }
0xb5: {  	s28 =	spop (v2sf);
	[tilespmem:s23+$0xFFFFFE90] =	vst v3  }
0xb6: {  	v3 =	vld [tilespmem:s28+$0x78A0];
	_ =	sdelay $0x4  }
0xb7: {  	[tilespmem:s23+$0xFFFFFEA0] =	vst v3  }
0xb8: {  	v3 =	vld [tilespmem:s28+$0x78B0];
	_ =	sdelay $0x1  }
0xb9: {  	(v2sf) =	vpush v2, $0x5;
	_ =	sdelay $0x2  }
0xba: {  	s29 =	spop (v2sf);
	[tilespmem:s23+$0xFFFFFEB0] =	vst v3  }
0xbb: {  	v3 =	vld [tilespmem:s29+$0x6C00];
	_ =	sdelay $0x4  }
0xbc: {  	[tilespmem:s23+$0xFFFFFEE0] =	vst v3  }
0xbd: {  	v3 =	vld [tilespmem:s29+$0x6C10];
	_ =	sdelay $0x1  }
0xbe: {  	(v2sf) =	vpush v1, $0x6;
	_ =	sdelay $0x2  }
0xbf: {  	s26 =	spop (v2sf);
	[tilespmem:s23+$0xFFFFFEF0] =	vst v3  }
0xc0: {  	v3 =	vld [tilespmem:s26+$0x78A0];
	_ =	sdelay $0x4  }
0xc1: {  	[tilespmem:s23+$0xFFFFFF00] =	vst v3  }
0xc2: {  	v3 =	vld [tilespmem:s26+$0x78B0];
	_ =	sdelay $0x1  }
0xc3: {  	(v2sf) =	vpush v2, $0x6;
	_ =	sdelay $0x2  }
0xc4: {  	s28 =	spop (v2sf);
	[tilespmem:s23+$0xFFFFFF10] =	vst v3  }
0xc5: {  	v3 =	vld [tilespmem:s28+$0x6C00];
	_ =	sdelay $0x4  }
0xc6: {  	[tilespmem:s23+$0xFFFFFF40] =	vst v3  }
0xc7: {  	v3 =	vld [tilespmem:s28+$0x6C10];
	_ =	sdelay $0x1  }
0xc8: {  	(v2sf) =	vpush v1, $0x7;
	_ =	sdelay $0x2  }
0xc9: {  	s29 =	spop (v2sf);
	[tilespmem:s23+$0xFFFFFF50] =	vst v3  }
0xca: {  	v3 =	vld [tilespmem:s29+$0x78A0];
	_ =	sdelay $0x4  }
0xcb: {  	[tilespmem:s23+$0xFFFFFF60] =	vst v3  }
0xcc: {  	v3 =	vld [tilespmem:s29+$0x78B0];
	_ =	sdelay $0x1  }
0xcd: {  	(v2sf) =	vpush v2, $0x7;
	_ =	sdelay $0x2  }
0xce: {  	s26 =	spop (v2sf);
	[tilespmem:s23+$0xFFFFFF70] =	vst v3  }
0xcf: {  	v3 =	vld [tilespmem:s26+$0x6C00];
	_ =	sdelay $0x4  }
0xd0: {  	[tilespmem:s23+$0xFFFFFFA0] =	vst v3  }
0xd1: {  	v3 =	vld [tilespmem:s26+$0x6C10];
	_ =	sdelay $0x1  }
0xd2: {  	(v2sf) =	vpush v1, $0x8;
	_ =	sdelay $0x2  }
0xd3: {  	s28 =	spop (v2sf);
	[tilespmem:s23+$0xFFFFFFB0] =	vst v3  }
0xd4: {  	v3 =	vld [tilespmem:s28+$0x78A0];
	_ =	sdelay $0x4  }
0xd5: {  	[tilespmem:s23+$0xFFFFFFC0] =	vst v3  }
0xd6: {  	v3 =	vld [tilespmem:s28+$0x78B0];
	_ =	sdelay $0x1  }
0xd7: {  	(v2sf) =	vpush v2, $0x8;
	_ =	sdelay $0x2  }
0xd8: {  	s29 =	spop (v2sf);
	[tilespmem:s23+$0xFFFFFFD0] =	vst v3  }
0xd9: {  	v3 =	vld [tilespmem:s29+$0x6C00];
	_ =	sdelay $0x4  }
0xda: {  	[tilespmem:s23+$0x0] =	vst v3  }
0xdb: {  	v3 =	vld [tilespmem:s29+$0x6C10];
	_ =	sdelay $0x1  }
0xdc: {  	(v2sf) =	vpush v1, $0x9;
	_ =	sdelay $0x2  }
0xdd: {  	s26 =	spop (v2sf);
	[tilespmem:s23+$0x10] =	vst v3  }
0xde: {  	v3 =	vld [tilespmem:s26+$0x78A0];
	_ =	sdelay $0x4  }
0xdf: {  	[tilespmem:s23+$0x20] =	vst v3  }
0xe0: {  	v3 =	vld [tilespmem:s26+$0x78B0];
	_ =	sdelay $0x1  }
0xe1: {  	(v2sf) =	vpush v2, $0x9;
	_ =	sdelay $0x2  }
0xe2: {  	s28 =	spop (v2sf);
	[tilespmem:s23+$0x30] =	vst v3  }
0xe3: {  	v3 =	vld [tilespmem:s28+$0x6C00];
	_ =	sdelay $0x4  }
0xe4: {  	[tilespmem:s23+$0x60] =	vst v3  }
0xe5: {  	v3 =	vld [tilespmem:s28+$0x6C10];
	_ =	sdelay $0x1  }
0xe6: {  	(v2sf) =	vpush v1, $0xA;
	_ =	sdelay $0x2  }
0xe7: {  	s29 =	spop (v2sf);
	[tilespmem:s23+$0x70] =	vst v3  }
0xe8: {  	v3 =	vld [tilespmem:s29+$0x78A0];
	_ =	sdelay $0x4  }
0xe9: {  	[tilespmem:s23+$0x80] =	vst v3  }
0xea: {  	v3 =	vld [tilespmem:s29+$0x78B0];
	_ =	sdelay $0x1  }
0xeb: {  	(v2sf) =	vpush v2, $0xA;
	_ =	sdelay $0x2  }
0xec: {  	s26 =	spop (v2sf);
	[tilespmem:s23+$0x90] =	vst v3  }
0xed: {  	v3 =	vld [tilespmem:s26+$0x6C00];
	_ =	sdelay $0x4  }
0xee: {  	[tilespmem:s23+$0xC0] =	vst v3  }
0xef: {  	v3 =	vld [tilespmem:s26+$0x6C10];
	_ =	sdelay $0x1  }
0xf0: {  	(v2sf) =	vpush v1, $0xB;
	_ =	sdelay $0x2  }
0xf1: {  	s28 =	spop (v2sf);
	[tilespmem:s23+$0xD0] =	vst v3  }
0xf2: {  	v3 =	vld [tilespmem:s28+$0x78A0];
	_ =	sdelay $0x4  }
0xf3: {  	[tilespmem:s23+$0xE0] =	vst v3  }
0xf4: {  	v3 =	vld [tilespmem:s28+$0x78B0];
	_ =	sdelay $0x1  }
0xf5: {  	(v2sf) =	vpush v2, $0xB;
	_ =	sdelay $0x2  }
0xf6: {  	s29 =	spop (v2sf);
	[tilespmem:s23+$0xF0] =	vst v3  }
0xf7: {  	v3 =	vld [tilespmem:s29+$0x6C00];
	_ =	sdelay $0x4  }
0xf8: {  	[tilespmem:s23+$0x120] =	vst v3  }
0xf9: {  	v3 =	vld [tilespmem:s29+$0x6C10];
	_ =	sdelay $0x1  }
0xfa: {  	(v2sf) =	vpush v1, $0xC;
	_ =	sdelay $0x2  }
0xfb: {  	s26 =	spop (v2sf);
	[tilespmem:s23+$0x130] =	vst v3  }
0xfc: {  	v3 =	vld [tilespmem:s26+$0x78A0];
	_ =	sdelay $0x4  }
0xfd: {  	[tilespmem:s23+$0x140] =	vst v3  }
0xfe: {  	v3 =	vld [tilespmem:s26+$0x78B0];
	_ =	sdelay $0x1  }
0xff: {  	(v2sf) =	vpush v2, $0xC;
	_ =	sdelay $0x2  }
0x100: {  	s28 =	spop (v2sf);
	[tilespmem:s23+$0x150] =	vst v3  }
0x101: {  	v3 =	vld [tilespmem:s28+$0x6C00];
	_ =	sdelay $0x4  }
0x102: {  	[tilespmem:s23+$0x180] =	vst v3  }
0x103: {  	v3 =	vld [tilespmem:s28+$0x6C10];
	_ =	sdelay $0x1  }
0x104: {  	(v2sf) =	vpush v1, $0xD;
	_ =	sdelay $0x2  }
0x105: {  	s29 =	spop (v2sf);
	[tilespmem:s23+$0x190] =	vst v3  }
0x106: {  	v3 =	vld [tilespmem:s29+$0x78A0];
	_ =	sdelay $0x4  }
0x107: {  	[tilespmem:s23+$0x1A0] =	vst v3  }
0x108: {  	v3 =	vld [tilespmem:s29+$0x78B0];
	_ =	sdelay $0x1  }
0x109: {  	(v2sf) =	vpush v2, $0xD;
	_ =	sdelay $0x2  }
0x10a: {  	s26 =	spop (v2sf);
	[tilespmem:s23+$0x1B0] =	vst v3  }
0x10b: {  	v3 =	vld [tilespmem:s26+$0x6C00];
	_ =	sdelay $0x4  }
0x10c: {  	[tilespmem:s23+$0x1E0] =	vst v3  }
0x10d: {  	v3 =	vld [tilespmem:s26+$0x6C10];
	_ =	sdelay $0x1  }
0x10e: {  	(v2sf) =	vpush v1, $0xE;
	_ =	sdelay $0x2  }
0x10f: {  	s28 =	spop (v2sf);
	[tilespmem:s23+$0x1F0] =	vst v3  }
0x110: {  	v3 =	vld [tilespmem:s28+$0x78A0];
	_ =	sdelay $0x4  }
0x111: {  	[tilespmem:s23+$0x200] =	vst v3  }
0x112: {  	v3 =	vld [tilespmem:s28+$0x78B0];
	_ =	sdelay $0x1  }
0x113: {  	(v2sf) =	vpush v2, $0xE;
	_ =	sdelay $0x2  }
0x114: {  	s29 =	spop (v2sf);
	[tilespmem:s23+$0x210] =	vst v3  }
0x115: {  	v3 =	vld [tilespmem:s29+$0x6C00];
	_ =	sdelay $0x4  }
0x116: {  	[tilespmem:s23+$0x240] =	vst v3  }
0x117: {  	v3 =	vld [tilespmem:s29+$0x6C10];
	_ =	sdelay $0x1  }
0x118: {  	(v2sf) =	vpush v1, $0xF;
	_ =	sdelay $0x2  }
0x119: {  	s26 =	spop (v2sf);
	[tilespmem:s23+$0x250] =	vst v3  }
0x11a: {  	v1 =	vld [tilespmem:s26+$0x78A0];
	_ =	sdelay $0x4  }
0x11b: {  	[tilespmem:s23+$0x260] =	vst v1  }
0x11c: {  	v1 =	vld [tilespmem:s26+$0x78B0];
	_ =	sdelay $0x1  }
0x11d: {  	(v2sf) =	vpush v2, $0xF;
	_ =	sdelay $0x2  }
0x11e: {  	s28 =	spop (v2sf);
	[tilespmem:s23+$0x270] =	vst v1  }
0x11f: {  	v1 =	vld [tilespmem:s28+$0x6C00];
	_ =	sdelay $0x4  }
0x120: {  	[tilespmem:s23+$0x2A0] =	vst v1  }
0x121: {  	v1 =	vld [tilespmem:s28+$0x6C10];
	_ =	sdelay $0x4  }
0x122: {  	s29 =	spop (v2sf);
	[tilespmem:s23+$0x2B0] =	vst v1  }
0x123: {  	v1 =	vld [tilespmem:s29+$0x78A0];
	_ =	sdelay $0x4  }
0x124: {  	[tilespmem:s23+$0x2C0] =	vst v1  }
0x125: {  	p0 =	sne.s32 s24, $0x7C0;
	v1 =	vld [tilespmem:s29+$0x78B0]  }
.Ltmp0:
0x126: {  	_ = 	snop;
	(pc) =	sbr.rel @p0 .LBB2_2-.Ltmp0, $2  }
0x127: {  	_ =	sdelay $0x2  }
0x128: {  	s24 =	sadd.s32 $0x40, s24;
	[tilespmem:s23+$0x2D0] =	vst v1;
	s23 =	sadd.s32 $0x600, s23  }
0x129: {  	_ =	swait.ge [sflag:s20], $0x4000  }
0x12a: {  	[sflag:s20] =	ssyncset.done $0x0  }
0x12b: {  	[sflag:s20] =	ssyncadd.s32 $0xFFFFC000  }
0x12c: {  	_ =	swait.ge [sflag:s20], $0x4000  }
0x12d: {  	[sflag:s20] =	ssyncset.done $0x0  }
0x12e: {  	[sflag:s20] =	ssyncadd.s32 $0xFFFFC000  }
0x12f: {  	_ =	swait.ge [sflag:s20], $0x4000  }
0x130: {  	[sflag:s20] =	ssyncset.done $0x0  }
0x131: {  	[sflag:s20] =	ssyncadd.s32 $0xFFFFC000  }
0x132: {  	_ =	swait.ge [sflag:s20], $0x4000  }
0x133: {  	[sflag:s20] =	ssyncset.done $0x0  }
0x134: {  	[sflag:s20] =	ssyncadd.s32 $0xFFFFC000  }
0x135: {  	_ =	swait.ge [sflag:s20], $0x4000  }
0x136: {  	[sflag:s20] =	ssyncset.done $0x0  }
0x137: {  	[sflag:s20] =	ssyncadd.s32 $0xFFFFC000  }
0x138: {  	_ =	swait.ge [sflag:s20], $0x4000  }
0x139: {  	[sflag:s20] =	ssyncset.done $0x0  }
0x13a: {  	[sflag:s20] =	ssyncadd.s32 $0xFFFFC000  }
0x13b: {  	_ =	swait.ge [sflag:s20], $0x4000  }
0x13c: {  	[sflag:s20] =	ssyncset.done $0x0  }
0x13d: {  	[sflag:s20] =	ssyncadd.s32 $0xFFFFC000  }
0x13e: {  	_ =	swait.ge [sflag:s20], $0x4000  }
0x13f: {  	[sflag:s20] =	ssyncset.done $0x0  }
0x140: {  	[sflag:s20] =	ssyncadd.s32 $0xFFFFC000  }
0x141: {  	_ =	swait.ge [sflag:s20], $0x4000  }
0x142: {  	[sflag:s20] =	ssyncset.done $0x0  }
0x143: {  	[sflag:s20] =	ssyncadd.s32 $0xFFFFC000  }
0x144: {  	_ =	swait.ge [sflag:s20], $0x4000  }
0x145: {  	[sflag:s20] =	ssyncset.done $0x0  }
0x146: {  	[sflag:s20] =	ssyncadd.s32 $0xFFFFC000  }
0x147: {  	_ =	swait.ge [sflag:s20], $0x4000  }
0x148: {  	[sflag:s20] =	ssyncset.done $0x0  }
0x149: {  	[sflag:s20] =	ssyncadd.s32 $0xFFFFC000  }
0x14a: {  	_ =	swait.ge [sflag:s20], $0x4000  }
0x14b: {  	[sflag:s20] =	ssyncset.done $0x0  }
0x14c: {  	[sflag:s20] =	ssyncadd.s32 $0xFFFFC000  }
0x14d: {  	_ =	swait.ge [sflag:s20], $0x4000  }
0x14e: {  	[sflag:s20] =	ssyncset.done $0x0  }
0x14f: {  	[sflag:s20] =	ssyncadd.s32 $0xFFFFC000  }
0x150: {  	_ =	swait.ge [sflag:s20], $0x4000  }
0x151: {  	[sflag:s20] =	ssyncset.done $0x0  }
0x152: {  	[sflag:s20] =	ssyncadd.s32 $0xFFFFC000  }
0x153: {  	_ =	swait.ge [sflag:s20], $0x4000  }
0x154: {  	[sflag:s20] =	ssyncset.done $0x0  }
0x155: {  	[sflag:s20] =	ssyncadd.s32 $0xFFFFC000  }
0x156: {  	_ =	swait.ge [sflag:s20], $0x4000  }
0x157: {  	[sflag:s20] =	ssyncset.done $0x0  }
0x158: {  	[sflag:s20] =	ssyncadd.s32 $0xFFFFC000  }
0x159: {  	_ =	swait.ge [sflag:s20], $0x4000  }
0x15a: {  	[sflag:s20] =	ssyncset.done $0x0  }
0x15b: {  	[sflag:s20] =	ssyncadd.s32 $0xFFFFC000  }
0x15c: {  	_ =	swait.ge [sflag:s20], $0x4000  }
0x15d: {  	[sflag:s20] =	ssyncset.done $0x0  }
0x15e: {  	[sflag:s20] =	ssyncadd.s32 $0xFFFFC000  }
0x15f: {  	_ =	swait.ge [sflag:s20], $0x4000  }
0x160: {  	[sflag:s20] =	ssyncset.done $0x0  }
0x161: {  	s24 =	simm.s32 $0x0;
	[sflag:s20] =	ssyncadd.s32 $0xFFFFC000  }
0x162: {  	v4 =	vld [tilespmem:s24+$0x7B40]  }
0x163: {  	v1 =	vld [tilespmem:$0x7F40]  }
0x164: {  	s23 =	simm.s32 $0x2D00;
	v2 =	vld [tilespmem:$0x7F50]  }
0x165: {  	v5 =	vld [tilespmem:s23+$0xFFFFFF00]  }
0x166: {  	v3 =	vld [tilespmem:s24+$0x7D40]  }
0x167: {  	v6 =	vld [tilespmem:s23+$0xFFFFFF10];
	v7 =	vbroadcast v4, $0x0;
	_ =	sdelay $0x1  }
0x168: {  	v8 =	vmul.f32 v7, v1  }
0x169: {  	v7 =	vmul.f32 v7, v2  }
0x16a: {  	v5 =	vsub.f32 v5, v8;
	v8 =	vbroadcast v3, $0x0  }
0x16b: {  	v6 =	vsub.f32 v6, v7  }
0x16c: {  	v5 =	vmul.f32 v5, v8  }
0x16d: {  	s24 =	simm.s32 $0x8260;
	v6 =	vmul.f32 v6, v8  }
0x16e: {  	[tilespmem:s24+$0xFFFFFD00] =	vst v5  }
0x16f: {  	[tilespmem:s24+$0xFFFFFD10] =	vst v6  }
0x170: {  	v5 =	vld [tilespmem:s23+$0xFFFFFF20]  }
0x171: {  	v6 =	vbroadcast v4, $0x1;
	v7 =	vld [tilespmem:s23+$0xFFFFFF30];
	_ =	sdelay $0x1  }
0x172: {  	v8 =	vmul.f32 v6, v1  }
0x173: {  	v6 =	vmul.f32 v6, v2  }
0x174: {  	v9 =	vbroadcast v3, $0x1;
	v5 =	vsub.f32 v5, v8  }
0x175: {  	v6 =	vsub.f32 v7, v6  }
0x176: {  	v5 =	vmul.f32 v5, v9  }
0x177: {  	v6 =	vmul.f32 v6, v9  }
0x178: {  	[tilespmem:s24+$0xFFFFFD60] =	vst v5  }
0x179: {  	[tilespmem:s24+$0xFFFFFD70] =	vst v6  }
0x17a: {  	v5 =	vld [tilespmem:s23+$0xFFFFFF40]  }
0x17b: {  	v6 =	vbroadcast v4, $0x2;
	v7 =	vld [tilespmem:s23+$0xFFFFFF50];
	_ =	sdelay $0x1  }
0x17c: {  	v8 =	vmul.f32 v6, v1  }
0x17d: {  	v6 =	vmul.f32 v6, v2  }
0x17e: {  	v9 =	vbroadcast v3, $0x2;
	v5 =	vsub.f32 v5, v8  }
0x17f: {  	v6 =	vsub.f32 v7, v6  }
0x180: {  	v5 =	vmul.f32 v5, v9  }
0x181: {  	v6 =	vmul.f32 v6, v9  }
0x182: {  	[tilespmem:s24+$0xFFFFFDC0] =	vst v5  }
0x183: {  	[tilespmem:s24+$0xFFFFFDD0] =	vst v6  }
0x184: {  	v5 =	vld [tilespmem:s23+$0xFFFFFF60]  }
0x185: {  	v6 =	vbroadcast v4, $0x3;
	v7 =	vld [tilespmem:s23+$0xFFFFFF70];
	_ =	sdelay $0x1  }
0x186: {  	v8 =	vmul.f32 v6, v1  }
0x187: {  	v6 =	vmul.f32 v6, v2  }
0x188: {  	v9 =	vbroadcast v3, $0x3;
	v5 =	vsub.f32 v5, v8  }
0x189: {  	v6 =	vsub.f32 v7, v6  }
0x18a: {  	v5 =	vmul.f32 v5, v9  }
0x18b: {  	v6 =	vmul.f32 v6, v9  }
0x18c: {  	[tilespmem:s24+$0xFFFFFE20] =	vst v5  }
0x18d: {  	[tilespmem:s24+$0xFFFFFE30] =	vst v6  }
0x18e: {  	v5 =	vld [tilespmem:s23+$0xFFFFFF80]  }
0x18f: {  	v6 =	vbroadcast v4, $0x4;
	v7 =	vld [tilespmem:s23+$0xFFFFFF90];
	_ =	sdelay $0x1  }
0x190: {  	v8 =	vmul.f32 v6, v1  }
0x191: {  	v6 =	vmul.f32 v6, v2  }
0x192: {  	v9 =	vbroadcast v3, $0x4;
	v5 =	vsub.f32 v5, v8  }
0x193: {  	v6 =	vsub.f32 v7, v6  }
0x194: {  	v5 =	vmul.f32 v5, v9  }
0x195: {  	v6 =	vmul.f32 v6, v9  }
0x196: {  	[tilespmem:s24+$0xFFFFFE80] =	vst v5  }
0x197: {  	[tilespmem:s24+$0xFFFFFE90] =	vst v6  }
0x198: {  	v5 =	vld [tilespmem:s23+$0xFFFFFFA0]  }
0x199: {  	v6 =	vbroadcast v4, $0x5;
	v7 =	vld [tilespmem:s23+$0xFFFFFFB0];
	_ =	sdelay $0x1  }
0x19a: {  	v8 =	vmul.f32 v6, v1  }
0x19b: {  	v6 =	vmul.f32 v6, v2  }
0x19c: {  	v9 =	vbroadcast v3, $0x5;
	v5 =	vsub.f32 v5, v8  }
0x19d: {  	v6 =	vsub.f32 v7, v6  }
0x19e: {  	v5 =	vmul.f32 v5, v9  }
0x19f: {  	v6 =	vmul.f32 v6, v9  }
0x1a0: {  	[tilespmem:s24+$0xFFFFFEE0] =	vst v5  }
0x1a1: {  	[tilespmem:s24+$0xFFFFFEF0] =	vst v6  }
0x1a2: {  	v5 =	vld [tilespmem:s23+$0xFFFFFFC0]  }
0x1a3: {  	v6 =	vbroadcast v4, $0x6;
	v7 =	vld [tilespmem:s23+$0xFFFFFFD0];
	_ =	sdelay $0x1  }
0x1a4: {  	v8 =	vmul.f32 v6, v1  }
0x1a5: {  	v6 =	vmul.f32 v6, v2  }
0x1a6: {  	v9 =	vbroadcast v3, $0x6;
	v5 =	vsub.f32 v5, v8  }
0x1a7: {  	v6 =	vsub.f32 v7, v6  }
0x1a8: {  	v5 =	vmul.f32 v5, v9  }
0x1a9: {  	v6 =	vmul.f32 v6, v9  }
0x1aa: {  	[tilespmem:s24+$0xFFFFFF40] =	vst v5  }
0x1ab: {  	[tilespmem:s24+$0xFFFFFF50] =	vst v6  }
0x1ac: {  	v5 =	vld [tilespmem:s23+$0xFFFFFFE0]  }
0x1ad: {  	v6 =	vbroadcast v4, $0x7;
	v7 =	vld [tilespmem:s23+$0xFFFFFFF0];
	_ =	sdelay $0x1  }
0x1ae: {  	v8 =	vmul.f32 v6, v1  }
0x1af: {  	v6 =	vmul.f32 v6, v2  }
0x1b0: {  	v9 =	vbroadcast v3, $0x7;
	v5 =	vsub.f32 v5, v8  }
0x1b1: {  	v6 =	vsub.f32 v7, v6  }
0x1b2: {  	v5 =	vmul.f32 v5, v9  }
0x1b3: {  	v6 =	vmul.f32 v6, v9  }
0x1b4: {  	[tilespmem:s24+$0xFFFFFFA0] =	vst v5  }
0x1b5: {  	[tilespmem:s24+$0xFFFFFFB0] =	vst v6  }
0x1b6: {  	v5 =	vld [tilespmem:s23+$0x0]  }
0x1b7: {  	v6 =	vbroadcast v4, $0x8;
	v7 =	vld [tilespmem:s23+$0x10];
	_ =	sdelay $0x1  }
0x1b8: {  	v8 =	vmul.f32 v6, v1  }
0x1b9: {  	v6 =	vmul.f32 v6, v2  }
0x1ba: {  	v9 =	vbroadcast v3, $0x8;
	v5 =	vsub.f32 v5, v8  }
0x1bb: {  	v6 =	vsub.f32 v7, v6  }
0x1bc: {  	v5 =	vmul.f32 v5, v9  }
0x1bd: {  	v6 =	vmul.f32 v6, v9  }
0x1be: {  	[tilespmem:s24+$0x0] =	vst v5  }
0x1bf: {  	[tilespmem:s24+$0x10] =	vst v6  }
0x1c0: {  	v5 =	vld [tilespmem:s23+$0x20]  }
0x1c1: {  	v6 =	vbroadcast v4, $0x9;
	v7 =	vld [tilespmem:s23+$0x30];
	_ =	sdelay $0x1  }
0x1c2: {  	v8 =	vmul.f32 v6, v1  }
0x1c3: {  	v6 =	vmul.f32 v6, v2  }
0x1c4: {  	v9 =	vbroadcast v3, $0x9;
	v5 =	vsub.f32 v5, v8  }
0x1c5: {  	v6 =	vsub.f32 v7, v6  }
0x1c6: {  	v5 =	vmul.f32 v5, v9  }
0x1c7: {  	v6 =	vmul.f32 v6, v9  }
0x1c8: {  	[tilespmem:s24+$0x60] =	vst v5  }
0x1c9: {  	[tilespmem:s24+$0x70] =	vst v6  }
0x1ca: {  	v5 =	vld [tilespmem:s23+$0x40]  }
0x1cb: {  	v6 =	vbroadcast v4, $0xA;
	v7 =	vld [tilespmem:s23+$0x50];
	_ =	sdelay $0x1  }
0x1cc: {  	v8 =	vmul.f32 v6, v1  }
0x1cd: {  	v6 =	vmul.f32 v6, v2  }
0x1ce: {  	v9 =	vbroadcast v3, $0xA;
	v5 =	vsub.f32 v5, v8  }
0x1cf: {  	v6 =	vsub.f32 v7, v6  }
0x1d0: {  	v5 =	vmul.f32 v5, v9  }
0x1d1: {  	v6 =	vmul.f32 v6, v9  }
0x1d2: {  	[tilespmem:s24+$0xC0] =	vst v5  }
0x1d3: {  	[tilespmem:s24+$0xD0] =	vst v6  }
0x1d4: {  	v5 =	vld [tilespmem:s23+$0x60]  }
0x1d5: {  	v6 =	vbroadcast v4, $0xB;
	v7 =	vld [tilespmem:s23+$0x70];
	_ =	sdelay $0x1  }
0x1d6: {  	v8 =	vmul.f32 v6, v1  }
0x1d7: {  	v6 =	vmul.f32 v6, v2  }
0x1d8: {  	v9 =	vbroadcast v3, $0xB;
	v5 =	vsub.f32 v5, v8  }
0x1d9: {  	v6 =	vsub.f32 v7, v6  }
0x1da: {  	v5 =	vmul.f32 v5, v9  }
0x1db: {  	v6 =	vmul.f32 v6, v9  }
0x1dc: {  	[tilespmem:s24+$0x120] =	vst v5  }
0x1dd: {  	[tilespmem:s24+$0x130] =	vst v6  }
0x1de: {  	v5 =	vld [tilespmem:s23+$0x80]  }
0x1df: {  	v6 =	vbroadcast v4, $0xC;
	v7 =	vld [tilespmem:s23+$0x90];
	_ =	sdelay $0x1  }
0x1e0: {  	v8 =	vmul.f32 v6, v1  }
0x1e1: {  	v6 =	vmul.f32 v6, v2  }
0x1e2: {  	v9 =	vbroadcast v3, $0xC;
	v5 =	vsub.f32 v5, v8  }
0x1e3: {  	v6 =	vsub.f32 v7, v6  }
0x1e4: {  	v5 =	vmul.f32 v5, v9  }
0x1e5: {  	v6 =	vmul.f32 v6, v9  }
0x1e6: {  	[tilespmem:s24+$0x180] =	vst v5  }
0x1e7: {  	[tilespmem:s24+$0x190] =	vst v6  }
0x1e8: {  	v5 =	vld [tilespmem:s23+$0xA0]  }
0x1e9: {  	v6 =	vbroadcast v4, $0xD;
	v7 =	vld [tilespmem:s23+$0xB0];
	_ =	sdelay $0x1  }
0x1ea: {  	v8 =	vmul.f32 v6, v1  }
0x1eb: {  	v6 =	vmul.f32 v6, v2  }
0x1ec: {  	v9 =	vbroadcast v3, $0xD;
	v5 =	vsub.f32 v5, v8  }
0x1ed: {  	v6 =	vsub.f32 v7, v6  }
0x1ee: {  	v5 =	vmul.f32 v5, v9  }
0x1ef: {  	v7 =	vbroadcast v4, $0xE;
	v6 =	vmul.f32 v6, v9  }
0x1f0: {  	v4 =	vbroadcast v4, $0xF;
	[tilespmem:s24+$0x1E0] =	vst v5  }
0x1f1: {  	v8 =	vmul.f32 v7, v1;
	v7 =	vmul.f32 v7, v2;
	[tilespmem:s24+$0x1F0] =	vst v6  }
0x1f2: {  	v6 =	vbroadcast v3, $0xE;
	v5 =	vmul.f32 v4, v1;
	v9 =	vld [tilespmem:s23+$0xC0]  }
0x1f3: {  	s28 =	simm.s32 $0x40;
	s25 =	simm.s32 $0x8260;
	s26 =	simm.s32 $0x2D00;
	v4 =	vmul.f32 v4, v2;
	v3 =	vbroadcast v3, $0xF;
	v10 =	vld [tilespmem:s23+$0xD0]  }
.LBB2_4:
0x1f4: {  	_ =	sdelay $0x2  }
0x1f5: {  	p0 =	sne.s32 s28, $0x7C0;
	s24 =	sadd.s32 $0x600, s24;
	s23 =	sadd.s32 $0x200, s23;
	v8 =	vsub.f32 v9, v8  }
0x1f6: {  	s29 =	smov.u32 s28;
	s28 =	sadd.s32 $0x40, s28;
	v7 =	vsub.f32 v10, v7  }
0x1f7: {  	v8 =	vmul.f32 v8, v6  }
0x1f8: {  	v6 =	vmul.f32 v7, v6  }
0x1f9: {  	[tilespmem:s25+$0x240] =	vst v8  }
0x1fa: {  	[tilespmem:s25+$0x250] =	vst v6  }
0x1fb: {  	v6 =	vld [tilespmem:s26+$0xE0]  }
0x1fc: {  	v7 =	vld [tilespmem:s26+$0xF0];
	s26 =	smov.u32 s23;
	_ =	sdelay $0x3  }
0x1fd: {  	v5 =	vsub.f32 v6, v5  }
0x1fe: {  	v4 =	vsub.f32 v7, v4  }
0x1ff: {  	v5 =	vmul.f32 v5, v3  }
0x200: {  	v3 =	vmul.f32 v4, v3  }
0x201: {  	[tilespmem:s25+$0x2A0] =	vst v5  }
0x202: {  	s29 =	sshra.s32 s29, $0x2;
	[tilespmem:s25+$0x2B0] =	vst v3;
	s25 =	smov.u32 s24  }
0x203: {  	v4 =	vld [tilespmem:s29+$0x7B40];
	_ =	sdelay $0x1  }
0x204: {  	v5 =	vld [tilespmem:s23+$0xFFFFFF10]  }
0x205: {  	v6 =	vld [tilespmem:s23+$0xFFFFFF00]  }
0x206: {  	v3 =	vld [tilespmem:s29+$0x7D40]  }
0x207: {  	v7 =	vbroadcast v4, $0x0;
	v13 =	vbroadcast v4, $0x1  }
0x208: {  	v14 =	vbroadcast v4, $0x2;
	v15 =	vbroadcast v4, $0x3  }
0x209: {  	v8 =	vmul.f32 v7, v1;
	v7 =	vmul.f32 v7, v2  }
0x20a: {  	v16 =	vbroadcast v4, $0x4;
	v17 =	vbroadcast v4, $0x5  }
0x20b: {  	v6 =	vsub.f32 v6, v8;
	v8 =	vbroadcast v3, $0x0;
	v5 =	vsub.f32 v5, v7  }
0x20c: {  	v18 =	vbroadcast v4, $0x6;
	v12 =	vbroadcast v4, $0x7  }
0x20d: {  	v6 =	vmul.f32 v6, v8;
	v5 =	vmul.f32 v5, v8  }
0x20e: {  	v11 =	vbroadcast v4, $0x8;
	v10 =	vbroadcast v4, $0x9  }
0x20f: {  	v9 =	vbroadcast v4, $0xA;
	v8 =	vbroadcast v4, $0xB;
	[tilespmem:s24+$0xFFFFFD00] =	vst v6  }
0x210: {  	v7 =	vbroadcast v4, $0xC;
	v6 =	vbroadcast v4, $0xD;
	[tilespmem:s24+$0xFFFFFD10] =	vst v5  }
0x211: {  	v5 =	vbroadcast v4, $0xE;
	v4 =	vbroadcast v4, $0xF;
	v19 =	vld [tilespmem:s23+$0xFFFFFF20]  }
0x212: {  	v20 =	vld [tilespmem:s23+$0xFFFFFF30]  }
0x213: {  	v21 =	vmul.f32 v13, v1;
	v13 =	vmul.f32 v13, v2;
	_ =	sdelay $0x1  }
0x214: {  	v22 =	vbroadcast v3, $0x1  }
0x215: {  	v19 =	vsub.f32 v19, v21  }
0x216: {  	v13 =	vsub.f32 v20, v13  }
0x217: {  	v19 =	vmul.f32 v19, v22  }
0x218: {  	v13 =	vmul.f32 v13, v22  }
0x219: {  	[tilespmem:s24+$0xFFFFFD60] =	vst v19  }
0x21a: {  	[tilespmem:s24+$0xFFFFFD70] =	vst v13  }
0x21b: {  	v13 =	vld [tilespmem:s23+$0xFFFFFF40]  }
0x21c: {  	v20 =	vmul.f32 v14, v1;
	v14 =	vmul.f32 v14, v2;
	v19 =	vld [tilespmem:s23+$0xFFFFFF50];
	_ =	sdelay $0x1  }
0x21d: {  	v21 =	vbroadcast v3, $0x2;
	_ =	sdelay $0x1  }
0x21e: {  	v13 =	vsub.f32 v13, v20  }
0x21f: {  	v14 =	vsub.f32 v19, v14  }
0x220: {  	v13 =	vmul.f32 v13, v21  }
0x221: {  	v14 =	vmul.f32 v14, v21  }
0x222: {  	[tilespmem:s24+$0xFFFFFDC0] =	vst v13  }
0x223: {  	[tilespmem:s24+$0xFFFFFDD0] =	vst v14  }
0x224: {  	v14 =	vmul.f32 v15, v1;
	v15 =	vmul.f32 v15, v2;
	v13 =	vld [tilespmem:s23+$0xFFFFFF60]  }
0x225: {  	v19 =	vld [tilespmem:s23+$0xFFFFFF70]  }
0x226: {  	v20 =	vbroadcast v3, $0x3;
	_ =	sdelay $0x2  }
0x227: {  	v13 =	vsub.f32 v13, v14  }
0x228: {  	v14 =	vsub.f32 v19, v15  }
0x229: {  	v13 =	vmul.f32 v13, v20  }
0x22a: {  	v14 =	vmul.f32 v14, v20  }
0x22b: {  	[tilespmem:s24+$0xFFFFFE20] =	vst v13  }
0x22c: {  	v13 =	vmul.f32 v16, v1;
	[tilespmem:s24+$0xFFFFFE30] =	vst v14;
	v14 =	vmul.f32 v16, v2  }
0x22d: {  	v15 =	vld [tilespmem:s23+$0xFFFFFF80]  }
0x22e: {  	v19 =	vbroadcast v3, $0x4;
	v16 =	vld [tilespmem:s23+$0xFFFFFF90];
	_ =	sdelay $0x3  }
0x22f: {  	v13 =	vsub.f32 v15, v13  }
0x230: {  	v14 =	vsub.f32 v16, v14  }
0x231: {  	v13 =	vmul.f32 v13, v19  }
0x232: {  	v14 =	vmul.f32 v14, v19  }
0x233: {  	v15 =	vmul.f32 v17, v2;
	[tilespmem:s24+$0xFFFFFE80] =	vst v13;
	v13 =	vmul.f32 v17, v1  }
0x234: {  	[tilespmem:s24+$0xFFFFFE90] =	vst v14  }
0x235: {  	v16 =	vbroadcast v3, $0x5;
	v14 =	vld [tilespmem:s23+$0xFFFFFFA0]  }
0x236: {  	v17 =	vld [tilespmem:s23+$0xFFFFFFB0];
	_ =	sdelay $0x3  }
0x237: {  	v13 =	vsub.f32 v14, v13  }
0x238: {  	v14 =	vsub.f32 v17, v15  }
0x239: {  	v15 =	vmul.f32 v18, v2;
	v13 =	vmul.f32 v13, v16  }
0x23a: {  	v14 =	vmul.f32 v14, v16;
	v16 =	vmul.f32 v18, v1  }
0x23b: {  	[tilespmem:s24+$0xFFFFFEE0] =	vst v13  }
0x23c: {  	v13 =	vbroadcast v3, $0x6;
	[tilespmem:s24+$0xFFFFFEF0] =	vst v14  }
0x23d: {  	v14 =	vld [tilespmem:s23+$0xFFFFFFC0]  }
0x23e: {  	v17 =	vld [tilespmem:s23+$0xFFFFFFD0];
	_ =	sdelay $0x3  }
0x23f: {  	v14 =	vsub.f32 v14, v16  }
0x240: {  	v16 =	vmul.f32 v12, v2;
	v15 =	vsub.f32 v17, v15  }
0x241: {  	v12 =	vmul.f32 v12, v1;
	v14 =	vmul.f32 v14, v13  }
0x242: {  	v13 =	vmul.f32 v15, v13  }
0x243: {  	[tilespmem:s24+$0xFFFFFF40] =	vst v14;
	v14 =	vbroadcast v3, $0x7  }
0x244: {  	[tilespmem:s24+$0xFFFFFF50] =	vst v13  }
0x245: {  	v13 =	vld [tilespmem:s23+$0xFFFFFFE0]  }
0x246: {  	v15 =	vld [tilespmem:s23+$0xFFFFFFF0];
	_ =	sdelay $0x3  }
0x247: {  	v12 =	vsub.f32 v13, v12  }
0x248: {  	v13 =	vsub.f32 v15, v16;
	v15 =	vmul.f32 v11, v1;
	v11 =	vmul.f32 v11, v2  }
0x249: {  	v12 =	vmul.f32 v12, v14  }
0x24a: {  	v13 =	vmul.f32 v13, v14;
	v14 =	vbroadcast v3, $0x8  }
0x24b: {  	[tilespmem:s24+$0xFFFFFFA0] =	vst v12  }
0x24c: {  	[tilespmem:s24+$0xFFFFFFB0] =	vst v13  }
0x24d: {  	v12 =	vld [tilespmem:s23+$0x0]  }
0x24e: {  	v13 =	vld [tilespmem:s23+$0x10];
	_ =	sdelay $0x3  }
0x24f: {  	v12 =	vsub.f32 v12, v15;
	v15 =	vmul.f32 v10, v1;
	v10 =	vmul.f32 v10, v2  }
0x250: {  	v11 =	vsub.f32 v13, v11  }
0x251: {  	v13 =	vbroadcast v3, $0x9;
	v12 =	vmul.f32 v12, v14  }
0x252: {  	v11 =	vmul.f32 v11, v14  }
0x253: {  	[tilespmem:s24+$0x0] =	vst v12  }
0x254: {  	[tilespmem:s24+$0x10] =	vst v11  }
0x255: {  	v11 =	vld [tilespmem:s23+$0x20]  }
0x256: {  	v12 =	vld [tilespmem:s23+$0x30];
	_ =	sdelay $0x2  }
0x257: {  	v14 =	vmul.f32 v9, v1;
	v9 =	vmul.f32 v9, v2  }
0x258: {  	v11 =	vsub.f32 v11, v15  }
0x259: {  	v10 =	vsub.f32 v12, v10;
	v12 =	vbroadcast v3, $0xA  }
0x25a: {  	v11 =	vmul.f32 v11, v13  }
0x25b: {  	v10 =	vmul.f32 v10, v13  }
0x25c: {  	[tilespmem:s24+$0x60] =	vst v11  }
0x25d: {  	[tilespmem:s24+$0x70] =	vst v10  }
0x25e: {  	v10 =	vld [tilespmem:s23+$0x40]  }
0x25f: {  	v11 =	vld [tilespmem:s23+$0x50];
	_ =	sdelay $0x1  }
0x260: {  	v13 =	vmul.f32 v8, v1;
	v8 =	vmul.f32 v8, v2;
	_ =	sdelay $0x1  }
0x261: {  	v10 =	vsub.f32 v10, v14;
	v14 =	vbroadcast v3, $0xB  }
0x262: {  	v9 =	vsub.f32 v11, v9  }
0x263: {  	v10 =	vmul.f32 v10, v12  }
0x264: {  	v9 =	vmul.f32 v9, v12  }
0x265: {  	[tilespmem:s24+$0xC0] =	vst v10  }
0x266: {  	[tilespmem:s24+$0xD0] =	vst v9  }
0x267: {  	v9 =	vld [tilespmem:s23+$0x60]  }
0x268: {  	v10 =	vld [tilespmem:s23+$0x70]  }
0x269: {  	v11 =	vmul.f32 v7, v1;
	v7 =	vmul.f32 v7, v2;
	_ =	sdelay $0x1  }
0x26a: {  	v12 =	vbroadcast v3, $0xC  }
0x26b: {  	v9 =	vsub.f32 v9, v13  }
0x26c: {  	v8 =	vsub.f32 v10, v8  }
0x26d: {  	v9 =	vmul.f32 v9, v14  }
0x26e: {  	v8 =	vmul.f32 v8, v14  }
0x26f: {  	[tilespmem:s24+$0x120] =	vst v9  }
0x270: {  	[tilespmem:s24+$0x130] =	vst v8  }
0x271: {  	v8 =	vld [tilespmem:s23+$0x80]  }
0x272: {  	v13 =	vmul.f32 v6, v2;
	v10 =	vmul.f32 v6, v1;
	v9 =	vld [tilespmem:s23+$0x90];
	_ =	sdelay $0x1  }
0x273: {  	v14 =	vbroadcast v3, $0xD;
	_ =	sdelay $0x1  }
0x274: {  	v6 =	vsub.f32 v8, v11  }
0x275: {  	v7 =	vsub.f32 v9, v7  }
0x276: {  	v6 =	vmul.f32 v6, v12  }
0x277: {  	v7 =	vmul.f32 v7, v12  }
0x278: {  	[tilespmem:s24+$0x180] =	vst v6  }
0x279: {  	[tilespmem:s24+$0x190] =	vst v7  }
0x27a: {  	v8 =	vmul.f32 v5, v1;
	v7 =	vmul.f32 v5, v2;
	v9 =	vld [tilespmem:s23+$0xA0]  }
0x27b: {  	v5 =	vld [tilespmem:s23+$0xB0]  }
0x27c: {  	v6 =	vbroadcast v3, $0xE;
	_ =	sdelay $0x2  }
0x27d: {  	v9 =	vsub.f32 v9, v10  }
0x27e: {  	v5 =	vsub.f32 v5, v13  }
0x27f: {  	v9 =	vmul.f32 v9, v14  }
.Ltmp1:
0x280: {  	v5 =	vmul.f32 v5, v14;
	(pc) =	sbr.rel @p0 .LBB2_4-.Ltmp1, $4  }
0x281: {  	[tilespmem:s24+$0x1E0] =	vst v9  }
0x282: {  	[tilespmem:s24+$0x1F0] =	vst v5;
	v5 =	vmul.f32 v4, v1;
	v4 =	vmul.f32 v4, v2  }
0x283: {  	v9 =	vld [tilespmem:s23+$0xC0]  }
0x284: {  	v3 =	vbroadcast v3, $0xF;
	v10 =	vld [tilespmem:s23+$0xD0]  }
0x285: {  	_ =	sdelay $0x2  }
0x286: {  	v1 =	vsub.f32 v9, v8  }
0x287: {  	v2 =	vsub.f32 v10, v7  }
0x288: {  	v1 =	vmul.f32 v1, v6  }
0x289: {  	v2 =	vmul.f32 v2, v6  }
0x28a: {  	[tilespmem:s25+$0x240] =	vst v1  }
0x28b: {  	[tilespmem:s25+$0x250] =	vst v2  }
0x28c: {  	v1 =	vld [tilespmem:s26+$0xE0]  }
0x28d: {  	v2 =	vld [tilespmem:s26+$0xF0];
	_ =	sdelay $0x3  }
0x28e: {  	v1 =	vsub.f32 v1, v5  }
0x28f: {  	v2 =	vsub.f32 v2, v4  }
0x290: {  	v1 =	vmul.f32 v1, v3  }
0x291: {  	s22 =	sadd.s32 $0x1, s22;
	v2 =	vmul.f32 v2, v3  }
0x292: {  	p0 =	sne.s32 s22, s10;
	[tilespmem:s25+$0x2A0] =	vst v1  }
.Ltmp2:
0x293: {  	[tilespmem:s25+$0x2B0] =	vst v2;
	(pc) =	sbr.rel @p0 .LBB2_1-.Ltmp2, $4  }
0x294: {  	[hbm4b:s9+s2] =	stream.linear.scatter [tilespmem:s21], [sflag:$0x2], $0xC000, $0x38;
	[tilespmem:$0x13F60] =	vst v63  }
0x295: {  	_ =	swait.ge [sflag:s13], $0xC000  }
0x296: {  	[sflag:s13] =	ssyncset.done $0x0  }
0x297: {  	[sflag:s13] =	ssyncadd.s32 $0xFFFF4000  }
0x298: {  	_ =	sfence.sel $0x180000  }
0x299: {  	[bflag:$0x0] =	sbarrier.arrive $0xFFFF  }
0x29a: {  	_ =	strace $0x90000047  }
0x29b: {  	s0 =	stileid.u32;
	[bflag:$0x2] =	sbarrier.arrive $0xFFFF  }
0x29c: {  	p0 =	sne.s32 s0, $0x0;
	s0 =	rddreg [dreg:$0x4]  }
0x29d: {  	s0 =	sadd.s32 @!p0 $0x100000, s0  }
0x29e: {  	[sflag:s0] =	ssyncadd.tile.s32 @!p0 $0x1;
	_ =	shalt  }
.Lfunc_end2:
_tile_overlayer_lowered:
.L_overlay_start_2:
0x29f: {  	(tag) =	ssettag $0x2  }
0x2a0: {  	s0 =	rddreg [dreg:$0x0];
	s2 =	stileid.u32  }
0x2a1: {  	s1 =	rddreg [dreg:$0x1];
	p0 =	sne.s32 s2, $0x0  }
0x2a2: {  	s3 =	rddreg [dreg:$0x2];
	[bflag:$0x3] =	sbarrier.arrive $0xFFFF;
	s2 =	simm.s32 @!p0 $0x1C02  }
0x2a3: {  	[timem:s3], [sflag:s2] =	dma.local @!p0 [hbm:s0], s1  }
0x2a4: {  	s0 =	simm.s32 @!p0 $0x2  }
0x2a5: {  	_ =	swait.ge @!p0 [sflag:s0], s1  }
0x2a6: {  	s1 =	ssub.s32 @!p0 $0x0, s1;
	[sflag:s0] =	ssyncset.done @!p0 $0x0  }
0x2a7: {  	[sflag:s0] =	ssyncadd.s32 @!p0 s1  }
0x2a8: {  	[bflag:$0x3] =	sbarrier.arrive $0xFFFF  }
0x2a9: {  	_ =	shalt  }

</sc_bundles>
